<compile_context>
chip_gen: v7x
topology: tpu7x:2x2x1
jax: 0.10.2.dev20260603
libtpu: 0.0.44.dev20260713+nightly
codegen_flags: <defaults>
</compile_context>

<pallas_src>
import functools

import jax
import jax.numpy as jnp
from jax import lax
from jax.experimental import pallas as pl
from jax.experimental.pallas import tpu as pltpu
from jax.experimental.pallas import tpu_sc as plsc

B = 4
N = 10000
E = 320000
DV = 128
DE = 16
DC = 32

GT = 2
CT = 2500

SC_CT = 200
QW = 4
TQ = SC_CT // QW
ECH_T = 25
NCH = TQ // ECH_T

TC_CT = CT - SC_CT
VCH = 10000
NVB = N // VCH
NVSTEP = B * NVB
NESTEP = B
NSTEPS = NVSTEP + NESTEP

_sc_mesh = plsc.VectorSubcoreMesh(core_axis_name="c", subcore_axis_name="s")


@functools.partial(
    pl.kernel,
    out_type=jax.ShapeDtypeStruct((B, GT, QW, 8, 16), jnp.float32),
    mesh=_sc_mesh,
    scratch_types=[
        pltpu.VMEM((2, ECH_T, 8, 128), jnp.float32),
        pltpu.VMEM((8, 16), jnp.float32),
        pltpu.SemaphoreType.DMA,
        pltpu.SemaphoreType.DMA,
    ],
    compiler_params=pltpu.CompilerParams(use_tc_tiling_on_sc=False),
)
def _sc_edge(e_hbm, eout_hbm, ebuf, est, sem0, sem1):
    wid = lax.axis_index("s") * 2 + lax.axis_index("c")
    bi = wid // (GT * QW)
    gi = (wid // QW) % GT
    qi = wid % QW
    sems = (sem0, sem1)
    tbase = TC_CT + qi * TQ

    for c in range(2):
        pltpu.async_copy(
            e_hbm.at[bi, gi, pl.ds(tbase + c * ECH_T, ECH_T), :, :],
            ebuf.at[c], sems[c])

    def _chunk(slot, accs):
        def body(t, a):
            return tuple(
                a[s * 8 + m] + ebuf[slot, t, s, pl.ds(m * 16, 16)]
                for s in range(8) for m in range(8))
        return lax.fori_loop(0, ECH_T, body, accs)

    accs = tuple(jnp.zeros((16,), jnp.float32) for _ in range(64))
    for c in range(NCH):
        slot = c % 2
        pltpu.make_async_copy(
            e_hbm.at[bi, gi, pl.ds(tbase + c * ECH_T, ECH_T), :, :],
            ebuf.at[slot], sems[slot]).wait()
        accs = _chunk(slot, accs)
        if c + 2 < NCH:
            pltpu.async_copy(
                e_hbm.at[bi, gi, pl.ds(tbase + (c + 2) * ECH_T, ECH_T), :, :],
                ebuf.at[slot], sems[slot])

    for s in range(8):
        tot = accs[s * 8]
        for m in range(1, 8):
            tot = tot + accs[s * 8 + m]
        est[s, :] = tot
    pltpu.sync_copy(est, eout_hbm.at[bi, gi, qi])


def _tc_reduce(v_ref, e_ref, vsum_ref, esum_ref, acc_v, acc_e):
    i = pl.program_id(0)

    @pl.when(i == 0)
    def _init():
        acc_v[...] = jnp.zeros_like(acc_v)
        acc_e[...] = jnp.zeros_like(acc_e)

    @pl.when(i < NVSTEP)
    def _vstep():
        acc_v[i] += jnp.sum(v_ref[0].reshape(VCH // 8, 8, 128), axis=0)

    @pl.when(i >= NVSTEP)
    def _estep():
        j = i - NVSTEP
        acc_e[j] += jnp.sum(e_ref[0], axis=1)

    @pl.when(i == NSTEPS - 1)
    def _out():
        vsum_ref[...] = acc_v[...]
        esum_ref[...] = acc_e[...]


def _tc_finish(ctx_ref, vs_ref, es_ref, scp_ref, w_ref, b_ref, out_ref):
    v_agg = jnp.sum(vs_ref[...], axis=1) * (1.0 / N)
    e_tc = jnp.sum(es_ref[...], axis=3)
    e_sc = jnp.sum(scp_ref[...], axis=(2, 4))
    e_agg = (e_tc + e_sc).reshape(B, DE) * (1.0 / E)
    ctx = ctx_ref[...][:, 0, :]
    w = w_ref[...]
    out = (
        jnp.dot(ctx, w[:DC], preferred_element_type=jnp.float32)
        + jnp.dot(v_agg, w[DC:DC + DV], preferred_element_type=jnp.float32)
        + jnp.dot(e_agg, w[DC + DV:], preferred_element_type=jnp.float32)
        + b_ref[...][None, :]
    )
    out_ref[...] = out[:, None, :]


@jax.jit
def kernel(context, vertex_data, edge_data, W, b):
    e_view = edge_data.reshape(B, CT, 128, GT, 8).transpose(0, 3, 1, 4, 2)

    sc_part = _sc_edge(e_view)

    def emap(i):
        j = jnp.maximum(i - NVSTEP, 0)
        return (j, 0, 0, 0, 0)

    def vmap_(i):
        return (jnp.minimum(i, NVSTEP - 1), 0, 0)

    vsum, esum = pl.pallas_call(
        _tc_reduce,
        grid=(NSTEPS,),
        in_specs=[
            pl.BlockSpec((1, VCH, DV), vmap_),
            pl.BlockSpec((1, GT, TC_CT, 8, 128), emap),
        ],
        out_specs=[
            pl.BlockSpec((B, 8, DV), lambda i: (0, 0, 0)),
            pl.BlockSpec((B, GT, 8, 128), lambda i: (0, 0, 0, 0)),
        ],
        out_shape=[
            jax.ShapeDtypeStruct((B, 8, DV), jnp.float32),
            jax.ShapeDtypeStruct((B, GT, 8, 128), jnp.float32),
        ],
        scratch_shapes=[
            pltpu.VMEM((B, 8, DV), jnp.float32),
            pltpu.VMEM((B, GT, 8, 128), jnp.float32),
        ],
        compiler_params=pltpu.CompilerParams(
            dimension_semantics=("arbitrary",),
            vmem_limit_bytes=56 * 1024 * 1024,
            skip_device_barrier=True,
        ),
    )(vertex_data, e_view)

    return pl.pallas_call(
        _tc_finish,
        out_shape=jax.ShapeDtypeStruct((B, 1, DC), jnp.float32),
    )(context, vsum, esum, sc_part, W, b)

# --- scband reference (transcript-rebuilt; emitter-appended) ---
"""Pipeline reference for scband-global-block-84069689852539 (READ-ONLY COPY).

The authoritative reference and input builder live on the scoring server;
editing this copy changes nothing except your own understanding.
"""

import jax, jax.numpy as jnp
import numpy as np

B = 4
N = 10000
E = 320000
DV = 128
DE = 16
DC = 32
DIN = DC + DV + DE  # 176


def setup_inputs(seed: int = 0) -> dict:
    key = jax.random.key(seed)
    k1, k2, k3, k4, k5 = jax.random.split(key, 5)
    context = jax.random.normal(k1, (B, 1, DC), dtype=jnp.float32)
    vertex_data = jax.random.normal(k2, (B, N, DV), dtype=jnp.float32)
    edge_data = jax.random.normal(k3, (B, E, DE), dtype=jnp.float32)
    W = jax.random.normal(k4, (DIN, DC), dtype=jnp.float32) * (1.0 / np.sqrt(DIN))
    b = jax.random.normal(k5, (DC,), dtype=jnp.float32) * 0.01
    return {"context": context, "vertex_data": vertex_data, "edge_data": edge_data, "W": W, "b": b}


def reference(context, vertex_data, edge_data, W, b):
    # GlobalBlock (non-independent): per-graph mean aggregation of vertex and
    # edge data, stacked over the batch of graphs (already batched here),
    # concatenated with the context tensor along dim=2, then fed to the
    # context updater (a Linear layer).
    v_agg = jnp.mean(vertex_data, axis=1, keepdims=True)   # [B, 1, DV]
    e_agg = jnp.mean(edge_data, axis=1, keepdims=True)     # [B, 1, DE]
    tin = jnp.concatenate([context, v_agg, e_agg], axis=2)  # [B, 1, DC+DV+DE]
    tout = jnp.dot(tin, W) + b                               # [B, 1, DC]
    return tout

if __name__ == "__main__":
    import jax
    _d = setup_inputs()
    print(jax.jit(kernel)(*tuple(_d.values())))

</pallas_src>

<mosaic_0001>
#map = affine_map<(d0, d1) -> (0, 0, 0, 0, 0)>
module attributes {stable_mosaic.version = 14 : i64} {
  func.func @_sc_edge(%arg0: i32, %arg1: i32, %arg2: memref<4x2x2500x8x128xf32, #tpu.memory_space<hbm>>, %arg3: memref<4x2x4x8x16xf32, #tpu.memory_space<hbm>>, %arg4: memref<2x25x8x128xf32, #tpu.memory_space<vmem>>, %arg5: memref<8x16xf32, #tpu.memory_space<vmem>>, %arg6: memref<!tpu.dma_semaphore, #tpu.memory_space<semaphore_mem>>, %arg7: memref<!tpu.dma_semaphore, #tpu.memory_space<semaphore_mem>>) attributes {dimension_semantics = [#tpu.dimension_semantics<core_parallel>, #tpu.dimension_semantics<subcore_parallel>], iteration_bounds = array<i64: 2, 16>, scalar_prefetch = 0 : i64, scratch_operands = 4 : i64, tpu.core_type = #tpu.core_type<sc_vector_subcore>, window_params = [{transform_indices = #map}, {transform_indices = #map}]} {
    %mul3A = arith.constant 2 : i32
    %mul3A_0 = arith.muli %arg1, %mul3A : i32
    %add3A = arith.addi %mul3A_0, %arg0 : i32
    %jit3A = arith.constant 8 : i32
    %div3A = arith.divsi %add3A, %jit3A : i32
    %sign3A = arith.constant 0 : i32
    %sign3A_1 = arith.cmpi sgt, %add3A, %sign3A : i32
    %sign3A_2 = arith.extui %sign3A_1 : i1 to i32
    %sign3A_3 = arith.constant 0 : i32
    %sign3A_4 = arith.cmpi slt, %add3A, %sign3A_3 : i32
    %sign3A_5 = arith.extui %sign3A_4 : i1 to i32
    %sign3A_6 = arith.subi %sign3A_2, %sign3A_5 : i32
    %sign3A_7 = arith.constant 0 : i32
    %sign3A_8 = arith.cmpi sgt, %jit3A, %sign3A_7 : i32
    %sign3A_9 = arith.extui %sign3A_8 : i1 to i32
    %sign3A_10 = arith.constant 0 : i32
    %sign3A_11 = arith.cmpi slt, %jit3A, %sign3A_10 : i32
    %sign3A_12 = arith.extui %sign3A_11 : i1 to i32
    %sign3A_13 = arith.subi %sign3A_9, %sign3A_12 : i32
    %ne3A = arith.cmpi ne, %sign3A_6, %sign3A_13 : i32
    %rem3A = arith.remsi %add3A, %jit3A : i32
    %ne3A_14 = arith.constant 0 : i32
    %ne3A_15 = arith.cmpi ne, %rem3A, %ne3A_14 : i32
    %and3A = arith.andi %ne3A, %ne3A_15 : i1
    %sub3A = arith.constant 1 : i32
    %sub3A_16 = arith.subi %div3A, %sub3A : i32
    %select_n3A = arith.select %and3A, %sub3A_16, %div3A : i32
    %jit3A_17 = arith.constant 4 : i32
    %div3A_18 = arith.divsi %add3A, %jit3A_17 : i32
    %sign3A_19 = arith.constant 0 : i32
    %sign3A_20 = arith.cmpi sgt, %add3A, %sign3A_19 : i32
    %sign3A_21 = arith.extui %sign3A_20 : i1 to i32
    %sign3A_22 = arith.constant 0 : i32
    %sign3A_23 = arith.cmpi slt, %add3A, %sign3A_22 : i32
    %sign3A_24 = arith.extui %sign3A_23 : i1 to i32
    %sign3A_25 = arith.subi %sign3A_21, %sign3A_24 : i32
    %sign3A_26 = arith.constant 0 : i32
    %sign3A_27 = arith.cmpi sgt, %jit3A_17, %sign3A_26 : i32
    %sign3A_28 = arith.extui %sign3A_27 : i1 to i32
    %sign3A_29 = arith.constant 0 : i32
    %sign3A_30 = arith.cmpi slt, %jit3A_17, %sign3A_29 : i32
    %sign3A_31 = arith.extui %sign3A_30 : i1 to i32
    %sign3A_32 = arith.subi %sign3A_28, %sign3A_31 : i32
    %ne3A_33 = arith.cmpi ne, %sign3A_25, %sign3A_32 : i32
    %rem3A_34 = arith.remsi %add3A, %jit3A_17 : i32
    %ne3A_35 = arith.constant 0 : i32
    %ne3A_36 = arith.cmpi ne, %rem3A_34, %ne3A_35 : i32
    %and3A_37 = arith.andi %ne3A_33, %ne3A_36 : i1
    %sub3A_38 = arith.constant 1 : i32
    %sub3A_39 = arith.subi %div3A_18, %sub3A_38 : i32
    %select_n3A_40 = arith.select %and3A_37, %sub3A_39, %div3A_18 : i32
    %jit3A_41 = arith.constant 2 : i32
    %eq3A = arith.constant 0 : i32
    %eq3A_42 = arith.cmpi eq, %jit3A_41, %eq3A : i32
    %jit3A_43 = arith.constant 1 : i32
    %select_n3A_44 = arith.select %eq3A_42, %jit3A_43, %jit3A_41 : i32
    %rem3A_45 = arith.remsi %select_n3A_40, %select_n3A_44 : i32
    %ne3A_46 = arith.constant 0 : i32
    %ne3A_47 = arith.cmpi ne, %rem3A_45, %ne3A_46 : i32
    %lt3A = arith.constant 0 : i32
    %lt3A_48 = arith.cmpi slt, %rem3A_45, %lt3A : i32
    %lt3A_49 = arith.constant 0 : i32
    %lt3A_50 = arith.cmpi slt, %select_n3A_44, %lt3A_49 : i32
    %ne3A_51 = arith.xori %lt3A_48, %lt3A_50 : i1
    %and3A_52 = arith.andi %ne3A_51, %ne3A_47 : i1
    %add3A_53 = arith.addi %rem3A_45, %select_n3A_44 : i32
    %select_n3A_54 = arith.select %and3A_52, %add3A_53, %rem3A_45 : i32
    %jit3A_55 = arith.constant 4 : i32
    %eq3A_56 = arith.constant 0 : i32
    %eq3A_57 = arith.cmpi eq, %jit3A_55, %eq3A_56 : i32
    %jit3A_58 = arith.constant 1 : i32
    %select_n3A_59 = arith.select %eq3A_57, %jit3A_58, %jit3A_55 : i32
    %rem3A_60 = arith.remsi %add3A, %select_n3A_59 : i32
    %ne3A_61 = arith.constant 0 : i32
    %ne3A_62 = arith.cmpi ne, %rem3A_60, %ne3A_61 : i32
    %lt3A_63 = arith.constant 0 : i32
    %lt3A_64 = arith.cmpi slt, %rem3A_60, %lt3A_63 : i32
    %lt3A_65 = arith.constant 0 : i32
    %lt3A_66 = arith.cmpi slt, %select_n3A_59, %lt3A_65 : i32
    %ne3A_67 = arith.xori %lt3A_64, %lt3A_66 : i1
    %and3A_68 = arith.andi %ne3A_67, %ne3A_62 : i1
    %add3A_69 = arith.addi %rem3A_60, %select_n3A_59 : i32
    %select_n3A_70 = arith.select %and3A_68, %add3A_69, %rem3A_60 : i32
    %mul3A_71 = arith.constant 50 : i32
    %mul3A_72 = arith.muli %select_n3A_70, %mul3A_71 : i32
    %add3A_73 = arith.constant 2300 : i32
    %add3A_74 = arith.addi %add3A_73, %mul3A_72 : i32
    %add3A_75 = arith.constant 0 : i32
    %add3A_76 = arith.addi %add3A_74, %add3A_75 : i32
    %dma_start3A = arith.constant 0 : i32
    %dma_start3A_77 = arith.constant 0 : i32
    %dma_start3A_78 = arith.constant 0 : i32
    %dma_start3A_79 = arith.constant 0 : i32
    %dma_start3A_80 = tpu.memref_slice %arg4[%dma_start3A, %dma_start3A_77, %dma_start3A_78, %dma_start3A_79] : memref<2x25x8x128xf32, #tpu.memory_space<vmem>> -> memref<1x25x8x128xf32, #tpu.memory_space<vmem>>
    %dma_start3A_81 = tpu.memref_squeeze %dma_start3A_80 : memref<1x25x8x128xf32, #tpu.memory_space<vmem>> -> memref<25x8x128xf32, #tpu.memory_space<vmem>>
    %dma_start3A_82 = arith.constant 0 : i32
    %dma_start3A_83 = arith.constant 0 : i32
    %dma_start3A_84 = tpu.memref_slice %arg2[%select_n3A, %select_n3A_54, %add3A_76, %dma_start3A_82, %dma_start3A_83] : memref<4x2x2500x8x128xf32, #tpu.memory_space<hbm>> -> memref<1x1x25x8x128xf32, #tpu.memory_space<hbm>>
    %dma_start3A_85 = tpu.memref_squeeze %dma_start3A_84 : memref<1x1x25x8x128xf32, #tpu.memory_space<hbm>> -> memref<25x8x128xf32, #tpu.memory_space<hbm>>
    %dma_start3A_86 = arith.constant 0 : i32
    %dma_start3A_87 = arith.constant 0 : i32
    %dma_start3A_88 = arith.constant 0 : i32
    %dma_start3A_89 = tpu.memref_slice %arg4[%dma_start3A, %dma_start3A_86, %dma_start3A_87, %dma_start3A_88] : memref<2x25x8x128xf32, #tpu.memory_space<vmem>> -> memref<1x25x8x128xf32, #tpu.memory_space<vmem>>
    %dma_start3A_90 = tpu.memref_squeeze %dma_start3A_89 : memref<1x25x8x128xf32, #tpu.memory_space<vmem>> -> memref<25x8x128xf32, #tpu.memory_space<vmem>>
    %dma_start3A_91 = arith.constant 0 : i32
    %dma_start3A_92 = arith.constant 0 : i32
    %dma_start3A_93 = tpu.memref_slice %arg2[%select_n3A, %select_n3A_54, %add3A_76, %dma_start3A_91, %dma_start3A_92] : memref<4x2x2500x8x128xf32, #tpu.memory_space<hbm>> -> memref<1x1x25x8x128xf32, #tpu.memory_space<hbm>>
    %dma_start3A_94 = tpu.memref_squeeze %dma_start3A_93 : memref<1x1x25x8x128xf32, #tpu.memory_space<hbm>> -> memref<25x8x128xf32, #tpu.memory_space<hbm>>
    tpu.enqueue_dma source(%dma_start3A_94 : memref<25x8x128xf32, #tpu.memory_space<hbm>>) target(%dma_start3A_90 : memref<25x8x128xf32, #tpu.memory_space<vmem>>) target_semaphore(%arg6 : memref<!tpu.dma_semaphore, #tpu.memory_space<semaphore_mem>>)
    %add3A_95 = arith.constant 25 : i32
    %add3A_96 = arith.addi %add3A_74, %add3A_95 : i32
    %dma_start3A_97 = arith.constant 1 : i32
    %dma_start3A_98 = arith.constant 0 : i32
    %dma_start3A_99 = arith.constant 0 : i32
    %dma_start3A_100 = arith.constant 0 : i32
    %dma_start3A_101 = tpu.memref_slice %arg4[%dma_start3A_97, %dma_start3A_98, %dma_start3A_99, %dma_start3A_100] : memref<2x25x8x128xf32, #tpu.memory_space<vmem>> -> memref<1x25x8x128xf32, #tpu.memory_space<vmem>>
    %dma_start3A_102 = tpu.memref_squeeze %dma_start3A_101 : memref<1x25x8x128xf32, #tpu.memory_space<vmem>> -> memref<25x8x128xf32, #tpu.memory_space<vmem>>
    %dma_start3A_103 = arith.constant 0 : i32
    %dma_start3A_104 = arith.constant 0 : i32
    %dma_start3A_105 = tpu.memref_slice %arg2[%select_n3A, %select_n3A_54, %add3A_96, %dma_start3A_103, %dma_start3A_104] : memref<4x2x2500x8x128xf32, #tpu.memory_space<hbm>> -> memref<1x1x25x8x128xf32, #tpu.memory_space<hbm>>
    %dma_start3A_106 = tpu.memref_squeeze %dma_start3A_105 : memref<1x1x25x8x128xf32, #tpu.memory_space<hbm>> -> memref<25x8x128xf32, #tpu.memory_space<hbm>>
    %dma_start3A_107 = arith.constant 0 : i32
    %dma_start3A_108 = arith.constant 0 : i32
    %dma_start3A_109 = arith.constant 0 : i32
    %dma_start3A_110 = tpu.memref_slice %arg4[%dma_start3A_97, %dma_start3A_107, %dma_start3A_108, %dma_start3A_109] : memref<2x25x8x128xf32, #tpu.memory_space<vmem>> -> memref<1x25x8x128xf32, #tpu.memory_space<vmem>>
    %dma_start3A_111 = tpu.memref_squeeze %dma_start3A_110 : memref<1x25x8x128xf32, #tpu.memory_space<vmem>> -> memref<25x8x128xf32, #tpu.memory_space<vmem>>
    %dma_start3A_112 = arith.constant 0 : i32
    %dma_start3A_113 = arith.constant 0 : i32
    %dma_start3A_114 = tpu.memref_slice %arg2[%select_n3A, %select_n3A_54, %add3A_96, %dma_start3A_112, %dma_start3A_113] : memref<4x2x2500x8x128xf32, #tpu.memory_space<hbm>> -> memref<1x1x25x8x128xf32, #tpu.memory_space<hbm>>
    %dma_start3A_115 = tpu.memref_squeeze %dma_start3A_114 : memref<1x1x25x8x128xf32, #tpu.memory_space<hbm>> -> memref<25x8x128xf32, #tpu.memory_space<hbm>>
    tpu.enqueue_dma source(%dma_start3A_115 : memref<25x8x128xf32, #tpu.memory_space<hbm>>) target(%dma_start3A_111 : memref<25x8x128xf32, #tpu.memory_space<vmem>>) target_semaphore(%arg7 : memref<!tpu.dma_semaphore, #tpu.memory_space<semaphore_mem>>)
    %broadcast_in_dim3A = arith.constant 0.000000e+00 : f32
    %broadcast_in_dim3A_116 = vector.broadcast %broadcast_in_dim3A : f32 to vector<16xf32>
    %broadcast_in_dim3A_117 = arith.constant 0.000000e+00 : f32
    %broadcast_in_dim3A_118 = vector.broadcast %broadcast_in_dim3A_117 : f32 to vector<16xf32>
    %broadcast_in_dim3A_119 = arith.constant 0.000000e+00 : f32
    %broadcast_in_dim3A_120 = vector.broadcast %broadcast_in_dim3A_119 : f32 to vector<16xf32>
    %broadcast_in_dim3A_121 = arith.constant 0.000000e+00 : f32
    %broadcast_in_dim3A_122 = vector.broadcast %broadcast_in_dim3A_121 : f32 to vector<16xf32>
    %broadcast_in_dim3A_123 = arith.constant 0.000000e+00 : f32
    %broadcast_in_dim3A_124 = vector.broadcast %broadcast_in_dim3A_123 : f32 to vector<16xf32>
    %broadcast_in_dim3A_125 = arith.constant 0.000000e+00 : f32
    %broadcast_in_dim3A_126 = vector.broadcast %broadcast_in_dim3A_125 : f32 to vector<16xf32>
    %broadcast_in_dim3A_127 = arith.constant 0.000000e+00 : f32
    %broadcast_in_dim3A_128 = vector.broadcast %broadcast_in_dim3A_127 : f32 to vector<16xf32>
    %broadcast_in_dim3A_129 = arith.constant 0.000000e+00 : f32
    %broadcast_in_dim3A_130 = vector.broadcast %broadcast_in_dim3A_129 : f32 to vector<16xf32>
    %broadcast_in_dim3A_131 = arith.constant 0.000000e+00 : f32
    %broadcast_in_dim3A_132 = vector.broadcast %broadcast_in_dim3A_131 : f32 to vector<16xf32>
    %broadcast_in_dim3A_133 = arith.constant 0.000000e+00 : f32
    %broadcast_in_dim3A_134 = vector.broadcast %broadcast_in_dim3A_133 : f32 to vector<16xf32>
    %broadcast_in_dim3A_135 = arith.constant 0.000000e+00 : f32
    %broadcast_in_dim3A_136 = vector.broadcast %broadcast_in_dim3A_135 : f32 to vector<16xf32>
    %broadcast_in_dim3A_137 = arith.constant 0.000000e+00 : f32
    %broadcast_in_dim3A_138 = vector.broadcast %broadcast_in_dim3A_137 : f32 to vector<16xf32>
    %broadcast_in_dim3A_139 = arith.constant 0.000000e+00 : f32
    %broadcast_in_dim3A_140 = vector.broadcast %broadcast_in_dim3A_139 : f32 to vector<16xf32>
    %broadcast_in_dim3A_141 = arith.constant 0.000000e+00 : f32
    %broadcast_in_dim3A_142 = vector.broadcast %broadcast_in_dim3A_141 : f32 to vector<16xf32>
    %broadcast_in_dim3A_143 = arith.constant 0.000000e+00 : f32
    %broadcast_in_dim3A_144 = vector.broadcast %broadcast_in_dim3A_143 : f32 to vector<16xf32>
    %broadcast_in_dim3A_145 = arith.constant 0.000000e+00 : f32
    %broadcast_in_dim3A_146 = vector.broadcast %broadcast_in_dim3A_145 : f32 to vector<16xf32>
    %broadcast_in_dim3A_147 = arith.constant 0.000000e+00 : f32
    %broadcast_in_dim3A_148 = vector.broadcast %broadcast_in_dim3A_147 : f32 to vector<16xf32>
    %broadcast_in_dim3A_149 = arith.constant 0.000000e+00 : f32
    %broadcast_in_dim3A_150 = vector.broadcast %broadcast_in_dim3A_149 : f32 to vector<16xf32>
    %broadcast_in_dim3A_151 = arith.constant 0.000000e+00 : f32
    %broadcast_in_dim3A_152 = vector.broadcast %broadcast_in_dim3A_151 : f32 to vector<16xf32>
    %broadcast_in_dim3A_153 = arith.constant 0.000000e+00 : f32
    %broadcast_in_dim3A_154 = vector.broadcast %broadcast_in_dim3A_153 : f32 to vector<16xf32>
    %broadcast_in_dim3A_155 = arith.constant 0.000000e+00 : f32
    %broadcast_in_dim3A_156 = vector.broadcast %broadcast_in_dim3A_155 : f32 to vector<16xf32>
    %broadcast_in_dim3A_157 = arith.constant 0.000000e+00 : f32
    %broadcast_in_dim3A_158 = vector.broadcast %broadcast_in_dim3A_157 : f32 to vector<16xf32>
    %broadcast_in_dim3A_159 = arith.constant 0.000000e+00 : f32
    %broadcast_in_dim3A_160 = vector.broadcast %broadcast_in_dim3A_159 : f32 to vector<16xf32>
    %broadcast_in_dim3A_161 = arith.constant 0.000000e+00 : f32
    %broadcast_in_dim3A_162 = vector.broadcast %broadcast_in_dim3A_161 : f32 to vector<16xf32>
    %broadcast_in_dim3A_163 = arith.constant 0.000000e+00 : f32
    %broadcast_in_dim3A_164 = vector.broadcast %broadcast_in_dim3A_163 : f32 to vector<16xf32>
    %broadcast_in_dim3A_165 = arith.constant 0.000000e+00 : f32
    %broadcast_in_dim3A_166 = vector.broadcast %broadcast_in_dim3A_165 : f32 to vector<16xf32>
    %broadcast_in_dim3A_167 = arith.constant 0.000000e+00 : f32
    %broadcast_in_dim3A_168 = vector.broadcast %broadcast_in_dim3A_167 : f32 to vector<16xf32>
    %broadcast_in_dim3A_169 = arith.constant 0.000000e+00 : f32
    %broadcast_in_dim3A_170 = vector.broadcast %broadcast_in_dim3A_169 : f32 to vector<16xf32>
    %broadcast_in_dim3A_171 = arith.constant 0.000000e+00 : f32
    %broadcast_in_dim3A_172 = vector.broadcast %broadcast_in_dim3A_171 : f32 to vector<16xf32>
    %broadcast_in_dim3A_173 = arith.constant 0.000000e+00 : f32
    %broadcast_in_dim3A_174 = vector.broadcast %broadcast_in_dim3A_173 : f32 to vector<16xf32>
    %broadcast_in_dim3A_175 = arith.constant 0.000000e+00 : f32
    %broadcast_in_dim3A_176 = vector.broadcast %broadcast_in_dim3A_175 : f32 to vector<16xf32>
    %broadcast_in_dim3A_177 = arith.constant 0.000000e+00 : f32
    %broadcast_in_dim3A_178 = vector.broadcast %broadcast_in_dim3A_177 : f32 to vector<16xf32>
    %broadcast_in_dim3A_179 = arith.constant 0.000000e+00 : f32
    %broadcast_in_dim3A_180 = vector.broadcast %broadcast_in_dim3A_179 : f32 to vector<16xf32>
    %broadcast_in_dim3A_181 = arith.constant 0.000000e+00 : f32
    %broadcast_in_dim3A_182 = vector.broadcast %broadcast_in_dim3A_181 : f32 to vector<16xf32>
    %broadcast_in_dim3A_183 = arith.constant 0.000000e+00 : f32
    %broadcast_in_dim3A_184 = vector.broadcast %broadcast_in_dim3A_183 : f32 to vector<16xf32>
    %broadcast_in_dim3A_185 = arith.constant 0.000000e+00 : f32
    %broadcast_in_dim3A_186 = vector.broadcast %broadcast_in_dim3A_185 : f32 to vector<16xf32>
    %broadcast_in_dim3A_187 = arith.constant 0.000000e+00 : f32
    %broadcast_in_dim3A_188 = vector.broadcast %broadcast_in_dim3A_187 : f32 to vector<16xf32>
    %broadcast_in_dim3A_189 = arith.constant 0.000000e+00 : f32
    %broadcast_in_dim3A_190 = vector.broadcast %broadcast_in_dim3A_189 : f32 to vector<16xf32>
    %broadcast_in_dim3A_191 = arith.constant 0.000000e+00 : f32
    %broadcast_in_dim3A_192 = vector.broadcast %broadcast_in_dim3A_191 : f32 to vector<16xf32>
    %broadcast_in_dim3A_193 = arith.constant 0.000000e+00 : f32
    %broadcast_in_dim3A_194 = vector.broadcast %broadcast_in_dim3A_193 : f32 to vector<16xf32>
    %broadcast_in_dim3A_195 = arith.constant 0.000000e+00 : f32
    %broadcast_in_dim3A_196 = vector.broadcast %broadcast_in_dim3A_195 : f32 to vector<16xf32>
    %broadcast_in_dim3A_197 = arith.constant 0.000000e+00 : f32
    %broadcast_in_dim3A_198 = vector.broadcast %broadcast_in_dim3A_197 : f32 to vector<16xf32>
    %broadcast_in_dim3A_199 = arith.constant 0.000000e+00 : f32
    %broadcast_in_dim3A_200 = vector.broadcast %broadcast_in_dim3A_199 : f32 to vector<16xf32>
    %broadcast_in_dim3A_201 = arith.constant 0.000000e+00 : f32
    %broadcast_in_dim3A_202 = vector.broadcast %broadcast_in_dim3A_201 : f32 to vector<16xf32>
    %broadcast_in_dim3A_203 = arith.constant 0.000000e+00 : f32
    %broadcast_in_dim3A_204 = vector.broadcast %broadcast_in_dim3A_203 : f32 to vector<16xf32>
    %broadcast_in_dim3A_205 = arith.constant 0.000000e+00 : f32
    %broadcast_in_dim3A_206 = vector.broadcast %broadcast_in_dim3A_205 : f32 to vector<16xf32>
    %broadcast_in_dim3A_207 = arith.constant 0.000000e+00 : f32
    %broadcast_in_dim3A_208 = vector.broadcast %broadcast_in_dim3A_207 : f32 to vector<16xf32>
    %broadcast_in_dim3A_209 = arith.constant 0.000000e+00 : f32
    %broadcast_in_dim3A_210 = vector.broadcast %broadcast_in_dim3A_209 : f32 to vector<16xf32>
    %broadcast_in_dim3A_211 = arith.constant 0.000000e+00 : f32
    %broadcast_in_dim3A_212 = vector.broadcast %broadcast_in_dim3A_211 : f32 to vector<16xf32>
    %broadcast_in_dim3A_213 = arith.constant 0.000000e+00 : f32
    %broadcast_in_dim3A_214 = vector.broadcast %broadcast_in_dim3A_213 : f32 to vector<16xf32>
    %broadcast_in_dim3A_215 = arith.constant 0.000000e+00 : f32
    %broadcast_in_dim3A_216 = vector.broadcast %broadcast_in_dim3A_215 : f32 to vector<16xf32>
    %broadcast_in_dim3A_217 = arith.constant 0.000000e+00 : f32
    %broadcast_in_dim3A_218 = vector.broadcast %broadcast_in_dim3A_217 : f32 to vector<16xf32>
    %broadcast_in_dim3A_219 = arith.constant 0.000000e+00 : f32
    %broadcast_in_dim3A_220 = vector.broadcast %broadcast_in_dim3A_219 : f32 to vector<16xf32>
    %broadcast_in_dim3A_221 = arith.constant 0.000000e+00 : f32
    %broadcast_in_dim3A_222 = vector.broadcast %broadcast_in_dim3A_221 : f32 to vector<16xf32>
    %broadcast_in_dim3A_223 = arith.constant 0.000000e+00 : f32
    %broadcast_in_dim3A_224 = vector.broadcast %broadcast_in_dim3A_223 : f32 to vector<16xf32>
    %broadcast_in_dim3A_225 = arith.constant 0.000000e+00 : f32
    %broadcast_in_dim3A_226 = vector.broadcast %broadcast_in_dim3A_225 : f32 to vector<16xf32>
    %broadcast_in_dim3A_227 = arith.constant 0.000000e+00 : f32
    %broadcast_in_dim3A_228 = vector.broadcast %broadcast_in_dim3A_227 : f32 to vector<16xf32>
    %broadcast_in_dim3A_229 = arith.constant 0.000000e+00 : f32
    %broadcast_in_dim3A_230 = vector.broadcast %broadcast_in_dim3A_229 : f32 to vector<16xf32>
    %broadcast_in_dim3A_231 = arith.constant 0.000000e+00 : f32
    %broadcast_in_dim3A_232 = vector.broadcast %broadcast_in_dim3A_231 : f32 to vector<16xf32>
    %broadcast_in_dim3A_233 = arith.constant 0.000000e+00 : f32
    %broadcast_in_dim3A_234 = vector.broadcast %broadcast_in_dim3A_233 : f32 to vector<16xf32>
    %broadcast_in_dim3A_235 = arith.constant 0.000000e+00 : f32
    %broadcast_in_dim3A_236 = vector.broadcast %broadcast_in_dim3A_235 : f32 to vector<16xf32>
    %broadcast_in_dim3A_237 = arith.constant 0.000000e+00 : f32
    %broadcast_in_dim3A_238 = vector.broadcast %broadcast_in_dim3A_237 : f32 to vector<16xf32>
    %broadcast_in_dim3A_239 = arith.constant 0.000000e+00 : f32
    %broadcast_in_dim3A_240 = vector.broadcast %broadcast_in_dim3A_239 : f32 to vector<16xf32>
    %broadcast_in_dim3A_241 = arith.constant 0.000000e+00 : f32
    %broadcast_in_dim3A_242 = vector.broadcast %broadcast_in_dim3A_241 : f32 to vector<16xf32>
    %add3A_243 = arith.constant 0 : i32
    %add3A_244 = arith.addi %add3A_74, %add3A_243 : i32
    %dma_wait3A = arith.constant 0 : i32
    %dma_wait3A_245 = arith.constant 0 : i32
    %dma_wait3A_246 = arith.constant 0 : i32
    %dma_wait3A_247 = arith.constant 0 : i32
    %dma_wait3A_248 = tpu.memref_slice %arg4[%dma_wait3A, %dma_wait3A_245, %dma_wait3A_246, %dma_wait3A_247] : memref<2x25x8x128xf32, #tpu.memory_space<vmem>> -> memref<1x25x8x128xf32, #tpu.memory_space<vmem>>
    %dma_wait3A_249 = tpu.memref_squeeze %dma_wait3A_248 : memref<1x25x8x128xf32, #tpu.memory_space<vmem>> -> memref<25x8x128xf32, #tpu.memory_space<vmem>>
    %dma_wait3A_250 = arith.constant 0 : i32
    %dma_wait3A_251 = arith.constant 0 : i32
    %dma_wait3A_252 = tpu.memref_slice %arg2[%select_n3A, %select_n3A_54, %add3A_244, %dma_wait3A_250, %dma_wait3A_251] : memref<4x2x2500x8x128xf32, #tpu.memory_space<hbm>> -> memref<1x1x25x8x128xf32, #tpu.memory_space<hbm>>
    %dma_wait3A_253 = tpu.memref_squeeze %dma_wait3A_252 : memref<1x1x25x8x128xf32, #tpu.memory_space<hbm>> -> memref<25x8x128xf32, #tpu.memory_space<hbm>>
    %dma_wait3A_254 = arith.constant 0 : i32
    %dma_wait3A_255 = arith.constant 0 : i32
    %dma_wait3A_256 = arith.constant 0 : i32
    %dma_wait3A_257 = tpu.memref_slice %arg4[%dma_wait3A, %dma_wait3A_254, %dma_wait3A_255, %dma_wait3A_256] : memref<2x25x8x128xf32, #tpu.memory_space<vmem>> -> memref<1x25x8x128xf32, #tpu.memory_space<vmem>>
    %dma_wait3A_258 = tpu.memref_squeeze %dma_wait3A_257 : memref<1x25x8x128xf32, #tpu.memory_space<vmem>> -> memref<25x8x128xf32, #tpu.memory_space<vmem>>
    %dma_wait3A_259 = arith.constant 0 : i32
    %dma_wait3A_260 = arith.constant 0 : i32
    %dma_wait3A_261 = tpu.memref_slice %arg2[%select_n3A, %select_n3A_54, %add3A_244, %dma_wait3A_259, %dma_wait3A_260] : memref<4x2x2500x8x128xf32, #tpu.memory_space<hbm>> -> memref<1x1x25x8x128xf32, #tpu.memory_space<hbm>>
    %dma_wait3A_262 = tpu.memref_squeeze %dma_wait3A_261 : memref<1x1x25x8x128xf32, #tpu.memory_space<hbm>> -> memref<25x8x128xf32, #tpu.memory_space<hbm>>
    tpu.wait_dma2 semaphore(%arg6 : memref<!tpu.dma_semaphore, #tpu.memory_space<semaphore_mem>>) src(%dma_wait3A_262 : memref<25x8x128xf32, #tpu.memory_space<hbm>>) dst(%dma_wait3A_258 : memref<25x8x128xf32, #tpu.memory_space<vmem>>)
    %scan3A = arith.constant 0 : i32
    %scan3A_263 = arith.constant 25 : i32
    %scan3A_264 = arith.addi %scan3A, %scan3A_263 : i32
    %scan3A_265 = arith.constant 1 : i32
    %scan3A_266:64 = scf.for %scan3A_398 = %scan3A to %scan3A_264 step %scan3A_265 iter_args(%scan3A_399 = %broadcast_in_dim3A_116, %scan3A_400 = %broadcast_in_dim3A_118, %scan3A_401 = %broadcast_in_dim3A_120, %scan3A_402 = %broadcast_in_dim3A_122, %scan3A_403 = %broadcast_in_dim3A_124, %scan3A_404 = %broadcast_in_dim3A_126, %scan3A_405 = %broadcast_in_dim3A_128, %scan3A_406 = %broadcast_in_dim3A_130, %scan3A_407 = %broadcast_in_dim3A_132, %scan3A_408 = %broadcast_in_dim3A_134, %scan3A_409 = %broadcast_in_dim3A_136, %scan3A_410 = %broadcast_in_dim3A_138, %scan3A_411 = %broadcast_in_dim3A_140, %scan3A_412 = %broadcast_in_dim3A_142, %scan3A_413 = %broadcast_in_dim3A_144, %scan3A_414 = %broadcast_in_dim3A_146, %scan3A_415 = %broadcast_in_dim3A_148, %scan3A_416 = %broadcast_in_dim3A_150, %scan3A_417 = %broadcast_in_dim3A_152, %scan3A_418 = %broadcast_in_dim3A_154, %scan3A_419 = %broadcast_in_dim3A_156, %scan3A_420 = %broadcast_in_dim3A_158, %scan3A_421 = %broadcast_in_dim3A_160, %scan3A_422 = %broadcast_in_dim3A_162, %scan3A_423 = %broadcast_in_dim3A_164, %scan3A_424 = %broadcast_in_dim3A_166, %scan3A_425 = %broadcast_in_dim3A_168, %scan3A_426 = %broadcast_in_dim3A_170, %scan3A_427 = %broadcast_in_dim3A_172, %scan3A_428 = %broadcast_in_dim3A_174, %scan3A_429 = %broadcast_in_dim3A_176, %scan3A_430 = %broadcast_in_dim3A_178, %scan3A_431 = %broadcast_in_dim3A_180, %scan3A_432 = %broadcast_in_dim3A_182, %scan3A_433 = %broadcast_in_dim3A_184, %scan3A_434 = %broadcast_in_dim3A_186, %scan3A_435 = %broadcast_in_dim3A_188, %scan3A_436 = %broadcast_in_dim3A_190, %scan3A_437 = %broadcast_in_dim3A_192, %scan3A_438 = %broadcast_in_dim3A_194, %scan3A_439 = %broadcast_in_dim3A_196, %scan3A_440 = %broadcast_in_dim3A_198, %scan3A_441 = %broadcast_in_dim3A_200, %scan3A_442 = %broadcast_in_dim3A_202, %scan3A_443 = %broadcast_in_dim3A_204, %scan3A_444 = %broadcast_in_dim3A_206, %scan3A_445 = %broadcast_in_dim3A_208, %scan3A_446 = %broadcast_in_dim3A_210, %scan3A_447 = %broadcast_in_dim3A_212, %scan3A_448 = %broadcast_in_dim3A_214, %scan3A_449 = %broadcast_in_dim3A_216, %scan3A_450 = %broadcast_in_dim3A_218, %scan3A_451 = %broadcast_in_dim3A_220, %scan3A_452 = %broadcast_in_dim3A_222, %scan3A_453 = %broadcast_in_dim3A_224, %scan3A_454 = %broadcast_in_dim3A_226, %scan3A_455 = %broadcast_in_dim3A_228, %scan3A_456 = %broadcast_in_dim3A_230, %scan3A_457 = %broadcast_in_dim3A_232, %scan3A_458 = %broadcast_in_dim3A_234, %scan3A_459 = %broadcast_in_dim3A_236, %scan3A_460 = %broadcast_in_dim3A_238, %scan3A_461 = %broadcast_in_dim3A_240, %scan3A_462 = %broadcast_in_dim3A_242) -> (vector<16xf32>, vector<16xf32>, vector<16xf32>, vector<16xf32>, vector<16xf32>, vector<16xf32>, vector<16xf32>, vector<16xf32>, vector<16xf32>, vector<16xf32>, vector<16xf32>, vector<16xf32>, vector<16xf32>, vector<16xf32>, vector<16xf32>, vector<16xf32>, vector<16xf32>, vector<16xf32>, vector<16xf32>, vector<16xf32>, vector<16xf32>, vector<16xf32>, vector<16xf32>, vector<16xf32>, vector<16xf32>, vector<16xf32>, vector<16xf32>, vector<16xf32>, vector<16xf32>, vector<16xf32>, vector<16xf32>, vector<16xf32>, vector<16xf32>, vector<16xf32>, vector<16xf32>, vector<16xf32>, vector<16xf32>, vector<16xf32>, vector<16xf32>, vector<16xf32>, vector<16xf32>, vector<16xf32>, vector<16xf32>, vector<16xf32>, vector<16xf32>, vector<16xf32>, vector<16xf32>, vector<16xf32>, vector<16xf32>, vector<16xf32>, vector<16xf32>, vector<16xf32>, vector<16xf32>, vector<16xf32>, vector<16xf32>, vector<16xf32>, vector<16xf32>, vector<16xf32>, vector<16xf32>, vector<16xf32>, vector<16xf32>, vector<16xf32>, vector<16xf32>, vector<16xf32>)  : i32 {
      %get3A = arith.constant 0 : i32
      %get3A_463 = arith.constant 0 : i32
      %get3A_464 = arith.index_cast %get3A : i32 to index
      %get3A_465 = arith.index_cast %scan3A_398 : i32 to index
      %get3A_466 = arith.index_cast %get3A_463 : i32 to index
      %get3A_467 = arith.constant 0 : index
      %get3A_468 = tpu.vector_load %arg4[%get3A_464, %get3A_465, %get3A_466, %get3A_467] {strides = array<i32>} : memref<2x25x8x128xf32, #tpu.memory_space<vmem>>, vector<1x1x1x16xf32>,
      %get3A_469 = vector.shape_cast %get3A_468 : vector<1x1x1x16xf32> to vector<16xf32>
      %add3A_470 = arith.addf %scan3A_399, %get3A_469 : vector<16xf32>
      %get3A_471 = arith.constant 0 : i32
      %get3A_472 = arith.constant 0 : i32
      %get3A_473 = arith.index_cast %get3A_471 : i32 to index
      %get3A_474 = arith.index_cast %scan3A_398 : i32 to index
      %get3A_475 = arith.index_cast %get3A_472 : i32 to index
      %get3A_476 = arith.constant 16 : index
      %get3A_477 = tpu.vector_load %arg4[%get3A_473, %get3A_474, %get3A_475, %get3A_476] {strides = array<i32>} : memref<2x25x8x128xf32, #tpu.memory_space<vmem>>, vector<1x1x1x16xf32>,
      %get3A_478 = vector.shape_cast %get3A_477 : vector<1x1x1x16xf32> to vector<16xf32>
      %add3A_479 = arith.addf %scan3A_400, %get3A_478 : vector<16xf32>
      %get3A_480 = arith.constant 0 : i32
      %get3A_481 = arith.constant 0 : i32
      %get3A_482 = arith.index_cast %get3A_480 : i32 to index
      %get3A_483 = arith.index_cast %scan3A_398 : i32 to index
      %get3A_484 = arith.index_cast %get3A_481 : i32 to index
      %get3A_485 = arith.constant 32 : index
      %get3A_486 = tpu.vector_load %arg4[%get3A_482, %get3A_483, %get3A_484, %get3A_485] {strides = array<i32>} : memref<2x25x8x128xf32, #tpu.memory_space<vmem>>, vector<1x1x1x16xf32>,
      %get3A_487 = vector.shape_cast %get3A_486 : vector<1x1x1x16xf32> to vector<16xf32>
      %add3A_488 = arith.addf %scan3A_401, %get3A_487 : vector<16xf32>
      %get3A_489 = arith.constant 0 : i32
      %get3A_490 = arith.constant 0 : i32
      %get3A_491 = arith.index_cast %get3A_489 : i32 to index
      %get3A_492 = arith.index_cast %scan3A_398 : i32 to index
      %get3A_493 = arith.index_cast %get3A_490 : i32 to index
      %get3A_494 = arith.constant 48 : index
      %get3A_495 = tpu.vector_load %arg4[%get3A_491, %get3A_492, %get3A_493, %get3A_494] {strides = array<i32>} : memref<2x25x8x128xf32, #tpu.memory_space<vmem>>, vector<1x1x1x16xf32>,
      %get3A_496 = vector.shape_cast %get3A_495 : vector<1x1x1x16xf32> to vector<16xf32>
      %add3A_497 = arith.addf %scan3A_402, %get3A_496 : vector<16xf32>
      %get3A_498 = arith.constant 0 : i32
      %get3A_499 = arith.constant 0 : i32
      %get3A_500 = arith.index_cast %get3A_498 : i32 to index
      %get3A_501 = arith.index_cast %scan3A_398 : i32 to index
      %get3A_502 = arith.index_cast %get3A_499 : i32 to index
      %get3A_503 = arith.constant 64 : index
      %get3A_504 = tpu.vector_load %arg4[%get3A_500, %get3A_501, %get3A_502, %get3A_503] {strides = array<i32>} : memref<2x25x8x128xf32, #tpu.memory_space<vmem>>, vector<1x1x1x16xf32>,
      %get3A_505 = vector.shape_cast %get3A_504 : vector<1x1x1x16xf32> to vector<16xf32>
      %add3A_506 = arith.addf %scan3A_403, %get3A_505 : vector<16xf32>
      %get3A_507 = arith.constant 0 : i32
      %get3A_508 = arith.constant 0 : i32
      %get3A_509 = arith.index_cast %get3A_507 : i32 to index
      %get3A_510 = arith.index_cast %scan3A_398 : i32 to index
      %get3A_511 = arith.index_cast %get3A_508 : i32 to index
      %get3A_512 = arith.constant 80 : index
      %get3A_513 = tpu.vector_load %arg4[%get3A_509, %get3A_510, %get3A_511, %get3A_512] {strides = array<i32>} : memref<2x25x8x128xf32, #tpu.memory_space<vmem>>, vector<1x1x1x16xf32>,
      %get3A_514 = vector.shape_cast %get3A_513 : vector<1x1x1x16xf32> to vector<16xf32>
      %add3A_515 = arith.addf %scan3A_404, %get3A_514 : vector<16xf32>
      %get3A_516 = arith.constant 0 : i32
      %get3A_517 = arith.constant 0 : i32
      %get3A_518 = arith.index_cast %get3A_516 : i32 to index
      %get3A_519 = arith.index_cast %scan3A_398 : i32 to index
      %get3A_520 = arith.index_cast %get3A_517 : i32 to index
      %get3A_521 = arith.constant 96 : index
      %get3A_522 = tpu.vector_load %arg4[%get3A_518, %get3A_519, %get3A_520, %get3A_521] {strides = array<i32>} : memref<2x25x8x128xf32, #tpu.memory_space<vmem>>, vector<1x1x1x16xf32>,
      %get3A_523 = vector.shape_cast %get3A_522 : vector<1x1x1x16xf32> to vector<16xf32>
      %add3A_524 = arith.addf %scan3A_405, %get3A_523 : vector<16xf32>
      %get3A_525 = arith.constant 0 : i32
      %get3A_526 = arith.constant 0 : i32
      %get3A_527 = arith.index_cast %get3A_525 : i32 to index
      %get3A_528 = arith.index_cast %scan3A_398 : i32 to index
      %get3A_529 = arith.index_cast %get3A_526 : i32 to index
      %get3A_530 = arith.constant 112 : index
      %get3A_531 = tpu.vector_load %arg4[%get3A_527, %get3A_528, %get3A_529, %get3A_530] {strides = array<i32>} : memref<2x25x8x128xf32, #tpu.memory_space<vmem>>, vector<1x1x1x16xf32>,
      %get3A_532 = vector.shape_cast %get3A_531 : vector<1x1x1x16xf32> to vector<16xf32>
      %add3A_533 = arith.addf %scan3A_406, %get3A_532 : vector<16xf32>
      %get3A_534 = arith.constant 0 : i32
      %get3A_535 = arith.constant 1 : i32
      %get3A_536 = arith.index_cast %get3A_534 : i32 to index
      %get3A_537 = arith.index_cast %scan3A_398 : i32 to index
      %get3A_538 = arith.index_cast %get3A_535 : i32 to index
      %get3A_539 = arith.constant 0 : index
      %get3A_540 = tpu.vector_load %arg4[%get3A_536, %get3A_537, %get3A_538, %get3A_539] {strides = array<i32>} : memref<2x25x8x128xf32, #tpu.memory_space<vmem>>, vector<1x1x1x16xf32>,
      %get3A_541 = vector.shape_cast %get3A_540 : vector<1x1x1x16xf32> to vector<16xf32>
      %add3A_542 = arith.addf %scan3A_407, %get3A_541 : vector<16xf32>
      %get3A_543 = arith.constant 0 : i32
      %get3A_544 = arith.constant 1 : i32
      %get3A_545 = arith.index_cast %get3A_543 : i32 to index
      %get3A_546 = arith.index_cast %scan3A_398 : i32 to index
      %get3A_547 = arith.index_cast %get3A_544 : i32 to index
      %get3A_548 = arith.constant 16 : index
      %get3A_549 = tpu.vector_load %arg4[%get3A_545, %get3A_546, %get3A_547, %get3A_548] {strides = array<i32>} : memref<2x25x8x128xf32, #tpu.memory_space<vmem>>, vector<1x1x1x16xf32>,
      %get3A_550 = vector.shape_cast %get3A_549 : vector<1x1x1x16xf32> to vector<16xf32>
      %add3A_551 = arith.addf %scan3A_408, %get3A_550 : vector<16xf32>
      %get3A_552 = arith.constant 0 : i32
      %get3A_553 = arith.constant 1 : i32
      %get3A_554 = arith.index_cast %get3A_552 : i32 to index
      %get3A_555 = arith.index_cast %scan3A_398 : i32 to index
      %get3A_556 = arith.index_cast %get3A_553 : i32 to index
      %get3A_557 = arith.constant 32 : index
      %get3A_558 = tpu.vector_load %arg4[%get3A_554, %get3A_555, %get3A_556, %get3A_557] {strides = array<i32>} : memref<2x25x8x128xf32, #tpu.memory_space<vmem>>, vector<1x1x1x16xf32>,
      %get3A_559 = vector.shape_cast %get3A_558 : vector<1x1x1x16xf32> to vector<16xf32>
      %add3A_560 = arith.addf %scan3A_409, %get3A_559 : vector<16xf32>
      %get3A_561 = arith.constant 0 : i32
      %get3A_562 = arith.constant 1 : i32
      %get3A_563 = arith.index_cast %get3A_561 : i32 to index
      %get3A_564 = arith.index_cast %scan3A_398 : i32 to index
      %get3A_565 = arith.index_cast %get3A_562 : i32 to index
      %get3A_566 = arith.constant 48 : index
      %get3A_567 = tpu.vector_load %arg4[%get3A_563, %get3A_564, %get3A_565, %get3A_566] {strides = array<i32>} : memref<2x25x8x128xf32, #tpu.memory_space<vmem>>, vector<1x1x1x16xf32>,
      %get3A_568 = vector.shape_cast %get3A_567 : vector<1x1x1x16xf32> to vector<16xf32>
      %add3A_569 = arith.addf %scan3A_410, %get3A_568 : vector<16xf32>
      %get3A_570 = arith.constant 0 : i32
      %get3A_571 = arith.constant 1 : i32
      %get3A_572 = arith.index_cast %get3A_570 : i32 to index
      %get3A_573 = arith.index_cast %scan3A_398 : i32 to index
      %get3A_574 = arith.index_cast %get3A_571 : i32 to index
      %get3A_575 = arith.constant 64 : index
      %get3A_576 = tpu.vector_load %arg4[%get3A_572, %get3A_573, %get3A_574, %get3A_575] {strides = array<i32>} : memref<2x25x8x128xf32, #tpu.memory_space<vmem>>, vector<1x1x1x16xf32>,
      %get3A_577 = vector.shape_cast %get3A_576 : vector<1x1x1x16xf32> to vector<16xf32>
      %add3A_578 = arith.addf %scan3A_411, %get3A_577 : vector<16xf32>
      %get3A_579 = arith.constant 0 : i32
      %get3A_580 = arith.constant 1 : i32
      %get3A_581 = arith.index_cast %get3A_579 : i32 to index
      %get3A_582 = arith.index_cast %scan3A_398 : i32 to index
      %get3A_583 = arith.index_cast %get3A_580 : i32 to index
      %get3A_584 = arith.constant 80 : index
      %get3A_585 = tpu.vector_load %arg4[%get3A_581, %get3A_582, %get3A_583, %get3A_584] {strides = array<i32>} : memref<2x25x8x128xf32, #tpu.memory_space<vmem>>, vector<1x1x1x16xf32>,
      %get3A_586 = vector.shape_cast %get3A_585 : vector<1x1x1x16xf32> to vector<16xf32>
      %add3A_587 = arith.addf %scan3A_412, %get3A_586 : vector<16xf32>
      %get3A_588 = arith.constant 0 : i32
      %get3A_589 = arith.constant 1 : i32
      %get3A_590 = arith.index_cast %get3A_588 : i32 to index
      %get3A_591 = arith.index_cast %scan3A_398 : i32 to index
      %get3A_592 = arith.index_cast %get3A_589 : i32 to index
      %get3A_593 = arith.constant 96 : index
      %get3A_594 = tpu.vector_load %arg4[%get3A_590, %get3A_591, %get3A_592, %get3A_593] {strides = array<i32>} : memref<2x25x8x128xf32, #tpu.memory_space<vmem>>, vector<1x1x1x16xf32>,
      %get3A_595 = vector.shape_cast %get3A_594 : vector<1x1x1x16xf32> to vector<16xf32>
      %add3A_596 = arith.addf %scan3A_413, %get3A_595 : vector<16xf32>
      %get3A_597 = arith.constant 0 : i32
      %get3A_598 = arith.constant 1 : i32
      %get3A_599 = arith.index_cast %get3A_597 : i32 to index
      %get3A_600 = arith.index_cast %scan3A_398 : i32 to index
      %get3A_601 = arith.index_cast %get3A_598 : i32 to index
      %get3A_602 = arith.constant 112 : index
      %get3A_603 = tpu.vector_load %arg4[%get3A_599, %get3A_600, %get3A_601, %get3A_602] {strides = array<i32>} : memref<2x25x8x128xf32, #tpu.memory_space<vmem>>, vector<1x1x1x16xf32>,
      %get3A_604 = vector.shape_cast %get3A_603 : vector<1x1x1x16xf32> to vector<16xf32>
      %add3A_605 = arith.addf %scan3A_414, %get3A_604 : vector<16xf32>
      %get3A_606 = arith.constant 0 : i32
      %get3A_607 = arith.constant 2 : i32
      %get3A_608 = arith.index_cast %get3A_606 : i32 to index
      %get3A_609 = arith.index_cast %scan3A_398 : i32 to index
      %get3A_610 = arith.index_cast %get3A_607 : i32 to index
      %get3A_611 = arith.constant 0 : index
      %get3A_612 = tpu.vector_load %arg4[%get3A_608, %get3A_609, %get3A_610, %get3A_611] {strides = array<i32>} : memref<2x25x8x128xf32, #tpu.memory_space<vmem>>, vector<1x1x1x16xf32>,
      %get3A_613 = vector.shape_cast %get3A_612 : vector<1x1x1x16xf32> to vector<16xf32>
      %add3A_614 = arith.addf %scan3A_415, %get3A_613 : vector<16xf32>
      %get3A_615 = arith.constant 0 : i32
      %get3A_616 = arith.constant 2 : i32
      %get3A_617 = arith.index_cast %get3A_615 : i32 to index
      %get3A_618 = arith.index_cast %scan3A_398 : i32 to index
      %get3A_619 = arith.index_cast %get3A_616 : i32 to index
      %get3A_620 = arith.constant 16 : index
      %get3A_621 = tpu.vector_load %arg4[%get3A_617, %get3A_618, %get3A_619, %get3A_620] {strides = array<i32>} : memref<2x25x8x128xf32, #tpu.memory_space<vmem>>, vector<1x1x1x16xf32>,
      %get3A_622 = vector.shape_cast %get3A_621 : vector<1x1x1x16xf32> to vector<16xf32>
      %add3A_623 = arith.addf %scan3A_416, %get3A_622 : vector<16xf32>
      %get3A_624 = arith.constant 0 : i32
      %get3A_625 = arith.constant 2 : i32
      %get3A_626 = arith.index_cast %get3A_624 : i32 to index
      %get3A_627 = arith.index_cast %scan3A_398 : i32 to index
      %get3A_628 = arith.index_cast %get3A_625 : i32 to index
      %get3A_629 = arith.constant 32 : index
      %get3A_630 = tpu.vector_load %arg4[%get3A_626, %get3A_627, %get3A_628, %get3A_629] {strides = array<i32>} : memref<2x25x8x128xf32, #tpu.memory_space<vmem>>, vector<1x1x1x16xf32>,
      %get3A_631 = vector.shape_cast %get3A_630 : vector<1x1x1x16xf32> to vector<16xf32>
      %add3A_632 = arith.addf %scan3A_417, %get3A_631 : vector<16xf32>
      %get3A_633 = arith.constant 0 : i32
      %get3A_634 = arith.constant 2 : i32
      %get3A_635 = arith.index_cast %get3A_633 : i32 to index
      %get3A_636 = arith.index_cast %scan3A_398 : i32 to index
      %get3A_637 = arith.index_cast %get3A_634 : i32 to index
      %get3A_638 = arith.constant 48 : index
      %get3A_639 = tpu.vector_load %arg4[%get3A_635, %get3A_636, %get3A_637, %get3A_638] {strides = array<i32>} : memref<2x25x8x128xf32, #tpu.memory_space<vmem>>, vector<1x1x1x16xf32>,
      %get3A_640 = vector.shape_cast %get3A_639 : vector<1x1x1x16xf32> to vector<16xf32>
      %add3A_641 = arith.addf %scan3A_418, %get3A_640 : vector<16xf32>
      %get3A_642 = arith.constant 0 : i32
      %get3A_643 = arith.constant 2 : i32
      %get3A_644 = arith.index_cast %get3A_642 : i32 to index
      %get3A_645 = arith.index_cast %scan3A_398 : i32 to index
      %get3A_646 = arith.index_cast %get3A_643 : i32 to index
      %get3A_647 = arith.constant 64 : index
      %get3A_648 = tpu.vector_load %arg4[%get3A_644, %get3A_645, %get3A_646, %get3A_647] {strides = array<i32>} : memref<2x25x8x128xf32, #tpu.memory_space<vmem>>, vector<1x1x1x16xf32>,
      %get3A_649 = vector.shape_cast %get3A_648 : vector<1x1x1x16xf32> to vector<16xf32>
      %add3A_650 = arith.addf %scan3A_419, %get3A_649 : vector<16xf32>
      %get3A_651 = arith.constant 0 : i32
      %get3A_652 = arith.constant 2 : i32
      %get3A_653 = arith.index_cast %get3A_651 : i32 to index
      %get3A_654 = arith.index_cast %scan3A_398 : i32 to index
      %get3A_655 = arith.index_cast %get3A_652 : i32 to index
      %get3A_656 = arith.constant 80 : index
      %get3A_657 = tpu.vector_load %arg4[%get3A_653, %get3A_654, %get3A_655, %get3A_656] {strides = array<i32>} : memref<2x25x8x128xf32, #tpu.memory_space<vmem>>, vector<1x1x1x16xf32>,
      %get3A_658 = vector.shape_cast %get3A_657 : vector<1x1x1x16xf32> to vector<16xf32>
      %add3A_659 = arith.addf %scan3A_420, %get3A_658 : vector<16xf32>
      %get3A_660 = arith.constant 0 : i32
      %get3A_661 = arith.constant 2 : i32
      %get3A_662 = arith.index_cast %get3A_660 : i32 to index
      %get3A_663 = arith.index_cast %scan3A_398 : i32 to index
      %get3A_664 = arith.index_cast %get3A_661 : i32 to index
      %get3A_665 = arith.constant 96 : index
      %get3A_666 = tpu.vector_load %arg4[%get3A_662, %get3A_663, %get3A_664, %get3A_665] {strides = array<i32>} : memref<2x25x8x128xf32, #tpu.memory_space<vmem>>, vector<1x1x1x16xf32>,
      %get3A_667 = vector.shape_cast %get3A_666 : vector<1x1x1x16xf32> to vector<16xf32>
      %add3A_668 = arith.addf %scan3A_421, %get3A_667 : vector<16xf32>
      %get3A_669 = arith.constant 0 : i32
      %get3A_670 = arith.constant 2 : i32
      %get3A_671 = arith.index_cast %get3A_669 : i32 to index
      %get3A_672 = arith.index_cast %scan3A_398 : i32 to index
      %get3A_673 = arith.index_cast %get3A_670 : i32 to index
      %get3A_674 = arith.constant 112 : index
      %get3A_675 = tpu.vector_load %arg4[%get3A_671, %get3A_672, %get3A_673, %get3A_674] {strides = array<i32>} : memref<2x25x8x128xf32, #tpu.memory_space<vmem>>, vector<1x1x1x16xf32>,
      %get3A_676 = vector.shape_cast %get3A_675 : vector<1x1x1x16xf32> to vector<16xf32>
      %add3A_677 = arith.addf %scan3A_422, %get3A_676 : vector<16xf32>
      %get3A_678 = arith.constant 0 : i32
      %get3A_679 = arith.constant 3 : i32
      %get3A_680 = arith.index_cast %get3A_678 : i32 to index
      %get3A_681 = arith.index_cast %scan3A_398 : i32 to index
      %get3A_682 = arith.index_cast %get3A_679 : i32 to index
      %get3A_683 = arith.constant 0 : index
      %get3A_684 = tpu.vector_load %arg4[%get3A_680, %get3A_681, %get3A_682, %get3A_683] {strides = array<i32>} : memref<2x25x8x128xf32, #tpu.memory_space<vmem>>, vector<1x1x1x16xf32>,
      %get3A_685 = vector.shape_cast %get3A_684 : vector<1x1x1x16xf32> to vector<16xf32>
      %add3A_686 = arith.addf %scan3A_423, %get3A_685 : vector<16xf32>
      %get3A_687 = arith.constant 0 : i32
      %get3A_688 = arith.constant 3 : i32
      %get3A_689 = arith.index_cast %get3A_687 : i32 to index
      %get3A_690 = arith.index_cast %scan3A_398 : i32 to index
      %get3A_691 = arith.index_cast %get3A_688 : i32 to index
      %get3A_692 = arith.constant 16 : index
      %get3A_693 = tpu.vector_load %arg4[%get3A_689, %get3A_690, %get3A_691, %get3A_692] {strides = array<i32>} : memref<2x25x8x128xf32, #tpu.memory_space<vmem>>, vector<1x1x1x16xf32>,
      %get3A_694 = vector.shape_cast %get3A_693 : vector<1x1x1x16xf32> to vector<16xf32>
      %add3A_695 = arith.addf %scan3A_424, %get3A_694 : vector<16xf32>
      %get3A_696 = arith.constant 0 : i32
      %get3A_697 = arith.constant 3 : i32
      %get3A_698 = arith.index_cast %get3A_696 : i32 to index
      %get3A_699 = arith.index_cast %scan3A_398 : i32 to index
      %get3A_700 = arith.index_cast %get3A_697 : i32 to index
      %get3A_701 = arith.constant 32 : index
      %get3A_702 = tpu.vector_load %arg4[%get3A_698, %get3A_699, %get3A_700, %get3A_701] {strides = array<i32>} : memref<2x25x8x128xf32, #tpu.memory_space<vmem>>, vector<1x1x1x16xf32>,
      %get3A_703 = vector.shape_cast %get3A_702 : vector<1x1x1x16xf32> to vector<16xf32>
      %add3A_704 = arith.addf %scan3A_425, %get3A_703 : vector<16xf32>
      %get3A_705 = arith.constant 0 : i32
      %get3A_706 = arith.constant 3 : i32
      %get3A_707 = arith.index_cast %get3A_705 : i32 to index
      %get3A_708 = arith.index_cast %scan3A_398 : i32 to index
      %get3A_709 = arith.index_cast %get3A_706 : i32 to index
      %get3A_710 = arith.constant 48 : index
      %get3A_711 = tpu.vector_load %arg4[%get3A_707, %get3A_708, %get3A_709, %get3A_710] {strides = array<i32>} : memref<2x25x8x128xf32, #tpu.memory_space<vmem>>, vector<1x1x1x16xf32>,
      %get3A_712 = vector.shape_cast %get3A_711 : vector<1x1x1x16xf32> to vector<16xf32>
      %add3A_713 = arith.addf %scan3A_426, %get3A_712 : vector<16xf32>
      %get3A_714 = arith.constant 0 : i32
      %get3A_715 = arith.constant 3 : i32
      %get3A_716 = arith.index_cast %get3A_714 : i32 to index
      %get3A_717 = arith.index_cast %scan3A_398 : i32 to index
      %get3A_718 = arith.index_cast %get3A_715 : i32 to index
      %get3A_719 = arith.constant 64 : index
      %get3A_720 = tpu.vector_load %arg4[%get3A_716, %get3A_717, %get3A_718, %get3A_719] {strides = array<i32>} : memref<2x25x8x128xf32, #tpu.memory_space<vmem>>, vector<1x1x1x16xf32>,
      %get3A_721 = vector.shape_cast %get3A_720 : vector<1x1x1x16xf32> to vector<16xf32>
      %add3A_722 = arith.addf %scan3A_427, %get3A_721 : vector<16xf32>
      %get3A_723 = arith.constant 0 : i32
      %get3A_724 = arith.constant 3 : i32
      %get3A_725 = arith.index_cast %get3A_723 : i32 to index
      %get3A_726 = arith.index_cast %scan3A_398 : i32 to index
      %get3A_727 = arith.index_cast %get3A_724 : i32 to index
      %get3A_728 = arith.constant 80 : index
      %get3A_729 = tpu.vector_load %arg4[%get3A_725, %get3A_726, %get3A_727, %get3A_728] {strides = array<i32>} : memref<2x25x8x128xf32, #tpu.memory_space<vmem>>, vector<1x1x1x16xf32>,
      %get3A_730 = vector.shape_cast %get3A_729 : vector<1x1x1x16xf32> to vector<16xf32>
      %add3A_731 = arith.addf %scan3A_428, %get3A_730 : vector<16xf32>
      %get3A_732 = arith.constant 0 : i32
      %get3A_733 = arith.constant 3 : i32
      %get3A_734 = arith.index_cast %get3A_732 : i32 to index
      %get3A_735 = arith.index_cast %scan3A_398 : i32 to index
      %get3A_736 = arith.index_cast %get3A_733 : i32 to index
      %get3A_737 = arith.constant 96 : index
      %get3A_738 = tpu.vector_load %arg4[%get3A_734, %get3A_735, %get3A_736, %get3A_737] {strides = array<i32>} : memref<2x25x8x128xf32, #tpu.memory_space<vmem>>, vector<1x1x1x16xf32>,
      %get3A_739 = vector.shape_cast %get3A_738 : vector<1x1x1x16xf32> to vector<16xf32>
      %add3A_740 = arith.addf %scan3A_429, %get3A_739 : vector<16xf32>
      %get3A_741 = arith.constant 0 : i32
      %get3A_742 = arith.constant 3 : i32
      %get3A_743 = arith.index_cast %get3A_741 : i32 to index
      %get3A_744 = arith.index_cast %scan3A_398 : i32 to index
      %get3A_745 = arith.index_cast %get3A_742 : i32 to index
      %get3A_746 = arith.constant 112 : index
      %get3A_747 = tpu.vector_load %arg4[%get3A_743, %get3A_744, %get3A_745, %get3A_746] {strides = array<i32>} : memref<2x25x8x128xf32, #tpu.memory_space<vmem>>, vector<1x1x1x16xf32>,
      %get3A_748 = vector.shape_cast %get3A_747 : vector<1x1x1x16xf32> to vector<16xf32>
      %add3A_749 = arith.addf %scan3A_430, %get3A_748 : vector<16xf32>
      %get3A_750 = arith.constant 0 : i32
      %get3A_751 = arith.constant 4 : i32
      %get3A_752 = arith.index_cast %get3A_750 : i32 to index
      %get3A_753 = arith.index_cast %scan3A_398 : i32 to index
      %get3A_754 = arith.index_cast %get3A_751 : i32 to index
      %get3A_755 = arith.constant 0 : index
      %get3A_756 = tpu.vector_load %arg4[%get3A_752, %get3A_753, %get3A_754, %get3A_755] {strides = array<i32>} : memref<2x25x8x128xf32, #tpu.memory_space<vmem>>, vector<1x1x1x16xf32>,
      %get3A_757 = vector.shape_cast %get3A_756 : vector<1x1x1x16xf32> to vector<16xf32>
      %add3A_758 = arith.addf %scan3A_431, %get3A_757 : vector<16xf32>
      %get3A_759 = arith.constant 0 : i32
      %get3A_760 = arith.constant 4 : i32
      %get3A_761 = arith.index_cast %get3A_759 : i32 to index
      %get3A_762 = arith.index_cast %scan3A_398 : i32 to index
      %get3A_763 = arith.index_cast %get3A_760 : i32 to index
      %get3A_764 = arith.constant 16 : index
      %get3A_765 = tpu.vector_load %arg4[%get3A_761, %get3A_762, %get3A_763, %get3A_764] {strides = array<i32>} : memref<2x25x8x128xf32, #tpu.memory_space<vmem>>, vector<1x1x1x16xf32>,
      %get3A_766 = vector.shape_cast %get3A_765 : vector<1x1x1x16xf32> to vector<16xf32>
      %add3A_767 = arith.addf %scan3A_432, %get3A_766 : vector<16xf32>
      %get3A_768 = arith.constant 0 : i32
      %get3A_769 = arith.constant 4 : i32
      %get3A_770 = arith.index_cast %get3A_768 : i32 to index
      %get3A_771 = arith.index_cast %scan3A_398 : i32 to index
      %get3A_772 = arith.index_cast %get3A_769 : i32 to index
      %get3A_773 = arith.constant 32 : index
      %get3A_774 = tpu.vector_load %arg4[%get3A_770, %get3A_771, %get3A_772, %get3A_773] {strides = array<i32>} : memref<2x25x8x128xf32, #tpu.memory_space<vmem>>, vector<1x1x1x16xf32>,
      %get3A_775 = vector.shape_cast %get3A_774 : vector<1x1x1x16xf32> to vector<16xf32>
      %add3A_776 = arith.addf %scan3A_433, %get3A_775 : vector<16xf32>
      %get3A_777 = arith.constant 0 : i32
      %get3A_778 = arith.constant 4 : i32
      %get3A_779 = arith.index_cast %get3A_777 : i32 to index
      %get3A_780 = arith.index_cast %scan3A_398 : i32 to index
      %get3A_781 = arith.index_cast %get3A_778 : i32 to index
      %get3A_782 = arith.constant 48 : index
      %get3A_783 = tpu.vector_load %arg4[%get3A_779, %get3A_780, %get3A_781, %get3A_782] {strides = array<i32>} : memref<2x25x8x128xf32, #tpu.memory_space<vmem>>, vector<1x1x1x16xf32>,
      %get3A_784 = vector.shape_cast %get3A_783 : vector<1x1x1x16xf32> to vector<16xf32>
      %add3A_785 = arith.addf %scan3A_434, %get3A_784 : vector<16xf32>
      %get3A_786 = arith.constant 0 : i32
      %get3A_787 = arith.constant 4 : i32
      %get3A_788 = arith.index_cast %get3A_786 : i32 to index
      %get3A_789 = arith.index_cast %scan3A_398 : i32 to index
      %get3A_790 = arith.index_cast %get3A_787 : i32 to index
      %get3A_791 = arith.constant 64 : index
      %get3A_792 = tpu.vector_load %arg4[%get3A_788, %get3A_789, %get3A_790, %get3A_791] {strides = array<i32>} : memref<2x25x8x128xf32, #tpu.memory_space<vmem>>, vector<1x1x1x16xf32>,
      %get3A_793 = vector.shape_cast %get3A_792 : vector<1x1x1x16xf32> to vector<16xf32>
      %add3A_794 = arith.addf %scan3A_435, %get3A_793 : vector<16xf32>
      %get3A_795 = arith.constant 0 : i32
      %get3A_796 = arith.constant 4 : i32
      %get3A_797 = arith.index_cast %get3A_795 : i32 to index
      %get3A_798 = arith.index_cast %scan3A_398 : i32 to index
      %get3A_799 = arith.index_cast %get3A_796 : i32 to index
      %get3A_800 = arith.constant 80 : index
      %get3A_801 = tpu.vector_load %arg4[%get3A_797, %get3A_798, %get3A_799, %get3A_800] {strides = array<i32>} : memref<2x25x8x128xf32, #tpu.memory_space<vmem>>, vector<1x1x1x16xf32>,
      %get3A_802 = vector.shape_cast %get3A_801 : vector<1x1x1x16xf32> to vector<16xf32>
      %add3A_803 = arith.addf %scan3A_436, %get3A_802 : vector<16xf32>
      %get3A_804 = arith.constant 0 : i32
      %get3A_805 = arith.constant 4 : i32
      %get3A_806 = arith.index_cast %get3A_804 : i32 to index
      %get3A_807 = arith.index_cast %scan3A_398 : i32 to index
      %get3A_808 = arith.index_cast %get3A_805 : i32 to index
      %get3A_809 = arith.constant 96 : index
      %get3A_810 = tpu.vector_load %arg4[%get3A_806, %get3A_807, %get3A_808, %get3A_809] {strides = array<i32>} : memref<2x25x8x128xf32, #tpu.memory_space<vmem>>, vector<1x1x1x16xf32>,
      %get3A_811 = vector.shape_cast %get3A_810 : vector<1x1x1x16xf32> to vector<16xf32>
      %add3A_812 = arith.addf %scan3A_437, %get3A_811 : vector<16xf32>
      %get3A_813 = arith.constant 0 : i32
      %get3A_814 = arith.constant 4 : i32
      %get3A_815 = arith.index_cast %get3A_813 : i32 to index
      %get3A_816 = arith.index_cast %scan3A_398 : i32 to index
      %get3A_817 = arith.index_cast %get3A_814 : i32 to index
      %get3A_818 = arith.constant 112 : index
      %get3A_819 = tpu.vector_load %arg4[%get3A_815, %get3A_816, %get3A_817, %get3A_818] {strides = array<i32>} : memref<2x25x8x128xf32, #tpu.memory_space<vmem>>, vector<1x1x1x16xf32>,
      %get3A_820 = vector.shape_cast %get3A_819 : vector<1x1x1x16xf32> to vector<16xf32>
      %add3A_821 = arith.addf %scan3A_438, %get3A_820 : vector<16xf32>
      %get3A_822 = arith.constant 0 : i32
      %get3A_823 = arith.constant 5 : i32
      %get3A_824 = arith.index_cast %get3A_822 : i32 to index
      %get3A_825 = arith.index_cast %scan3A_398 : i32 to index
      %get3A_826 = arith.index_cast %get3A_823 : i32 to index
      %get3A_827 = arith.constant 0 : index
      %get3A_828 = tpu.vector_load %arg4[%get3A_824, %get3A_825, %get3A_826, %get3A_827] {strides = array<i32>} : memref<2x25x8x128xf32, #tpu.memory_space<vmem>>, vector<1x1x1x16xf32>,
      %get3A_829 = vector.shape_cast %get3A_828 : vector<1x1x1x16xf32> to vector<16xf32>
      %add3A_830 = arith.addf %scan3A_439, %get3A_829 : vector<16xf32>
      %get3A_831 = arith.constant 0 : i32
      %get3A_832 = arith.constant 5 : i32
      %get3A_833 = arith.index_cast %get3A_831 : i32 to index
      %get3A_834 = arith.index_cast %scan3A_398 : i32 to index
      %get3A_835 = arith.index_cast %get3A_832 : i32 to index
      %get3A_836 = arith.constant 16 : index
      %get3A_837 = tpu.vector_load %arg4[%get3A_833, %get3A_834, %get3A_835, %get3A_836] {strides = array<i32>} : memref<2x25x8x128xf32, #tpu.memory_space<vmem>>, vector<1x1x1x16xf32>,
      %get3A_838 = vector.shape_cast %get3A_837 : vector<1x1x1x16xf32> to vector<16xf32>
      %add3A_839 = arith.addf %scan3A_440, %get3A_838 : vector<16xf32>
      %get3A_840 = arith.constant 0 : i32
      %get3A_841 = arith.constant 5 : i32
      %get3A_842 = arith.index_cast %get3A_840 : i32 to index
      %get3A_843 = arith.index_cast %scan3A_398 : i32 to index
      %get3A_844 = arith.index_cast %get3A_841 : i32 to index
      %get3A_845 = arith.constant 32 : index
      %get3A_846 = tpu.vector_load %arg4[%get3A_842, %get3A_843, %get3A_844, %get3A_845] {strides = array<i32>} : memref<2x25x8x128xf32, #tpu.memory_space<vmem>>, vector<1x1x1x16xf32>,
      %get3A_847 = vector.shape_cast %get3A_846 : vector<1x1x1x16xf32> to vector<16xf32>
      %add3A_848 = arith.addf %scan3A_441, %get3A_847 : vector<16xf32>
      %get3A_849 = arith.constant 0 : i32
      %get3A_850 = arith.constant 5 : i32
      %get3A_851 = arith.index_cast %get3A_849 : i32 to index
      %get3A_852 = arith.index_cast %scan3A_398 : i32 to index
      %get3A_853 = arith.index_cast %get3A_850 : i32 to index
      %get3A_854 = arith.constant 48 : index
      %get3A_855 = tpu.vector_load %arg4[%get3A_851, %get3A_852, %get3A_853, %get3A_854] {strides = array<i32>} : memref<2x25x8x128xf32, #tpu.memory_space<vmem>>, vector<1x1x1x16xf32>,
      %get3A_856 = vector.shape_cast %get3A_855 : vector<1x1x1x16xf32> to vector<16xf32>
      %add3A_857 = arith.addf %scan3A_442, %get3A_856 : vector<16xf32>
      %get3A_858 = arith.constant 0 : i32
      %get3A_859 = arith.constant 5 : i32
      %get3A_860 = arith.index_cast %get3A_858 : i32 to index
      %get3A_861 = arith.index_cast %scan3A_398 : i32 to index
      %get3A_862 = arith.index_cast %get3A_859 : i32 to index
      %get3A_863 = arith.constant 64 : index
      %get3A_864 = tpu.vector_load %arg4[%get3A_860, %get3A_861, %get3A_862, %get3A_863] {strides = array<i32>} : memref<2x25x8x128xf32, #tpu.memory_space<vmem>>, vector<1x1x1x16xf32>,
      %get3A_865 = vector.shape_cast %get3A_864 : vector<1x1x1x16xf32> to vector<16xf32>
      %add3A_866 = arith.addf %scan3A_443, %get3A_865 : vector<16xf32>
      %get3A_867 = arith.constant 0 : i32
      %get3A_868 = arith.constant 5 : i32
      %get3A_869 = arith.index_cast %get3A_867 : i32 to index
      %get3A_870 = arith.index_cast %scan3A_398 : i32 to index
      %get3A_871 = arith.index_cast %get3A_868 : i32 to index
      %get3A_872 = arith.constant 80 : index
      %get3A_873 = tpu.vector_load %arg4[%get3A_869, %get3A_870, %get3A_871, %get3A_872] {strides = array<i32>} : memref<2x25x8x128xf32, #tpu.memory_space<vmem>>, vector<1x1x1x16xf32>,
      %get3A_874 = vector.shape_cast %get3A_873 : vector<1x1x1x16xf32> to vector<16xf32>
      %add3A_875 = arith.addf %scan3A_444, %get3A_874 : vector<16xf32>
      %get3A_876 = arith.constant 0 : i32
      %get3A_877 = arith.constant 5 : i32
      %get3A_878 = arith.index_cast %get3A_876 : i32 to index
      %get3A_879 = arith.index_cast %scan3A_398 : i32 to index
      %get3A_880 = arith.index_cast %get3A_877 : i32 to index
      %get3A_881 = arith.constant 96 : index
      %get3A_882 = tpu.vector_load %arg4[%get3A_878, %get3A_879, %get3A_880, %get3A_881] {strides = array<i32>} : memref<2x25x8x128xf32, #tpu.memory_space<vmem>>, vector<1x1x1x16xf32>,
      %get3A_883 = vector.shape_cast %get3A_882 : vector<1x1x1x16xf32> to vector<16xf32>
      %add3A_884 = arith.addf %scan3A_445, %get3A_883 : vector<16xf32>
      %get3A_885 = arith.constant 0 : i32
      %get3A_886 = arith.constant 5 : i32
      %get3A_887 = arith.index_cast %get3A_885 : i32 to index
      %get3A_888 = arith.index_cast %scan3A_398 : i32 to index
      %get3A_889 = arith.index_cast %get3A_886 : i32 to index
      %get3A_890 = arith.constant 112 : index
      %get3A_891 = tpu.vector_load %arg4[%get3A_887, %get3A_888, %get3A_889, %get3A_890] {strides = array<i32>} : memref<2x25x8x128xf32, #tpu.memory_space<vmem>>, vector<1x1x1x16xf32>,
      %get3A_892 = vector.shape_cast %get3A_891 : vector<1x1x1x16xf32> to vector<16xf32>
      %add3A_893 = arith.addf %scan3A_446, %get3A_892 : vector<16xf32>
      %get3A_894 = arith.constant 0 : i32
      %get3A_895 = arith.constant 6 : i32
      %get3A_896 = arith.index_cast %get3A_894 : i32 to index
      %get3A_897 = arith.index_cast %scan3A_398 : i32 to index
      %get3A_898 = arith.index_cast %get3A_895 : i32 to index
      %get3A_899 = arith.constant 0 : index
      %get3A_900 = tpu.vector_load %arg4[%get3A_896, %get3A_897, %get3A_898, %get3A_899] {strides = array<i32>} : memref<2x25x8x128xf32, #tpu.memory_space<vmem>>, vector<1x1x1x16xf32>,
      %get3A_901 = vector.shape_cast %get3A_900 : vector<1x1x1x16xf32> to vector<16xf32>
      %add3A_902 = arith.addf %scan3A_447, %get3A_901 : vector<16xf32>
      %get3A_903 = arith.constant 0 : i32
      %get3A_904 = arith.constant 6 : i32
      %get3A_905 = arith.index_cast %get3A_903 : i32 to index
      %get3A_906 = arith.index_cast %scan3A_398 : i32 to index
      %get3A_907 = arith.index_cast %get3A_904 : i32 to index
      %get3A_908 = arith.constant 16 : index
      %get3A_909 = tpu.vector_load %arg4[%get3A_905, %get3A_906, %get3A_907, %get3A_908] {strides = array<i32>} : memref<2x25x8x128xf32, #tpu.memory_space<vmem>>, vector<1x1x1x16xf32>,
      %get3A_910 = vector.shape_cast %get3A_909 : vector<1x1x1x16xf32> to vector<16xf32>
      %add3A_911 = arith.addf %scan3A_448, %get3A_910 : vector<16xf32>
      %get3A_912 = arith.constant 0 : i32
      %get3A_913 = arith.constant 6 : i32
      %get3A_914 = arith.index_cast %get3A_912 : i32 to index
      %get3A_915 = arith.index_cast %scan3A_398 : i32 to index
      %get3A_916 = arith.index_cast %get3A_913 : i32 to index
      %get3A_917 = arith.constant 32 : index
      %get3A_918 = tpu.vector_load %arg4[%get3A_914, %get3A_915, %get3A_916, %get3A_917] {strides = array<i32>} : memref<2x25x8x128xf32, #tpu.memory_space<vmem>>, vector<1x1x1x16xf32>,
      %get3A_919 = vector.shape_cast %get3A_918 : vector<1x1x1x16xf32> to vector<16xf32>
      %add3A_920 = arith.addf %scan3A_449, %get3A_919 : vector<16xf32>
      %get3A_921 = arith.constant 0 : i32
      %get3A_922 = arith.constant 6 : i32
      %get3A_923 = arith.index_cast %get3A_921 : i32 to index
      %get3A_924 = arith.index_cast %scan3A_398 : i32 to index
      %get3A_925 = arith.index_cast %get3A_922 : i32 to index
      %get3A_926 = arith.constant 48 : index
      %get3A_927 = tpu.vector_load %arg4[%get3A_923, %get3A_924, %get3A_925, %get3A_926] {strides = array<i32>} : memref<2x25x8x128xf32, #tpu.memory_space<vmem>>, vector<1x1x1x16xf32>,
      %get3A_928 = vector.shape_cast %get3A_927 : vector<1x1x1x16xf32> to vector<16xf32>
      %add3A_929 = arith.addf %scan3A_450, %get3A_928 : vector<16xf32>
      %get3A_930 = arith.constant 0 : i32
      %get3A_931 = arith.constant 6 : i32
      %get3A_932 = arith.index_cast %get3A_930 : i32 to index
      %get3A_933 = arith.index_cast %scan3A_398 : i32 to index
      %get3A_934 = arith.index_cast %get3A_931 : i32 to index
      %get3A_935 = arith.constant 64 : index
      %get3A_936 = tpu.vector_load %arg4[%get3A_932, %get3A_933, %get3A_934, %get3A_935] {strides = array<i32>} : memref<2x25x8x128xf32, #tpu.memory_space<vmem>>, vector<1x1x1x16xf32>,
      %get3A_937 = vector.shape_cast %get3A_936 : vector<1x1x1x16xf32> to vector<16xf32>
      %add3A_938 = arith.addf %scan3A_451, %get3A_937 : vector<16xf32>
      %get3A_939 = arith.constant 0 : i32
      %get3A_940 = arith.constant 6 : i32
      %get3A_941 = arith.index_cast %get3A_939 : i32 to index
      %get3A_942 = arith.index_cast %scan3A_398 : i32 to index
      %get3A_943 = arith.index_cast %get3A_940 : i32 to index
      %get3A_944 = arith.constant 80 : index
      %get3A_945 = tpu.vector_load %arg4[%get3A_941, %get3A_942, %get3A_943, %get3A_944] {strides = array<i32>} : memref<2x25x8x128xf32, #tpu.memory_space<vmem>>, vector<1x1x1x16xf32>,
      %get3A_946 = vector.shape_cast %get3A_945 : vector<1x1x1x16xf32> to vector<16xf32>
      %add3A_947 = arith.addf %scan3A_452, %get3A_946 : vector<16xf32>
      %get3A_948 = arith.constant 0 : i32
      %get3A_949 = arith.constant 6 : i32
      %get3A_950 = arith.index_cast %get3A_948 : i32 to index
      %get3A_951 = arith.index_cast %scan3A_398 : i32 to index
      %get3A_952 = arith.index_cast %get3A_949 : i32 to index
      %get3A_953 = arith.constant 96 : index
      %get3A_954 = tpu.vector_load %arg4[%get3A_950, %get3A_951, %get3A_952, %get3A_953] {strides = array<i32>} : memref<2x25x8x128xf32, #tpu.memory_space<vmem>>, vector<1x1x1x16xf32>,
      %get3A_955 = vector.shape_cast %get3A_954 : vector<1x1x1x16xf32> to vector<16xf32>
      %add3A_956 = arith.addf %scan3A_453, %get3A_955 : vector<16xf32>
      %get3A_957 = arith.constant 0 : i32
      %get3A_958 = arith.constant 6 : i32
      %get3A_959 = arith.index_cast %get3A_957 : i32 to index
      %get3A_960 = arith.index_cast %scan3A_398 : i32 to index
      %get3A_961 = arith.index_cast %get3A_958 : i32 to index
      %get3A_962 = arith.constant 112 : index
      %get3A_963 = tpu.vector_load %arg4[%get3A_959, %get3A_960, %get3A_961, %get3A_962] {strides = array<i32>} : memref<2x25x8x128xf32, #tpu.memory_space<vmem>>, vector<1x1x1x16xf32>,
      %get3A_964 = vector.shape_cast %get3A_963 : vector<1x1x1x16xf32> to vector<16xf32>
      %add3A_965 = arith.addf %scan3A_454, %get3A_964 : vector<16xf32>
      %get3A_966 = arith.constant 0 : i32
      %get3A_967 = arith.constant 7 : i32
      %get3A_968 = arith.index_cast %get3A_966 : i32 to index
      %get3A_969 = arith.index_cast %scan3A_398 : i32 to index
      %get3A_970 = arith.index_cast %get3A_967 : i32 to index
      %get3A_971 = arith.constant 0 : index
      %get3A_972 = tpu.vector_load %arg4[%get3A_968, %get3A_969, %get3A_970, %get3A_971] {strides = array<i32>} : memref<2x25x8x128xf32, #tpu.memory_space<vmem>>, vector<1x1x1x16xf32>,
      %get3A_973 = vector.shape_cast %get3A_972 : vector<1x1x1x16xf32> to vector<16xf32>
      %add3A_974 = arith.addf %scan3A_455, %get3A_973 : vector<16xf32>
      %get3A_975 = arith.constant 0 : i32
      %get3A_976 = arith.constant 7 : i32
      %get3A_977 = arith.index_cast %get3A_975 : i32 to index
      %get3A_978 = arith.index_cast %scan3A_398 : i32 to index
      %get3A_979 = arith.index_cast %get3A_976 : i32 to index
      %get3A_980 = arith.constant 16 : index
      %get3A_981 = tpu.vector_load %arg4[%get3A_977, %get3A_978, %get3A_979, %get3A_980] {strides = array<i32>} : memref<2x25x8x128xf32, #tpu.memory_space<vmem>>, vector<1x1x1x16xf32>,
      %get3A_982 = vector.shape_cast %get3A_981 : vector<1x1x1x16xf32> to vector<16xf32>
      %add3A_983 = arith.addf %scan3A_456, %get3A_982 : vector<16xf32>
      %get3A_984 = arith.constant 0 : i32
      %get3A_985 = arith.constant 7 : i32
      %get3A_986 = arith.index_cast %get3A_984 : i32 to index
      %get3A_987 = arith.index_cast %scan3A_398 : i32 to index
      %get3A_988 = arith.index_cast %get3A_985 : i32 to index
      %get3A_989 = arith.constant 32 : index
      %get3A_990 = tpu.vector_load %arg4[%get3A_986, %get3A_987, %get3A_988, %get3A_989] {strides = array<i32>} : memref<2x25x8x128xf32, #tpu.memory_space<vmem>>, vector<1x1x1x16xf32>,
      %get3A_991 = vector.shape_cast %get3A_990 : vector<1x1x1x16xf32> to vector<16xf32>
      %add3A_992 = arith.addf %scan3A_457, %get3A_991 : vector<16xf32>
      %get3A_993 = arith.constant 0 : i32
      %get3A_994 = arith.constant 7 : i32
      %get3A_995 = arith.index_cast %get3A_993 : i32 to index
      %get3A_996 = arith.index_cast %scan3A_398 : i32 to index
      %get3A_997 = arith.index_cast %get3A_994 : i32 to index
      %get3A_998 = arith.constant 48 : index
      %get3A_999 = tpu.vector_load %arg4[%get3A_995, %get3A_996, %get3A_997, %get3A_998] {strides = array<i32>} : memref<2x25x8x128xf32, #tpu.memory_space<vmem>>, vector<1x1x1x16xf32>,
      %get3A_1000 = vector.shape_cast %get3A_999 : vector<1x1x1x16xf32> to vector<16xf32>
      %add3A_1001 = arith.addf %scan3A_458, %get3A_1000 : vector<16xf32>
      %get3A_1002 = arith.constant 0 : i32
      %get3A_1003 = arith.constant 7 : i32
      %get3A_1004 = arith.index_cast %get3A_1002 : i32 to index
      %get3A_1005 = arith.index_cast %scan3A_398 : i32 to index
      %get3A_1006 = arith.index_cast %get3A_1003 : i32 to index
      %get3A_1007 = arith.constant 64 : index
      %get3A_1008 = tpu.vector_load %arg4[%get3A_1004, %get3A_1005, %get3A_1006, %get3A_1007] {strides = array<i32>} : memref<2x25x8x128xf32, #tpu.memory_space<vmem>>, vector<1x1x1x16xf32>,
      %get3A_1009 = vector.shape_cast %get3A_1008 : vector<1x1x1x16xf32> to vector<16xf32>
      %add3A_1010 = arith.addf %scan3A_459, %get3A_1009 : vector<16xf32>
      %get3A_1011 = arith.constant 0 : i32
      %get3A_1012 = arith.constant 7 : i32
      %get3A_1013 = arith.index_cast %get3A_1011 : i32 to index
      %get3A_1014 = arith.index_cast %scan3A_398 : i32 to index
      %get3A_1015 = arith.index_cast %get3A_1012 : i32 to index
      %get3A_1016 = arith.constant 80 : index
      %get3A_1017 = tpu.vector_load %arg4[%get3A_1013, %get3A_1014, %get3A_1015, %get3A_1016] {strides = array<i32>} : memref<2x25x8x128xf32, #tpu.memory_space<vmem>>, vector<1x1x1x16xf32>,
      %get3A_1018 = vector.shape_cast %get3A_1017 : vector<1x1x1x16xf32> to vector<16xf32>
      %add3A_1019 = arith.addf %scan3A_460, %get3A_1018 : vector<16xf32>
      %get3A_1020 = arith.constant 0 : i32
      %get3A_1021 = arith.constant 7 : i32
      %get3A_1022 = arith.index_cast %get3A_1020 : i32 to index
      %get3A_1023 = arith.index_cast %scan3A_398 : i32 to index
      %get3A_1024 = arith.index_cast %get3A_1021 : i32 to index
      %get3A_1025 = arith.constant 96 : index
      %get3A_1026 = tpu.vector_load %arg4[%get3A_1022, %get3A_1023, %get3A_1024, %get3A_1025] {strides = array<i32>} : memref<2x25x8x128xf32, #tpu.memory_space<vmem>>, vector<1x1x1x16xf32>,
      %get3A_1027 = vector.shape_cast %get3A_1026 : vector<1x1x1x16xf32> to vector<16xf32>
      %add3A_1028 = arith.addf %scan3A_461, %get3A_1027 : vector<16xf32>
      %get3A_1029 = arith.constant 0 : i32
      %get3A_1030 = arith.constant 7 : i32
      %get3A_1031 = arith.index_cast %get3A_1029 : i32 to index
      %get3A_1032 = arith.index_cast %scan3A_398 : i32 to index
      %get3A_1033 = arith.index_cast %get3A_1030 : i32 to index
      %get3A_1034 = arith.constant 112 : index
      %get3A_1035 = tpu.vector_load %arg4[%get3A_1031, %get3A_1032, %get3A_1033, %get3A_1034] {strides = array<i32>} : memref<2x25x8x128xf32, #tpu.memory_space<vmem>>, vector<1x1x1x16xf32>,
      %get3A_1036 = vector.shape_cast %get3A_1035 : vector<1x1x1x16xf32> to vector<16xf32>
      %add3A_1037 = arith.addf %scan3A_462, %get3A_1036 : vector<16xf32>
      scf.yield %add3A_470, %add3A_479, %add3A_488, %add3A_497, %add3A_506, %add3A_515, %add3A_524, %add3A_533, %add3A_542, %add3A_551, %add3A_560, %add3A_569, %add3A_578, %add3A_587, %add3A_596, %add3A_605, %add3A_614, %add3A_623, %add3A_632, %add3A_641, %add3A_650, %add3A_659, %add3A_668, %add3A_677, %add3A_686, %add3A_695, %add3A_704, %add3A_713, %add3A_722, %add3A_731, %add3A_740, %add3A_749, %add3A_758, %add3A_767, %add3A_776, %add3A_785, %add3A_794, %add3A_803, %add3A_812, %add3A_821, %add3A_830, %add3A_839, %add3A_848, %add3A_857, %add3A_866, %add3A_875, %add3A_884, %add3A_893, %add3A_902, %add3A_911, %add3A_920, %add3A_929, %add3A_938, %add3A_947, %add3A_956, %add3A_965, %add3A_974, %add3A_983, %add3A_992, %add3A_1001, %add3A_1010, %add3A_1019, %add3A_1028, %add3A_1037 : vector<16xf32>, vector<16xf32>, vector<16xf32>, vector<16xf32>, vector<16xf32>, vector<16xf32>, vector<16xf32>, vector<16xf32>, vector<16xf32>, vector<16xf32>, vector<16xf32>, vector<16xf32>, vector<16xf32>, vector<16xf32>, vector<16xf32>, vector<16xf32>, vector<16xf32>, vector<16xf32>, vector<16xf32>, vector<16xf32>, vector<16xf32>, vector<16xf32>, vector<16xf32>, vector<16xf32>, vector<16xf32>, vector<16xf32>, vector<16xf32>, vector<16xf32>, vector<16xf32>, vector<16xf32>, vector<16xf32>, vector<16xf32>, vector<16xf32>, vector<16xf32>, vector<16xf32>, vector<16xf32>, vector<16xf32>, vector<16xf32>, vector<16xf32>, vector<16xf32>, vector<16xf32>, vector<16xf32>, vector<16xf32>, vector<16xf32>, vector<16xf32>, vector<16xf32>, vector<16xf32>, vector<16xf32>, vector<16xf32>, vector<16xf32>, vector<16xf32>, vector<16xf32>, vector<16xf32>, vector<16xf32>, vector<16xf32>, vector<16xf32>, vector<16xf32>, vector<16xf32>, vector<16xf32>, vector<16xf32>, vector<16xf32>, vector<16xf32>, vector<16xf32>, vector<16xf32>
    }
    %scan3A_267 = arith.constant 25 : i32
    %add3A_268 = arith.constant 25 : i32
    %add3A_269 = arith.addi %add3A_74, %add3A_268 : i32
    %dma_wait3A_270 = arith.constant 1 : i32
    %dma_wait3A_271 = arith.constant 0 : i32
    %dma_wait3A_272 = arith.constant 0 : i32
    %dma_wait3A_273 = arith.constant 0 : i32
    %dma_wait3A_274 = tpu.memref_slice %arg4[%dma_wait3A_270, %dma_wait3A_271, %dma_wait3A_272, %dma_wait3A_273] : memref<2x25x8x128xf32, #tpu.memory_space<vmem>> -> memref<1x25x8x128xf32, #tpu.memory_space<vmem>>
    %dma_wait3A_275 = tpu.memref_squeeze %dma_wait3A_274 : memref<1x25x8x128xf32, #tpu.memory_space<vmem>> -> memref<25x8x128xf32, #tpu.memory_space<vmem>>
    %dma_wait3A_276 = arith.constant 0 : i32
    %dma_wait3A_277 = arith.constant 0 : i32
    %dma_wait3A_278 = tpu.memref_slice %arg2[%select_n3A, %select_n3A_54, %add3A_269, %dma_wait3A_276, %dma_wait3A_277] : memref<4x2x2500x8x128xf32, #tpu.memory_space<hbm>> -> memref<1x1x25x8x128xf32, #tpu.memory_space<hbm>>
    %dma_wait3A_279 = tpu.memref_squeeze %dma_wait3A_278 : memref<1x1x25x8x128xf32, #tpu.memory_space<hbm>> -> memref<25x8x128xf32, #tpu.memory_space<hbm>>
    %dma_wait3A_280 = arith.constant 0 : i32
    %dma_wait3A_281 = arith.constant 0 : i32
    %dma_wait3A_282 = arith.constant 0 : i32
    %dma_wait3A_283 = tpu.memref_slice %arg4[%dma_wait3A_270, %dma_wait3A_280, %dma_wait3A_281, %dma_wait3A_282] : memref<2x25x8x128xf32, #tpu.memory_space<vmem>> -> memref<1x25x8x128xf32, #tpu.memory_space<vmem>>
    %dma_wait3A_284 = tpu.memref_squeeze %dma_wait3A_283 : memref<1x25x8x128xf32, #tpu.memory_space<vmem>> -> memref<25x8x128xf32, #tpu.memory_space<vmem>>
    %dma_wait3A_285 = arith.constant 0 : i32
    %dma_wait3A_286 = arith.constant 0 : i32
    %dma_wait3A_287 = tpu.memref_slice %arg2[%select_n3A, %select_n3A_54, %add3A_269, %dma_wait3A_285, %dma_wait3A_286] : memref<4x2x2500x8x128xf32, #tpu.memory_space<hbm>> -> memref<1x1x25x8x128xf32, #tpu.memory_space<hbm>>
    %dma_wait3A_288 = tpu.memref_squeeze %dma_wait3A_287 : memref<1x1x25x8x128xf32, #tpu.memory_space<hbm>> -> memref<25x8x128xf32, #tpu.memory_space<hbm>>
    tpu.wait_dma2 semaphore(%arg7 : memref<!tpu.dma_semaphore, #tpu.memory_space<semaphore_mem>>) src(%dma_wait3A_288 : memref<25x8x128xf32, #tpu.memory_space<hbm>>) dst(%dma_wait3A_284 : memref<25x8x128xf32, #tpu.memory_space<vmem>>)
    %scan3A_289 = arith.constant 0 : i32
    %scan3A_290 = arith.constant 25 : i32
    %scan3A_291 = arith.addi %scan3A_289, %scan3A_290 : i32
    %scan3A_292 = arith.constant 1 : i32
    %scan3A_293:64 = scf.for %scan3A_398 = %scan3A_289 to %scan3A_291 step %scan3A_292 iter_args(%scan3A_399 = %scan3A_266#0, %scan3A_400 = %scan3A_266#1, %scan3A_401 = %scan3A_266#2, %scan3A_402 = %scan3A_266#3, %scan3A_403 = %scan3A_266#4, %scan3A_404 = %scan3A_266#5, %scan3A_405 = %scan3A_266#6, %scan3A_406 = %scan3A_266#7, %scan3A_407 = %scan3A_266#8, %scan3A_408 = %scan3A_266#9, %scan3A_409 = %scan3A_266#10, %scan3A_410 = %scan3A_266#11, %scan3A_411 = %scan3A_266#12, %scan3A_412 = %scan3A_266#13, %scan3A_413 = %scan3A_266#14, %scan3A_414 = %scan3A_266#15, %scan3A_415 = %scan3A_266#16, %scan3A_416 = %scan3A_266#17, %scan3A_417 = %scan3A_266#18, %scan3A_418 = %scan3A_266#19, %scan3A_419 = %scan3A_266#20, %scan3A_420 = %scan3A_266#21, %scan3A_421 = %scan3A_266#22, %scan3A_422 = %scan3A_266#23, %scan3A_423 = %scan3A_266#24, %scan3A_424 = %scan3A_266#25, %scan3A_425 = %scan3A_266#26, %scan3A_426 = %scan3A_266#27, %scan3A_427 = %scan3A_266#28, %scan3A_428 = %scan3A_266#29, %scan3A_429 = %scan3A_266#30, %scan3A_430 = %scan3A_266#31, %scan3A_431 = %scan3A_266#32, %scan3A_432 = %scan3A_266#33, %scan3A_433 = %scan3A_266#34, %scan3A_434 = %scan3A_266#35, %scan3A_435 = %scan3A_266#36, %scan3A_436 = %scan3A_266#37, %scan3A_437 = %scan3A_266#38, %scan3A_438 = %scan3A_266#39, %scan3A_439 = %scan3A_266#40, %scan3A_440 = %scan3A_266#41, %scan3A_441 = %scan3A_266#42, %scan3A_442 = %scan3A_266#43, %scan3A_443 = %scan3A_266#44, %scan3A_444 = %scan3A_266#45, %scan3A_445 = %scan3A_266#46, %scan3A_446 = %scan3A_266#47, %scan3A_447 = %scan3A_266#48, %scan3A_448 = %scan3A_266#49, %scan3A_449 = %scan3A_266#50, %scan3A_450 = %scan3A_266#51, %scan3A_451 = %scan3A_266#52, %scan3A_452 = %scan3A_266#53, %scan3A_453 = %scan3A_266#54, %scan3A_454 = %scan3A_266#55, %scan3A_455 = %scan3A_266#56, %scan3A_456 = %scan3A_266#57, %scan3A_457 = %scan3A_266#58, %scan3A_458 = %scan3A_266#59, %scan3A_459 = %scan3A_266#60, %scan3A_460 = %scan3A_266#61, %scan3A_461 = %scan3A_266#62, %scan3A_462 = %scan3A_266#63) -> (vector<16xf32>, vector<16xf32>, vector<16xf32>, vector<16xf32>, vector<16xf32>, vector<16xf32>, vector<16xf32>, vector<16xf32>, vector<16xf32>, vector<16xf32>, vector<16xf32>, vector<16xf32>, vector<16xf32>, vector<16xf32>, vector<16xf32>, vector<16xf32>, vector<16xf32>, vector<16xf32>, vector<16xf32>, vector<16xf32>, vector<16xf32>, vector<16xf32>, vector<16xf32>, vector<16xf32>, vector<16xf32>, vector<16xf32>, vector<16xf32>, vector<16xf32>, vector<16xf32>, vector<16xf32>, vector<16xf32>, vector<16xf32>, vector<16xf32>, vector<16xf32>, vector<16xf32>, vector<16xf32>, vector<16xf32>, vector<16xf32>, vector<16xf32>, vector<16xf32>, vector<16xf32>, vector<16xf32>, vector<16xf32>, vector<16xf32>, vector<16xf32>, vector<16xf32>, vector<16xf32>, vector<16xf32>, vector<16xf32>, vector<16xf32>, vector<16xf32>, vector<16xf32>, vector<16xf32>, vector<16xf32>, vector<16xf32>, vector<16xf32>, vector<16xf32>, vector<16xf32>, vector<16xf32>, vector<16xf32>, vector<16xf32>, vector<16xf32>, vector<16xf32>, vector<16xf32>)  : i32 {
      %get3A = arith.constant 1 : i32
      %get3A_463 = arith.constant 0 : i32
      %get3A_464 = arith.index_cast %get3A : i32 to index
      %get3A_465 = arith.index_cast %scan3A_398 : i32 to index
      %get3A_466 = arith.index_cast %get3A_463 : i32 to index
      %get3A_467 = arith.constant 0 : index
      %get3A_468 = tpu.vector_load %arg4[%get3A_464, %get3A_465, %get3A_466, %get3A_467] {strides = array<i32>} : memref<2x25x8x128xf32, #tpu.memory_space<vmem>>, vector<1x1x1x16xf32>,
      %get3A_469 = vector.shape_cast %get3A_468 : vector<1x1x1x16xf32> to vector<16xf32>
      %add3A_470 = arith.addf %scan3A_399, %get3A_469 : vector<16xf32>
      %get3A_471 = arith.constant 1 : i32
      %get3A_472 = arith.constant 0 : i32
      %get3A_473 = arith.index_cast %get3A_471 : i32 to index
      %get3A_474 = arith.index_cast %scan3A_398 : i32 to index
      %get3A_475 = arith.index_cast %get3A_472 : i32 to index
      %get3A_476 = arith.constant 16 : index
      %get3A_477 = tpu.vector_load %arg4[%get3A_473, %get3A_474, %get3A_475, %get3A_476] {strides = array<i32>} : memref<2x25x8x128xf32, #tpu.memory_space<vmem>>, vector<1x1x1x16xf32>,
      %get3A_478 = vector.shape_cast %get3A_477 : vector<1x1x1x16xf32> to vector<16xf32>
      %add3A_479 = arith.addf %scan3A_400, %get3A_478 : vector<16xf32>
      %get3A_480 = arith.constant 1 : i32
      %get3A_481 = arith.constant 0 : i32
      %get3A_482 = arith.index_cast %get3A_480 : i32 to index
      %get3A_483 = arith.index_cast %scan3A_398 : i32 to index
      %get3A_484 = arith.index_cast %get3A_481 : i32 to index
      %get3A_485 = arith.constant 32 : index
      %get3A_486 = tpu.vector_load %arg4[%get3A_482, %get3A_483, %get3A_484, %get3A_485] {strides = array<i32>} : memref<2x25x8x128xf32, #tpu.memory_space<vmem>>, vector<1x1x1x16xf32>,
      %get3A_487 = vector.shape_cast %get3A_486 : vector<1x1x1x16xf32> to vector<16xf32>
      %add3A_488 = arith.addf %scan3A_401, %get3A_487 : vector<16xf32>
      %get3A_489 = arith.constant 1 : i32
      %get3A_490 = arith.constant 0 : i32
      %get3A_491 = arith.index_cast %get3A_489 : i32 to index
      %get3A_492 = arith.index_cast %scan3A_398 : i32 to index
      %get3A_493 = arith.index_cast %get3A_490 : i32 to index
      %get3A_494 = arith.constant 48 : index
      %get3A_495 = tpu.vector_load %arg4[%get3A_491, %get3A_492, %get3A_493, %get3A_494] {strides = array<i32>} : memref<2x25x8x128xf32, #tpu.memory_space<vmem>>, vector<1x1x1x16xf32>,
      %get3A_496 = vector.shape_cast %get3A_495 : vector<1x1x1x16xf32> to vector<16xf32>
      %add3A_497 = arith.addf %scan3A_402, %get3A_496 : vector<16xf32>
      %get3A_498 = arith.constant 1 : i32
      %get3A_499 = arith.constant 0 : i32
      %get3A_500 = arith.index_cast %get3A_498 : i32 to index
      %get3A_501 = arith.index_cast %scan3A_398 : i32 to index
      %get3A_502 = arith.index_cast %get3A_499 : i32 to index
      %get3A_503 = arith.constant 64 : index
      %get3A_504 = tpu.vector_load %arg4[%get3A_500, %get3A_501, %get3A_502, %get3A_503] {strides = array<i32>} : memref<2x25x8x128xf32, #tpu.memory_space<vmem>>, vector<1x1x1x16xf32>,
      %get3A_505 = vector.shape_cast %get3A_504 : vector<1x1x1x16xf32> to vector<16xf32>
      %add3A_506 = arith.addf %scan3A_403, %get3A_505 : vector<16xf32>
      %get3A_507 = arith.constant 1 : i32
      %get3A_508 = arith.constant 0 : i32
      %get3A_509 = arith.index_cast %get3A_507 : i32 to index
      %get3A_510 = arith.index_cast %scan3A_398 : i32 to index
      %get3A_511 = arith.index_cast %get3A_508 : i32 to index
      %get3A_512 = arith.constant 80 : index
      %get3A_513 = tpu.vector_load %arg4[%get3A_509, %get3A_510, %get3A_511, %get3A_512] {strides = array<i32>} : memref<2x25x8x128xf32, #tpu.memory_space<vmem>>, vector<1x1x1x16xf32>,
      %get3A_514 = vector.shape_cast %get3A_513 : vector<1x1x1x16xf32> to vector<16xf32>
      %add3A_515 = arith.addf %scan3A_404, %get3A_514 : vector<16xf32>
      %get3A_516 = arith.constant 1 : i32
      %get3A_517 = arith.constant 0 : i32
      %get3A_518 = arith.index_cast %get3A_516 : i32 to index
      %get3A_519 = arith.index_cast %scan3A_398 : i32 to index
      %get3A_520 = arith.index_cast %get3A_517 : i32 to index
      %get3A_521 = arith.constant 96 : index
      %get3A_522 = tpu.vector_load %arg4[%get3A_518, %get3A_519, %get3A_520, %get3A_521] {strides = array<i32>} : memref<2x25x8x128xf32, #tpu.memory_space<vmem>>, vector<1x1x1x16xf32>,
      %get3A_523 = vector.shape_cast %get3A_522 : vector<1x1x1x16xf32> to vector<16xf32>
      %add3A_524 = arith.addf %scan3A_405, %get3A_523 : vector<16xf32>
      %get3A_525 = arith.constant 1 : i32
      %get3A_526 = arith.constant 0 : i32
      %get3A_527 = arith.index_cast %get3A_525 : i32 to index
      %get3A_528 = arith.index_cast %scan3A_398 : i32 to index
      %get3A_529 = arith.index_cast %get3A_526 : i32 to index
      %get3A_530 = arith.constant 112 : index
      %get3A_531 = tpu.vector_load %arg4[%get3A_527, %get3A_528, %get3A_529, %get3A_530] {strides = array<i32>} : memref<2x25x8x128xf32, #tpu.memory_space<vmem>>, vector<1x1x1x16xf32>,
      %get3A_532 = vector.shape_cast %get3A_531 : vector<1x1x1x16xf32> to vector<16xf32>
      %add3A_533 = arith.addf %scan3A_406, %get3A_532 : vector<16xf32>
      %get3A_534 = arith.constant 1 : i32
      %get3A_535 = arith.constant 1 : i32
      %get3A_536 = arith.index_cast %get3A_534 : i32 to index
      %get3A_537 = arith.index_cast %scan3A_398 : i32 to index
      %get3A_538 = arith.index_cast %get3A_535 : i32 to index
      %get3A_539 = arith.constant 0 : index
      %get3A_540 = tpu.vector_load %arg4[%get3A_536, %get3A_537, %get3A_538, %get3A_539] {strides = array<i32>} : memref<2x25x8x128xf32, #tpu.memory_space<vmem>>, vector<1x1x1x16xf32>,
      %get3A_541 = vector.shape_cast %get3A_540 : vector<1x1x1x16xf32> to vector<16xf32>
      %add3A_542 = arith.addf %scan3A_407, %get3A_541 : vector<16xf32>
      %get3A_543 = arith.constant 1 : i32
      %get3A_544 = arith.constant 1 : i32
      %get3A_545 = arith.index_cast %get3A_543 : i32 to index
      %get3A_546 = arith.index_cast %scan3A_398 : i32 to index
      %get3A_547 = arith.index_cast %get3A_544 : i32 to index
      %get3A_548 = arith.constant 16 : index
      %get3A_549 = tpu.vector_load %arg4[%get3A_545, %get3A_546, %get3A_547, %get3A_548] {strides = array<i32>} : memref<2x25x8x128xf32, #tpu.memory_space<vmem>>, vector<1x1x1x16xf32>,
      %get3A_550 = vector.shape_cast %get3A_549 : vector<1x1x1x16xf32> to vector<16xf32>
      %add3A_551 = arith.addf %scan3A_408, %get3A_550 : vector<16xf32>
      %get3A_552 = arith.constant 1 : i32
      %get3A_553 = arith.constant 1 : i32
      %get3A_554 = arith.index_cast %get3A_552 : i32 to index
      %get3A_555 = arith.index_cast %scan3A_398 : i32 to index
      %get3A_556 = arith.index_cast %get3A_553 : i32 to index
      %get3A_557 = arith.constant 32 : index
      %get3A_558 = tpu.vector_load %arg4[%get3A_554, %get3A_555, %get3A_556, %get3A_557] {strides = array<i32>} : memref<2x25x8x128xf32, #tpu.memory_space<vmem>>, vector<1x1x1x16xf32>,
      %get3A_559 = vector.shape_cast %get3A_558 : vector<1x1x1x16xf32> to vector<16xf32>
      %add3A_560 = arith.addf %scan3A_409, %get3A_559 : vector<16xf32>
      %get3A_561 = arith.constant 1 : i32
      %get3A_562 = arith.constant 1 : i32
      %get3A_563 = arith.index_cast %get3A_561 : i32 to index
      %get3A_564 = arith.index_cast %scan3A_398 : i32 to index
      %get3A_565 = arith.index_cast %get3A_562 : i32 to index
      %get3A_566 = arith.constant 48 : index
      %get3A_567 = tpu.vector_load %arg4[%get3A_563, %get3A_564, %get3A_565, %get3A_566] {strides = array<i32>} : memref<2x25x8x128xf32, #tpu.memory_space<vmem>>, vector<1x1x1x16xf32>,
      %get3A_568 = vector.shape_cast %get3A_567 : vector<1x1x1x16xf32> to vector<16xf32>
      %add3A_569 = arith.addf %scan3A_410, %get3A_568 : vector<16xf32>
      %get3A_570 = arith.constant 1 : i32
      %get3A_571 = arith.constant 1 : i32
      %get3A_572 = arith.index_cast %get3A_570 : i32 to index
      %get3A_573 = arith.index_cast %scan3A_398 : i32 to index
      %get3A_574 = arith.index_cast %get3A_571 : i32 to index
      %get3A_575 = arith.constant 64 : index
      %get3A_576 = tpu.vector_load %arg4[%get3A_572, %get3A_573, %get3A_574, %get3A_575] {strides = array<i32>} : memref<2x25x8x128xf32, #tpu.memory_space<vmem>>, vector<1x1x1x16xf32>,
      %get3A_577 = vector.shape_cast %get3A_576 : vector<1x1x1x16xf32> to vector<16xf32>
      %add3A_578 = arith.addf %scan3A_411, %get3A_577 : vector<16xf32>
      %get3A_579 = arith.constant 1 : i32
      %get3A_580 = arith.constant 1 : i32
      %get3A_581 = arith.index_cast %get3A_579 : i32 to index
      %get3A_582 = arith.index_cast %scan3A_398 : i32 to index
      %get3A_583 = arith.index_cast %get3A_580 : i32 to index
      %get3A_584 = arith.constant 80 : index
      %get3A_585 = tpu.vector_load %arg4[%get3A_581, %get3A_582, %get3A_583, %get3A_584] {strides = array<i32>} : memref<2x25x8x128xf32, #tpu.memory_space<vmem>>, vector<1x1x1x16xf32>,
      %get3A_586 = vector.shape_cast %get3A_585 : vector<1x1x1x16xf32> to vector<16xf32>
      %add3A_587 = arith.addf %scan3A_412, %get3A_586 : vector<16xf32>
      %get3A_588 = arith.constant 1 : i32
      %get3A_589 = arith.constant 1 : i32
      %get3A_590 = arith.index_cast %get3A_588 : i32 to index
      %get3A_591 = arith.index_cast %scan3A_398 : i32 to index
      %get3A_592 = arith.index_cast %get3A_589 : i32 to index
      %get3A_593 = arith.constant 96 : index
      %get3A_594 = tpu.vector_load %arg4[%get3A_590, %get3A_591, %get3A_592, %get3A_593] {strides = array<i32>} : memref<2x25x8x128xf32, #tpu.memory_space<vmem>>, vector<1x1x1x16xf32>,
      %get3A_595 = vector.shape_cast %get3A_594 : vector<1x1x1x16xf32> to vector<16xf32>
      %add3A_596 = arith.addf %scan3A_413, %get3A_595 : vector<16xf32>
      %get3A_597 = arith.constant 1 : i32
      %get3A_598 = arith.constant 1 : i32
      %get3A_599 = arith.index_cast %get3A_597 : i32 to index
      %get3A_600 = arith.index_cast %scan3A_398 : i32 to index
      %get3A_601 = arith.index_cast %get3A_598 : i32 to index
      %get3A_602 = arith.constant 112 : index
      %get3A_603 = tpu.vector_load %arg4[%get3A_599, %get3A_600, %get3A_601, %get3A_602] {strides = array<i32>} : memref<2x25x8x128xf32, #tpu.memory_space<vmem>>, vector<1x1x1x16xf32>,
      %get3A_604 = vector.shape_cast %get3A_603 : vector<1x1x1x16xf32> to vector<16xf32>
      %add3A_605 = arith.addf %scan3A_414, %get3A_604 : vector<16xf32>
      %get3A_606 = arith.constant 1 : i32
      %get3A_607 = arith.constant 2 : i32
      %get3A_608 = arith.index_cast %get3A_606 : i32 to index
      %get3A_609 = arith.index_cast %scan3A_398 : i32 to index
      %get3A_610 = arith.index_cast %get3A_607 : i32 to index
      %get3A_611 = arith.constant 0 : index
      %get3A_612 = tpu.vector_load %arg4[%get3A_608, %get3A_609, %get3A_610, %get3A_611] {strides = array<i32>} : memref<2x25x8x128xf32, #tpu.memory_space<vmem>>, vector<1x1x1x16xf32>,
      %get3A_613 = vector.shape_cast %get3A_612 : vector<1x1x1x16xf32> to vector<16xf32>
      %add3A_614 = arith.addf %scan3A_415, %get3A_613 : vector<16xf32>
      %get3A_615 = arith.constant 1 : i32
      %get3A_616 = arith.constant 2 : i32
      %get3A_617 = arith.index_cast %get3A_615 : i32 to index
      %get3A_618 = arith.index_cast %scan3A_398 : i32 to index
      %get3A_619 = arith.index_cast %get3A_616 : i32 to index
      %get3A_620 = arith.constant 16 : index
      %get3A_621 = tpu.vector_load %arg4[%get3A_617, %get3A_618, %get3A_619, %get3A_620] {strides = array<i32>} : memref<2x25x8x128xf32, #tpu.memory_space<vmem>>, vector<1x1x1x16xf32>,
      %get3A_622 = vector.shape_cast %get3A_621 : vector<1x1x1x16xf32> to vector<16xf32>
      %add3A_623 = arith.addf %scan3A_416, %get3A_622 : vector<16xf32>
      %get3A_624 = arith.constant 1 : i32
      %get3A_625 = arith.constant 2 : i32
      %get3A_626 = arith.index_cast %get3A_624 : i32 to index
      %get3A_627 = arith.index_cast %scan3A_398 : i32 to index
      %get3A_628 = arith.index_cast %get3A_625 : i32 to index
      %get3A_629 = arith.constant 32 : index
      %get3A_630 = tpu.vector_load %arg4[%get3A_626, %get3A_627, %get3A_628, %get3A_629] {strides = array<i32>} : memref<2x25x8x128xf32, #tpu.memory_space<vmem>>, vector<1x1x1x16xf32>,
      %get3A_631 = vector.shape_cast %get3A_630 : vector<1x1x1x16xf32> to vector<16xf32>
      %add3A_632 = arith.addf %scan3A_417, %get3A_631 : vector<16xf32>
      %get3A_633 = arith.constant 1 : i32
      %get3A_634 = arith.constant 2 : i32
      %get3A_635 = arith.index_cast %get3A_633 : i32 to index
      %get3A_636 = arith.index_cast %scan3A_398 : i32 to index
      %get3A_637 = arith.index_cast %get3A_634 : i32 to index
      %get3A_638 = arith.constant 48 : index
      %get3A_639 = tpu.vector_load %arg4[%get3A_635, %get3A_636, %get3A_637, %get3A_638] {strides = array<i32>} : memref<2x25x8x128xf32, #tpu.memory_space<vmem>>, vector<1x1x1x16xf32>,
      %get3A_640 = vector.shape_cast %get3A_639 : vector<1x1x1x16xf32> to vector<16xf32>
      %add3A_641 = arith.addf %scan3A_418, %get3A_640 : vector<16xf32>
      %get3A_642 = arith.constant 1 : i32
      %get3A_643 = arith.constant 2 : i32
      %get3A_644 = arith.index_cast %get3A_642 : i32 to index
      %get3A_645 = arith.index_cast %scan3A_398 : i32 to index
      %get3A_646 = arith.index_cast %get3A_643 : i32 to index
      %get3A_647 = arith.constant 64 : index
      %get3A_648 = tpu.vector_load %arg4[%get3A_644, %get3A_645, %get3A_646, %get3A_647] {strides = array<i32>} : memref<2x25x8x128xf32, #tpu.memory_space<vmem>>, vector<1x1x1x16xf32>,
      %get3A_649 = vector.shape_cast %get3A_648 : vector<1x1x1x16xf32> to vector<16xf32>
      %add3A_650 = arith.addf %scan3A_419, %get3A_649 : vector<16xf32>
      %get3A_651 = arith.constant 1 : i32
      %get3A_652 = arith.constant 2 : i32
      %get3A_653 = arith.index_cast %get3A_651 : i32 to index
      %get3A_654 = arith.index_cast %scan3A_398 : i32 to index
      %get3A_655 = arith.index_cast %get3A_652 : i32 to index
      %get3A_656 = arith.constant 80 : index
      %get3A_657 = tpu.vector_load %arg4[%get3A_653, %get3A_654, %get3A_655, %get3A_656] {strides = array<i32>} : memref<2x25x8x128xf32, #tpu.memory_space<vmem>>, vector<1x1x1x16xf32>,
      %get3A_658 = vector.shape_cast %get3A_657 : vector<1x1x1x16xf32> to vector<16xf32>
      %add3A_659 = arith.addf %scan3A_420, %get3A_658 : vector<16xf32>
      %get3A_660 = arith.constant 1 : i32
      %get3A_661 = arith.constant 2 : i32
      %get3A_662 = arith.index_cast %get3A_660 : i32 to index
      %get3A_663 = arith.index_cast %scan3A_398 : i32 to index
      %get3A_664 = arith.index_cast %get3A_661 : i32 to index
      %get3A_665 = arith.constant 96 : index
      %get3A_666 = tpu.vector_load %arg4[%get3A_662, %get3A_663, %get3A_664, %get3A_665] {strides = array<i32>} : memref<2x25x8x128xf32, #tpu.memory_space<vmem>>, vector<1x1x1x16xf32>,
      %get3A_667 = vector.shape_cast %get3A_666 : vector<1x1x1x16xf32> to vector<16xf32>
      %add3A_668 = arith.addf %scan3A_421, %get3A_667 : vector<16xf32>
      %get3A_669 = arith.constant 1 : i32
      %get3A_670 = arith.constant 2 : i32
      %get3A_671 = arith.index_cast %get3A_669 : i32 to index
      %get3A_672 = arith.index_cast %scan3A_398 : i32 to index
      %get3A_673 = arith.index_cast %get3A_670 : i32 to index
      %get3A_674 = arith.constant 112 : index
      %get3A_675 = tpu.vector_load %arg4[%get3A_671, %get3A_672, %get3A_673, %get3A_674] {strides = array<i32>} : memref<2x25x8x128xf32, #tpu.memory_space<vmem>>, vector<1x1x1x16xf32>,
      %get3A_676 = vector.shape_cast %get3A_675 : vector<1x1x1x16xf32> to vector<16xf32>
      %add3A_677 = arith.addf %scan3A_422, %get3A_676 : vector<16xf32>
      %get3A_678 = arith.constant 1 : i32
      %get3A_679 = arith.constant 3 : i32
      %get3A_680 = arith.index_cast %get3A_678 : i32 to index
      %get3A_681 = arith.index_cast %scan3A_398 : i32 to index
      %get3A_682 = arith.index_cast %get3A_679 : i32 to index
      %get3A_683 = arith.constant 0 : index
      %get3A_684 = tpu.vector_load %arg4[%get3A_680, %get3A_681, %get3A_682, %get3A_683] {strides = array<i32>} : memref<2x25x8x128xf32, #tpu.memory_space<vmem>>, vector<1x1x1x16xf32>,
      %get3A_685 = vector.shape_cast %get3A_684 : vector<1x1x1x16xf32> to vector<16xf32>
      %add3A_686 = arith.addf %scan3A_423, %get3A_685 : vector<16xf32>
      %get3A_687 = arith.constant 1 : i32
      %get3A_688 = arith.constant 3 : i32
      %get3A_689 = arith.index_cast %get3A_687 : i32 to index
      %get3A_690 = arith.index_cast %scan3A_398 : i32 to index
      %get3A_691 = arith.index_cast %get3A_688 : i32 to index
      %get3A_692 = arith.constant 16 : index
      %get3A_693 = tpu.vector_load %arg4[%get3A_689, %get3A_690, %get3A_691, %get3A_692] {strides = array<i32>} : memref<2x25x8x128xf32, #tpu.memory_space<vmem>>, vector<1x1x1x16xf32>,
      %get3A_694 = vector.shape_cast %get3A_693 : vector<1x1x1x16xf32> to vector<16xf32>
      %add3A_695 = arith.addf %scan3A_424, %get3A_694 : vector<16xf32>
      %get3A_696 = arith.constant 1 : i32
      %get3A_697 = arith.constant 3 : i32
      %get3A_698 = arith.index_cast %get3A_696 : i32 to index
      %get3A_699 = arith.index_cast %scan3A_398 : i32 to index
      %get3A_700 = arith.index_cast %get3A_697 : i32 to index
      %get3A_701 = arith.constant 32 : index
      %get3A_702 = tpu.vector_load %arg4[%get3A_698, %get3A_699, %get3A_700, %get3A_701] {strides = array<i32>} : memref<2x25x8x128xf32, #tpu.memory_space<vmem>>, vector<1x1x1x16xf32>,
      %get3A_703 = vector.shape_cast %get3A_702 : vector<1x1x1x16xf32> to vector<16xf32>
      %add3A_704 = arith.addf %scan3A_425, %get3A_703 : vector<16xf32>
      %get3A_705 = arith.constant 1 : i32
      %get3A_706 = arith.constant 3 : i32
      %get3A_707 = arith.index_cast %get3A_705 : i32 to index
      %get3A_708 = arith.index_cast %scan3A_398 : i32 to index
      %get3A_709 = arith.index_cast %get3A_706 : i32 to index
      %get3A_710 = arith.constant 48 : index
      %get3A_711 = tpu.vector_load %arg4[%get3A_707, %get3A_708, %get3A_709, %get3A_710] {strides = array<i32>} : memref<2x25x8x128xf32, #tpu.memory_space<vmem>>, vector<1x1x1x16xf32>,
      %get3A_712 = vector.shape_cast %get3A_711 : vector<1x1x1x16xf32> to vector<16xf32>
      %add3A_713 = arith.addf %scan3A_426, %get3A_712 : vector<16xf32>
      %get3A_714 = arith.constant 1 : i32
      %get3A_715 = arith.constant 3 : i32
      %get3A_716 = arith.index_cast %get3A_714 : i32 to index
      %get3A_717 = arith.index_cast %scan3A_398 : i32 to index
      %get3A_718 = arith.index_cast %get3A_715 : i32 to index
      %get3A_719 = arith.constant 64 : index
      %get3A_720 = tpu.vector_load %arg4[%get3A_716, %get3A_717, %get3A_718, %get3A_719] {strides = array<i32>} : memref<2x25x8x128xf32, #tpu.memory_space<vmem>>, vector<1x1x1x16xf32>,
      %get3A_721 = vector.shape_cast %get3A_720 : vector<1x1x1x16xf32> to vector<16xf32>
      %add3A_722 = arith.addf %scan3A_427, %get3A_721 : vector<16xf32>
      %get3A_723 = arith.constant 1 : i32
      %get3A_724 = arith.constant 3 : i32
      %get3A_725 = arith.index_cast %get3A_723 : i32 to index
      %get3A_726 = arith.index_cast %scan3A_398 : i32 to index
      %get3A_727 = arith.index_cast %get3A_724 : i32 to index
      %get3A_728 = arith.constant 80 : index
      %get3A_729 = tpu.vector_load %arg4[%get3A_725, %get3A_726, %get3A_727, %get3A_728] {strides = array<i32>} : memref<2x25x8x128xf32, #tpu.memory_space<vmem>>, vector<1x1x1x16xf32>,
      %get3A_730 = vector.shape_cast %get3A_729 : vector<1x1x1x16xf32> to vector<16xf32>
      %add3A_731 = arith.addf %scan3A_428, %get3A_730 : vector<16xf32>
      %get3A_732 = arith.constant 1 : i32
      %get3A_733 = arith.constant 3 : i32
      %get3A_734 = arith.index_cast %get3A_732 : i32 to index
      %get3A_735 = arith.index_cast %scan3A_398 : i32 to index
      %get3A_736 = arith.index_cast %get3A_733 : i32 to index
      %get3A_737 = arith.constant 96 : index
      %get3A_738 = tpu.vector_load %arg4[%get3A_734, %get3A_735, %get3A_736, %get3A_737] {strides = array<i32>} : memref<2x25x8x128xf32, #tpu.memory_space<vmem>>, vector<1x1x1x16xf32>,
      %get3A_739 = vector.shape_cast %get3A_738 : vector<1x1x1x16xf32> to vector<16xf32>
      %add3A_740 = arith.addf %scan3A_429, %get3A_739 : vector<16xf32>
      %get3A_741 = arith.constant 1 : i32
      %get3A_742 = arith.constant 3 : i32
      %get3A_743 = arith.index_cast %get3A_741 : i32 to index
      %get3A_744 = arith.index_cast %scan3A_398 : i32 to index
      %get3A_745 = arith.index_cast %get3A_742 : i32 to index
      %get3A_746 = arith.constant 112 : index
      %get3A_747 = tpu.vector_load %arg4[%get3A_743, %get3A_744, %get3A_745, %get3A_746] {strides = array<i32>} : memref<2x25x8x128xf32, #tpu.memory_space<vmem>>, vector<1x1x1x16xf32>,
      %get3A_748 = vector.shape_cast %get3A_747 : vector<1x1x1x16xf32> to vector<16xf32>
      %add3A_749 = arith.addf %scan3A_430, %get3A_748 : vector<16xf32>
      %get3A_750 = arith.constant 1 : i32
      %get3A_751 = arith.constant 4 : i32
      %get3A_752 = arith.index_cast %get3A_750 : i32 to index
      %get3A_753 = arith.index_cast %scan3A_398 : i32 to index
      %get3A_754 = arith.index_cast %get3A_751 : i32 to index
      %get3A_755 = arith.constant 0 : index
      %get3A_756 = tpu.vector_load %arg4[%get3A_752, %get3A_753, %get3A_754, %get3A_755] {strides = array<i32>} : memref<2x25x8x128xf32, #tpu.memory_space<vmem>>, vector<1x1x1x16xf32>,
      %get3A_757 = vector.shape_cast %get3A_756 : vector<1x1x1x16xf32> to vector<16xf32>
      %add3A_758 = arith.addf %scan3A_431, %get3A_757 : vector<16xf32>
      %get3A_759 = arith.constant 1 : i32
      %get3A_760 = arith.constant 4 : i32
      %get3A_761 = arith.index_cast %get3A_759 : i32 to index
      %get3A_762 = arith.index_cast %scan3A_398 : i32 to index
      %get3A_763 = arith.index_cast %get3A_760 : i32 to index
      %get3A_764 = arith.constant 16 : index
      %get3A_765 = tpu.vector_load %arg4[%get3A_761, %get3A_762, %get3A_763, %get3A_764] {strides = array<i32>} : memref<2x25x8x128xf32, #tpu.memory_space<vmem>>, vector<1x1x1x16xf32>,
      %get3A_766 = vector.shape_cast %get3A_765 : vector<1x1x1x16xf32> to vector<16xf32>
      %add3A_767 = arith.addf %scan3A_432, %get3A_766 : vector<16xf32>
      %get3A_768 = arith.constant 1 : i32
      %get3A_769 = arith.constant 4 : i32
      %get3A_770 = arith.index_cast %get3A_768 : i32 to index
      %get3A_771 = arith.index_cast %scan3A_398 : i32 to index
      %get3A_772 = arith.index_cast %get3A_769 : i32 to index
      %get3A_773 = arith.constant 32 : index
      %get3A_774 = tpu.vector_load %arg4[%get3A_770, %get3A_771, %get3A_772, %get3A_773] {strides = array<i32>} : memref<2x25x8x128xf32, #tpu.memory_space<vmem>>, vector<1x1x1x16xf32>,
      %get3A_775 = vector.shape_cast %get3A_774 : vector<1x1x1x16xf32> to vector<16xf32>
      %add3A_776 = arith.addf %scan3A_433, %get3A_775 : vector<16xf32>
      %get3A_777 = arith.constant 1 : i32
      %get3A_778 = arith.constant 4 : i32
      %get3A_779 = arith.index_cast %get3A_777 : i32 to index
      %get3A_780 = arith.index_cast %scan3A_398 : i32 to index
      %get3A_781 = arith.index_cast %get3A_778 : i32 to index
      %get3A_782 = arith.constant 48 : index
      %get3A_783 = tpu.vector_load %arg4[%get3A_779, %get3A_780, %get3A_781, %get3A_782] {strides = array<i32>} : memref<2x25x8x128xf32, #tpu.memory_space<vmem>>, vector<1x1x1x16xf32>,
      %get3A_784 = vector.shape_cast %get3A_783 : vector<1x1x1x16xf32> to vector<16xf32>
      %add3A_785 = arith.addf %scan3A_434, %get3A_784 : vector<16xf32>
      %get3A_786 = arith.constant 1 : i32
      %get3A_787 = arith.constant 4 : i32
      %get3A_788 = arith.index_cast %get3A_786 : i32 to index
      %get3A_789 = arith.index_cast %scan3A_398 : i32 to index
      %get3A_790 = arith.index_cast %get3A_787 : i32 to index
      %get3A_791 = arith.constant 64 : index
      %get3A_792 = tpu.vector_load %arg4[%get3A_788, %get3A_789, %get3A_790, %get3A_791] {strides = array<i32>} : memref<2x25x8x128xf32, #tpu.memory_space<vmem>>, vector<1x1x1x16xf32>,
      %get3A_793 = vector.shape_cast %get3A_792 : vector<1x1x1x16xf32> to vector<16xf32>
      %add3A_794 = arith.addf %scan3A_435, %get3A_793 : vector<16xf32>
      %get3A_795 = arith.constant 1 : i32
      %get3A_796 = arith.constant 4 : i32
      %get3A_797 = arith.index_cast %get3A_795 : i32 to index
      %get3A_798 = arith.index_cast %scan3A_398 : i32 to index
      %get3A_799 = arith.index_cast %get3A_796 : i32 to index
      %get3A_800 = arith.constant 80 : index
      %get3A_801 = tpu.vector_load %arg4[%get3A_797, %get3A_798, %get3A_799, %get3A_800] {strides = array<i32>} : memref<2x25x8x128xf32, #tpu.memory_space<vmem>>, vector<1x1x1x16xf32>,
      %get3A_802 = vector.shape_cast %get3A_801 : vector<1x1x1x16xf32> to vector<16xf32>
      %add3A_803 = arith.addf %scan3A_436, %get3A_802 : vector<16xf32>
      %get3A_804 = arith.constant 1 : i32
      %get3A_805 = arith.constant 4 : i32
      %get3A_806 = arith.index_cast %get3A_804 : i32 to index
      %get3A_807 = arith.index_cast %scan3A_398 : i32 to index
      %get3A_808 = arith.index_cast %get3A_805 : i32 to index
      %get3A_809 = arith.constant 96 : index
      %get3A_810 = tpu.vector_load %arg4[%get3A_806, %get3A_807, %get3A_808, %get3A_809] {strides = array<i32>} : memref<2x25x8x128xf32, #tpu.memory_space<vmem>>, vector<1x1x1x16xf32>,
      %get3A_811 = vector.shape_cast %get3A_810 : vector<1x1x1x16xf32> to vector<16xf32>
      %add3A_812 = arith.addf %scan3A_437, %get3A_811 : vector<16xf32>
      %get3A_813 = arith.constant 1 : i32
      %get3A_814 = arith.constant 4 : i32
      %get3A_815 = arith.index_cast %get3A_813 : i32 to index
      %get3A_816 = arith.index_cast %scan3A_398 : i32 to index
      %get3A_817 = arith.index_cast %get3A_814 : i32 to index
      %get3A_818 = arith.constant 112 : index
      %get3A_819 = tpu.vector_load %arg4[%get3A_815, %get3A_816, %get3A_817, %get3A_818] {strides = array<i32>} : memref<2x25x8x128xf32, #tpu.memory_space<vmem>>, vector<1x1x1x16xf32>,
      %get3A_820 = vector.shape_cast %get3A_819 : vector<1x1x1x16xf32> to vector<16xf32>
      %add3A_821 = arith.addf %scan3A_438, %get3A_820 : vector<16xf32>
      %get3A_822 = arith.constant 1 : i32
      %get3A_823 = arith.constant 5 : i32
      %get3A_824 = arith.index_cast %get3A_822 : i32 to index
      %get3A_825 = arith.index_cast %scan3A_398 : i32 to index
      %get3A_826 = arith.index_cast %get3A_823 : i32 to index
      %get3A_827 = arith.constant 0 : index
      %get3A_828 = tpu.vector_load %arg4[%get3A_824, %get3A_825, %get3A_826, %get3A_827] {strides = array<i32>} : memref<2x25x8x128xf32, #tpu.memory_space<vmem>>, vector<1x1x1x16xf32>,
      %get3A_829 = vector.shape_cast %get3A_828 : vector<1x1x1x16xf32> to vector<16xf32>
      %add3A_830 = arith.addf %scan3A_439, %get3A_829 : vector<16xf32>
      %get3A_831 = arith.constant 1 : i32
      %get3A_832 = arith.constant 5 : i32
      %get3A_833 = arith.index_cast %get3A_831 : i32 to index
      %get3A_834 = arith.index_cast %scan3A_398 : i32 to index
      %get3A_835 = arith.index_cast %get3A_832 : i32 to index
      %get3A_836 = arith.constant 16 : index
      %get3A_837 = tpu.vector_load %arg4[%get3A_833, %get3A_834, %get3A_835, %get3A_836] {strides = array<i32>} : memref<2x25x8x128xf32, #tpu.memory_space<vmem>>, vector<1x1x1x16xf32>,
      %get3A_838 = vector.shape_cast %get3A_837 : vector<1x1x1x16xf32> to vector<16xf32>
      %add3A_839 = arith.addf %scan3A_440, %get3A_838 : vector<16xf32>
      %get3A_840 = arith.constant 1 : i32
      %get3A_841 = arith.constant 5 : i32
      %get3A_842 = arith.index_cast %get3A_840 : i32 to index
      %get3A_843 = arith.index_cast %scan3A_398 : i32 to index
      %get3A_844 = arith.index_cast %get3A_841 : i32 to index
      %get3A_845 = arith.constant 32 : index
      %get3A_846 = tpu.vector_load %arg4[%get3A_842, %get3A_843, %get3A_844, %get3A_845] {strides = array<i32>} : memref<2x25x8x128xf32, #tpu.memory_space<vmem>>, vector<1x1x1x16xf32>,
      %get3A_847 = vector.shape_cast %get3A_846 : vector<1x1x1x16xf32> to vector<16xf32>
      %add3A_848 = arith.addf %scan3A_441, %get3A_847 : vector<16xf32>
      %get3A_849 = arith.constant 1 : i32
      %get3A_850 = arith.constant 5 : i32
      %get3A_851 = arith.index_cast %get3A_849 : i32 to index
      %get3A_852 = arith.index_cast %scan3A_398 : i32 to index
      %get3A_853 = arith.index_cast %get3A_850 : i32 to index
      %get3A_854 = arith.constant 48 : index
      %get3A_855 = tpu.vector_load %arg4[%get3A_851, %get3A_852, %get3A_853, %get3A_854] {strides = array<i32>} : memref<2x25x8x128xf32, #tpu.memory_space<vmem>>, vector<1x1x1x16xf32>,
      %get3A_856 = vector.shape_cast %get3A_855 : vector<1x1x1x16xf32> to vector<16xf32>
      %add3A_857 = arith.addf %scan3A_442, %get3A_856 : vector<16xf32>
      %get3A_858 = arith.constant 1 : i32
      %get3A_859 = arith.constant 5 : i32
      %get3A_860 = arith.index_cast %get3A_858 : i32 to index
      %get3A_861 = arith.index_cast %scan3A_398 : i32 to index
      %get3A_862 = arith.index_cast %get3A_859 : i32 to index
      %get3A_863 = arith.constant 64 : index
      %get3A_864 = tpu.vector_load %arg4[%get3A_860, %get3A_861, %get3A_862, %get3A_863] {strides = array<i32>} : memref<2x25x8x128xf32, #tpu.memory_space<vmem>>, vector<1x1x1x16xf32>,
      %get3A_865 = vector.shape_cast %get3A_864 : vector<1x1x1x16xf32> to vector<16xf32>
      %add3A_866 = arith.addf %scan3A_443, %get3A_865 : vector<16xf32>
      %get3A_867 = arith.constant 1 : i32
      %get3A_868 = arith.constant 5 : i32
      %get3A_869 = arith.index_cast %get3A_867 : i32 to index
      %get3A_870 = arith.index_cast %scan3A_398 : i32 to index
      %get3A_871 = arith.index_cast %get3A_868 : i32 to index
      %get3A_872 = arith.constant 80 : index
      %get3A_873 = tpu.vector_load %arg4[%get3A_869, %get3A_870, %get3A_871, %get3A_872] {strides = array<i32>} : memref<2x25x8x128xf32, #tpu.memory_space<vmem>>, vector<1x1x1x16xf32>,
      %get3A_874 = vector.shape_cast %get3A_873 : vector<1x1x1x16xf32> to vector<16xf32>
      %add3A_875 = arith.addf %scan3A_444, %get3A_874 : vector<16xf32>
      %get3A_876 = arith.constant 1 : i32
      %get3A_877 = arith.constant 5 : i32
      %get3A_878 = arith.index_cast %get3A_876 : i32 to index
      %get3A_879 = arith.index_cast %scan3A_398 : i32 to index
      %get3A_880 = arith.index_cast %get3A_877 : i32 to index
      %get3A_881 = arith.constant 96 : index
      %get3A_882 = tpu.vector_load %arg4[%get3A_878, %get3A_879, %get3A_880, %get3A_881] {strides = array<i32>} : memref<2x25x8x128xf32, #tpu.memory_space<vmem>>, vector<1x1x1x16xf32>,
      %get3A_883 = vector.shape_cast %get3A_882 : vector<1x1x1x16xf32> to vector<16xf32>
      %add3A_884 = arith.addf %scan3A_445, %get3A_883 : vector<16xf32>
      %get3A_885 = arith.constant 1 : i32
      %get3A_886 = arith.constant 5 : i32
      %get3A_887 = arith.index_cast %get3A_885 : i32 to index
      %get3A_888 = arith.index_cast %scan3A_398 : i32 to index
      %get3A_889 = arith.index_cast %get3A_886 : i32 to index
      %get3A_890 = arith.constant 112 : index
      %get3A_891 = tpu.vector_load %arg4[%get3A_887, %get3A_888, %get3A_889, %get3A_890] {strides = array<i32>} : memref<2x25x8x128xf32, #tpu.memory_space<vmem>>, vector<1x1x1x16xf32>,
      %get3A_892 = vector.shape_cast %get3A_891 : vector<1x1x1x16xf32> to vector<16xf32>
      %add3A_893 = arith.addf %scan3A_446, %get3A_892 : vector<16xf32>
      %get3A_894 = arith.constant 1 : i32
      %get3A_895 = arith.constant 6 : i32
      %get3A_896 = arith.index_cast %get3A_894 : i32 to index
      %get3A_897 = arith.index_cast %scan3A_398 : i32 to index
      %get3A_898 = arith.index_cast %get3A_895 : i32 to index
      %get3A_899 = arith.constant 0 : index
      %get3A_900 = tpu.vector_load %arg4[%get3A_896, %get3A_897, %get3A_898, %get3A_899] {strides = array<i32>} : memref<2x25x8x128xf32, #tpu.memory_space<vmem>>, vector<1x1x1x16xf32>,
      %get3A_901 = vector.shape_cast %get3A_900 : vector<1x1x1x16xf32> to vector<16xf32>
      %add3A_902 = arith.addf %scan3A_447, %get3A_901 : vector<16xf32>
      %get3A_903 = arith.constant 1 : i32
      %get3A_904 = arith.constant 6 : i32
      %get3A_905 = arith.index_cast %get3A_903 : i32 to index
      %get3A_906 = arith.index_cast %scan3A_398 : i32 to index
      %get3A_907 = arith.index_cast %get3A_904 : i32 to index
      %get3A_908 = arith.constant 16 : index
      %get3A_909 = tpu.vector_load %arg4[%get3A_905, %get3A_906, %get3A_907, %get3A_908] {strides = array<i32>} : memref<2x25x8x128xf32, #tpu.memory_space<vmem>>, vector<1x1x1x16xf32>,
      %get3A_910 = vector.shape_cast %get3A_909 : vector<1x1x1x16xf32> to vector<16xf32>
      %add3A_911 = arith.addf %scan3A_448, %get3A_910 : vector<16xf32>
      %get3A_912 = arith.constant 1 : i32
      %get3A_913 = arith.constant 6 : i32
      %get3A_914 = arith.index_cast %get3A_912 : i32 to index
      %get3A_915 = arith.index_cast %scan3A_398 : i32 to index
      %get3A_916 = arith.index_cast %get3A_913 : i32 to index
      %get3A_917 = arith.constant 32 : index
      %get3A_918 = tpu.vector_load %arg4[%get3A_914, %get3A_915, %get3A_916, %get3A_917] {strides = array<i32>} : memref<2x25x8x128xf32, #tpu.memory_space<vmem>>, vector<1x1x1x16xf32>,
      %get3A_919 = vector.shape_cast %get3A_918 : vector<1x1x1x16xf32> to vector<16xf32>
      %add3A_920 = arith.addf %scan3A_449, %get3A_919 : vector<16xf32>
      %get3A_921 = arith.constant 1 : i32
      %get3A_922 = arith.constant 6 : i32
      %get3A_923 = arith.index_cast %get3A_921 : i32 to index
      %get3A_924 = arith.index_cast %scan3A_398 : i32 to index
      %get3A_925 = arith.index_cast %get3A_922 : i32 to index
      %get3A_926 = arith.constant 48 : index
      %get3A_927 = tpu.vector_load %arg4[%get3A_923, %get3A_924, %get3A_925, %get3A_926] {strides = array<i32>} : memref<2x25x8x128xf32, #tpu.memory_space<vmem>>, vector<1x1x1x16xf32>,
      %get3A_928 = vector.shape_cast %get3A_927 : vector<1x1x1x16xf32> to vector<16xf32>
      %add3A_929 = arith.addf %scan3A_450, %get3A_928 : vector<16xf32>
      %get3A_930 = arith.constant 1 : i32
      %get3A_931 = arith.constant 6 : i32
      %get3A_932 = arith.index_cast %get3A_930 : i32 to index
      %get3A_933 = arith.index_cast %scan3A_398 : i32 to index
      %get3A_934 = arith.index_cast %get3A_931 : i32 to index
      %get3A_935 = arith.constant 64 : index
      %get3A_936 = tpu.vector_load %arg4[%get3A_932, %get3A_933, %get3A_934, %get3A_935] {strides = array<i32>} : memref<2x25x8x128xf32, #tpu.memory_space<vmem>>, vector<1x1x1x16xf32>,
      %get3A_937 = vector.shape_cast %get3A_936 : vector<1x1x1x16xf32> to vector<16xf32>
      %add3A_938 = arith.addf %scan3A_451, %get3A_937 : vector<16xf32>
      %get3A_939 = arith.constant 1 : i32
      %get3A_940 = arith.constant 6 : i32
      %get3A_941 = arith.index_cast %get3A_939 : i32 to index
      %get3A_942 = arith.index_cast %scan3A_398 : i32 to index
      %get3A_943 = arith.index_cast %get3A_940 : i32 to index
      %get3A_944 = arith.constant 80 : index
      %get3A_945 = tpu.vector_load %arg4[%get3A_941, %get3A_942, %get3A_943, %get3A_944] {strides = array<i32>} : memref<2x25x8x128xf32, #tpu.memory_space<vmem>>, vector<1x1x1x16xf32>,
      %get3A_946 = vector.shape_cast %get3A_945 : vector<1x1x1x16xf32> to vector<16xf32>
      %add3A_947 = arith.addf %scan3A_452, %get3A_946 : vector<16xf32>
      %get3A_948 = arith.constant 1 : i32
      %get3A_949 = arith.constant 6 : i32
      %get3A_950 = arith.index_cast %get3A_948 : i32 to index
      %get3A_951 = arith.index_cast %scan3A_398 : i32 to index
      %get3A_952 = arith.index_cast %get3A_949 : i32 to index
      %get3A_953 = arith.constant 96 : index
      %get3A_954 = tpu.vector_load %arg4[%get3A_950, %get3A_951, %get3A_952, %get3A_953] {strides = array<i32>} : memref<2x25x8x128xf32, #tpu.memory_space<vmem>>, vector<1x1x1x16xf32>,
      %get3A_955 = vector.shape_cast %get3A_954 : vector<1x1x1x16xf32> to vector<16xf32>
      %add3A_956 = arith.addf %scan3A_453, %get3A_955 : vector<16xf32>
      %get3A_957 = arith.constant 1 : i32
      %get3A_958 = arith.constant 6 : i32
      %get3A_959 = arith.index_cast %get3A_957 : i32 to index
      %get3A_960 = arith.index_cast %scan3A_398 : i32 to index
      %get3A_961 = arith.index_cast %get3A_958 : i32 to index
      %get3A_962 = arith.constant 112 : index
      %get3A_963 = tpu.vector_load %arg4[%get3A_959, %get3A_960, %get3A_961, %get3A_962] {strides = array<i32>} : memref<2x25x8x128xf32, #tpu.memory_space<vmem>>, vector<1x1x1x16xf32>,
      %get3A_964 = vector.shape_cast %get3A_963 : vector<1x1x1x16xf32> to vector<16xf32>
      %add3A_965 = arith.addf %scan3A_454, %get3A_964 : vector<16xf32>
      %get3A_966 = arith.constant 1 : i32
      %get3A_967 = arith.constant 7 : i32
      %get3A_968 = arith.index_cast %get3A_966 : i32 to index
      %get3A_969 = arith.index_cast %scan3A_398 : i32 to index
      %get3A_970 = arith.index_cast %get3A_967 : i32 to index
      %get3A_971 = arith.constant 0 : index
      %get3A_972 = tpu.vector_load %arg4[%get3A_968, %get3A_969, %get3A_970, %get3A_971] {strides = array<i32>} : memref<2x25x8x128xf32, #tpu.memory_space<vmem>>, vector<1x1x1x16xf32>,
      %get3A_973 = vector.shape_cast %get3A_972 : vector<1x1x1x16xf32> to vector<16xf32>
      %add3A_974 = arith.addf %scan3A_455, %get3A_973 : vector<16xf32>
      %get3A_975 = arith.constant 1 : i32
      %get3A_976 = arith.constant 7 : i32
      %get3A_977 = arith.index_cast %get3A_975 : i32 to index
      %get3A_978 = arith.index_cast %scan3A_398 : i32 to index
      %get3A_979 = arith.index_cast %get3A_976 : i32 to index
      %get3A_980 = arith.constant 16 : index
      %get3A_981 = tpu.vector_load %arg4[%get3A_977, %get3A_978, %get3A_979, %get3A_980] {strides = array<i32>} : memref<2x25x8x128xf32, #tpu.memory_space<vmem>>, vector<1x1x1x16xf32>,
      %get3A_982 = vector.shape_cast %get3A_981 : vector<1x1x1x16xf32> to vector<16xf32>
      %add3A_983 = arith.addf %scan3A_456, %get3A_982 : vector<16xf32>
      %get3A_984 = arith.constant 1 : i32
      %get3A_985 = arith.constant 7 : i32
      %get3A_986 = arith.index_cast %get3A_984 : i32 to index
      %get3A_987 = arith.index_cast %scan3A_398 : i32 to index
      %get3A_988 = arith.index_cast %get3A_985 : i32 to index
      %get3A_989 = arith.constant 32 : index
      %get3A_990 = tpu.vector_load %arg4[%get3A_986, %get3A_987, %get3A_988, %get3A_989] {strides = array<i32>} : memref<2x25x8x128xf32, #tpu.memory_space<vmem>>, vector<1x1x1x16xf32>,
      %get3A_991 = vector.shape_cast %get3A_990 : vector<1x1x1x16xf32> to vector<16xf32>
      %add3A_992 = arith.addf %scan3A_457, %get3A_991 : vector<16xf32>
      %get3A_993 = arith.constant 1 : i32
      %get3A_994 = arith.constant 7 : i32
      %get3A_995 = arith.index_cast %get3A_993 : i32 to index
      %get3A_996 = arith.index_cast %scan3A_398 : i32 to index
      %get3A_997 = arith.index_cast %get3A_994 : i32 to index
      %get3A_998 = arith.constant 48 : index
      %get3A_999 = tpu.vector_load %arg4[%get3A_995, %get3A_996, %get3A_997, %get3A_998] {strides = array<i32>} : memref<2x25x8x128xf32, #tpu.memory_space<vmem>>, vector<1x1x1x16xf32>,
      %get3A_1000 = vector.shape_cast %get3A_999 : vector<1x1x1x16xf32> to vector<16xf32>
      %add3A_1001 = arith.addf %scan3A_458, %get3A_1000 : vector<16xf32>
      %get3A_1002 = arith.constant 1 : i32
      %get3A_1003 = arith.constant 7 : i32
      %get3A_1004 = arith.index_cast %get3A_1002 : i32 to index
      %get3A_1005 = arith.index_cast %scan3A_398 : i32 to index
      %get3A_1006 = arith.index_cast %get3A_1003 : i32 to index
      %get3A_1007 = arith.constant 64 : index
      %get3A_1008 = tpu.vector_load %arg4[%get3A_1004, %get3A_1005, %get3A_1006, %get3A_1007] {strides = array<i32>} : memref<2x25x8x128xf32, #tpu.memory_space<vmem>>, vector<1x1x1x16xf32>,
      %get3A_1009 = vector.shape_cast %get3A_1008 : vector<1x1x1x16xf32> to vector<16xf32>
      %add3A_1010 = arith.addf %scan3A_459, %get3A_1009 : vector<16xf32>
      %get3A_1011 = arith.constant 1 : i32
      %get3A_1012 = arith.constant 7 : i32
      %get3A_1013 = arith.index_cast %get3A_1011 : i32 to index
      %get3A_1014 = arith.index_cast %scan3A_398 : i32 to index
      %get3A_1015 = arith.index_cast %get3A_1012 : i32 to index
      %get3A_1016 = arith.constant 80 : index
      %get3A_1017 = tpu.vector_load %arg4[%get3A_1013, %get3A_1014, %get3A_1015, %get3A_1016] {strides = array<i32>} : memref<2x25x8x128xf32, #tpu.memory_space<vmem>>, vector<1x1x1x16xf32>,
      %get3A_1018 = vector.shape_cast %get3A_1017 : vector<1x1x1x16xf32> to vector<16xf32>
      %add3A_1019 = arith.addf %scan3A_460, %get3A_1018 : vector<16xf32>
      %get3A_1020 = arith.constant 1 : i32
      %get3A_1021 = arith.constant 7 : i32
      %get3A_1022 = arith.index_cast %get3A_1020 : i32 to index
      %get3A_1023 = arith.index_cast %scan3A_398 : i32 to index
      %get3A_1024 = arith.index_cast %get3A_1021 : i32 to index
      %get3A_1025 = arith.constant 96 : index
      %get3A_1026 = tpu.vector_load %arg4[%get3A_1022, %get3A_1023, %get3A_1024, %get3A_1025] {strides = array<i32>} : memref<2x25x8x128xf32, #tpu.memory_space<vmem>>, vector<1x1x1x16xf32>,
      %get3A_1027 = vector.shape_cast %get3A_1026 : vector<1x1x1x16xf32> to vector<16xf32>
      %add3A_1028 = arith.addf %scan3A_461, %get3A_1027 : vector<16xf32>
      %get3A_1029 = arith.constant 1 : i32
      %get3A_1030 = arith.constant 7 : i32
      %get3A_1031 = arith.index_cast %get3A_1029 : i32 to index
      %get3A_1032 = arith.index_cast %scan3A_398 : i32 to index
      %get3A_1033 = arith.index_cast %get3A_1030 : i32 to index
      %get3A_1034 = arith.constant 112 : index
      %get3A_1035 = tpu.vector_load %arg4[%get3A_1031, %get3A_1032, %get3A_1033, %get3A_1034] {strides = array<i32>} : memref<2x25x8x128xf32, #tpu.memory_space<vmem>>, vector<1x1x1x16xf32>,
      %get3A_1036 = vector.shape_cast %get3A_1035 : vector<1x1x1x16xf32> to vector<16xf32>
      %add3A_1037 = arith.addf %scan3A_462, %get3A_1036 : vector<16xf32>
      scf.yield %add3A_470, %add3A_479, %add3A_488, %add3A_497, %add3A_506, %add3A_515, %add3A_524, %add3A_533, %add3A_542, %add3A_551, %add3A_560, %add3A_569, %add3A_578, %add3A_587, %add3A_596, %add3A_605, %add3A_614, %add3A_623, %add3A_632, %add3A_641, %add3A_650, %add3A_659, %add3A_668, %add3A_677, %add3A_686, %add3A_695, %add3A_704, %add3A_713, %add3A_722, %add3A_731, %add3A_740, %add3A_749, %add3A_758, %add3A_767, %add3A_776, %add3A_785, %add3A_794, %add3A_803, %add3A_812, %add3A_821, %add3A_830, %add3A_839, %add3A_848, %add3A_857, %add3A_866, %add3A_875, %add3A_884, %add3A_893, %add3A_902, %add3A_911, %add3A_920, %add3A_929, %add3A_938, %add3A_947, %add3A_956, %add3A_965, %add3A_974, %add3A_983, %add3A_992, %add3A_1001, %add3A_1010, %add3A_1019, %add3A_1028, %add3A_1037 : vector<16xf32>, vector<16xf32>, vector<16xf32>, vector<16xf32>, vector<16xf32>, vector<16xf32>, vector<16xf32>, vector<16xf32>, vector<16xf32>, vector<16xf32>, vector<16xf32>, vector<16xf32>, vector<16xf32>, vector<16xf32>, vector<16xf32>, vector<16xf32>, vector<16xf32>, vector<16xf32>, vector<16xf32>, vector<16xf32>, vector<16xf32>, vector<16xf32>, vector<16xf32>, vector<16xf32>, vector<16xf32>, vector<16xf32>, vector<16xf32>, vector<16xf32>, vector<16xf32>, vector<16xf32>, vector<16xf32>, vector<16xf32>, vector<16xf32>, vector<16xf32>, vector<16xf32>, vector<16xf32>, vector<16xf32>, vector<16xf32>, vector<16xf32>, vector<16xf32>, vector<16xf32>, vector<16xf32>, vector<16xf32>, vector<16xf32>, vector<16xf32>, vector<16xf32>, vector<16xf32>, vector<16xf32>, vector<16xf32>, vector<16xf32>, vector<16xf32>, vector<16xf32>, vector<16xf32>, vector<16xf32>, vector<16xf32>, vector<16xf32>, vector<16xf32>, vector<16xf32>, vector<16xf32>, vector<16xf32>, vector<16xf32>, vector<16xf32>, vector<16xf32>, vector<16xf32>
    }
    %scan3A_294 = arith.constant 25 : i32
    %add3A_295 = arith.addf %scan3A_293#0, %scan3A_293#1 : vector<16xf32>
    %add3A_296 = arith.addf %add3A_295, %scan3A_293#2 : vector<16xf32>
    %add3A_297 = arith.addf %add3A_296, %scan3A_293#3 : vector<16xf32>
    %add3A_298 = arith.addf %add3A_297, %scan3A_293#4 : vector<16xf32>
    %add3A_299 = arith.addf %add3A_298, %scan3A_293#5 : vector<16xf32>
    %add3A_300 = arith.addf %add3A_299, %scan3A_293#6 : vector<16xf32>
    %add3A_301 = arith.addf %add3A_300, %scan3A_293#7 : vector<16xf32>
    %swap3A = arith.constant 0 : i32
    %swap3A_302 = arith.index_cast %swap3A : i32 to index
    %swap3A_303 = arith.constant 0 : index
    %swap3A_304 = tpu.vector_load %arg5[%swap3A_302, %swap3A_303] {strides = array<i32>} : memref<8x16xf32, #tpu.memory_space<vmem>>, vector<1x16xf32>,
    %swap3A_305 = vector.shape_cast %swap3A_304 : vector<1x16xf32> to vector<16xf32>
    %swap3A_306 = vector.shape_cast %add3A_301 : vector<16xf32> to vector<1x16xf32>
    tpu.vector_store %arg5[%swap3A_302, %swap3A_303], %swap3A_306 {strides = array<i32>} : memref<8x16xf32, #tpu.memory_space<vmem>>, vector<1x16xf32>,
    %add3A_307 = arith.addf %scan3A_293#8, %scan3A_293#9 : vector<16xf32>
    %add3A_308 = arith.addf %add3A_307, %scan3A_293#10 : vector<16xf32>
    %add3A_309 = arith.addf %add3A_308, %scan3A_293#11 : vector<16xf32>
    %add3A_310 = arith.addf %add3A_309, %scan3A_293#12 : vector<16xf32>
    %add3A_311 = arith.addf %add3A_310, %scan3A_293#13 : vector<16xf32>
    %add3A_312 = arith.addf %add3A_311, %scan3A_293#14 : vector<16xf32>
    %add3A_313 = arith.addf %add3A_312, %scan3A_293#15 : vector<16xf32>
    %swap3A_314 = arith.constant 1 : i32
    %swap3A_315 = arith.index_cast %swap3A_314 : i32 to index
    %swap3A_316 = arith.constant 0 : index
    %swap3A_317 = tpu.vector_load %arg5[%swap3A_315, %swap3A_316] {strides = array<i32>} : memref<8x16xf32, #tpu.memory_space<vmem>>, vector<1x16xf32>,
    %swap3A_318 = vector.shape_cast %swap3A_317 : vector<1x16xf32> to vector<16xf32>
    %swap3A_319 = vector.shape_cast %add3A_313 : vector<16xf32> to vector<1x16xf32>
    tpu.vector_store %arg5[%swap3A_315, %swap3A_316], %swap3A_319 {strides = array<i32>} : memref<8x16xf32, #tpu.memory_space<vmem>>, vector<1x16xf32>,
    %add3A_320 = arith.addf %scan3A_293#16, %scan3A_293#17 : vector<16xf32>
    %add3A_321 = arith.addf %add3A_320, %scan3A_293#18 : vector<16xf32>
    %add3A_322 = arith.addf %add3A_321, %scan3A_293#19 : vector<16xf32>
    %add3A_323 = arith.addf %add3A_322, %scan3A_293#20 : vector<16xf32>
    %add3A_324 = arith.addf %add3A_323, %scan3A_293#21 : vector<16xf32>
    %add3A_325 = arith.addf %add3A_324, %scan3A_293#22 : vector<16xf32>
    %add3A_326 = arith.addf %add3A_325, %scan3A_293#23 : vector<16xf32>
    %swap3A_327 = arith.constant 2 : i32
    %swap3A_328 = arith.index_cast %swap3A_327 : i32 to index
    %swap3A_329 = arith.constant 0 : index
    %swap3A_330 = tpu.vector_load %arg5[%swap3A_328, %swap3A_329] {strides = array<i32>} : memref<8x16xf32, #tpu.memory_space<vmem>>, vector<1x16xf32>,
    %swap3A_331 = vector.shape_cast %swap3A_330 : vector<1x16xf32> to vector<16xf32>
    %swap3A_332 = vector.shape_cast %add3A_326 : vector<16xf32> to vector<1x16xf32>
    tpu.vector_store %arg5[%swap3A_328, %swap3A_329], %swap3A_332 {strides = array<i32>} : memref<8x16xf32, #tpu.memory_space<vmem>>, vector<1x16xf32>,
    %add3A_333 = arith.addf %scan3A_293#24, %scan3A_293#25 : vector<16xf32>
    %add3A_334 = arith.addf %add3A_333, %scan3A_293#26 : vector<16xf32>
    %add3A_335 = arith.addf %add3A_334, %scan3A_293#27 : vector<16xf32>
    %add3A_336 = arith.addf %add3A_335, %scan3A_293#28 : vector<16xf32>
    %add3A_337 = arith.addf %add3A_336, %scan3A_293#29 : vector<16xf32>
    %add3A_338 = arith.addf %add3A_337, %scan3A_293#30 : vector<16xf32>
    %add3A_339 = arith.addf %add3A_338, %scan3A_293#31 : vector<16xf32>
    %swap3A_340 = arith.constant 3 : i32
    %swap3A_341 = arith.index_cast %swap3A_340 : i32 to index
    %swap3A_342 = arith.constant 0 : index
    %swap3A_343 = tpu.vector_load %arg5[%swap3A_341, %swap3A_342] {strides = array<i32>} : memref<8x16xf32, #tpu.memory_space<vmem>>, vector<1x16xf32>,
    %swap3A_344 = vector.shape_cast %swap3A_343 : vector<1x16xf32> to vector<16xf32>
    %swap3A_345 = vector.shape_cast %add3A_339 : vector<16xf32> to vector<1x16xf32>
    tpu.vector_store %arg5[%swap3A_341, %swap3A_342], %swap3A_345 {strides = array<i32>} : memref<8x16xf32, #tpu.memory_space<vmem>>, vector<1x16xf32>,
    %add3A_346 = arith.addf %scan3A_293#32, %scan3A_293#33 : vector<16xf32>
    %add3A_347 = arith.addf %add3A_346, %scan3A_293#34 : vector<16xf32>
    %add3A_348 = arith.addf %add3A_347, %scan3A_293#35 : vector<16xf32>
    %add3A_349 = arith.addf %add3A_348, %scan3A_293#36 : vector<16xf32>
    %add3A_350 = arith.addf %add3A_349, %scan3A_293#37 : vector<16xf32>
    %add3A_351 = arith.addf %add3A_350, %scan3A_293#38 : vector<16xf32>
    %add3A_352 = arith.addf %add3A_351, %scan3A_293#39 : vector<16xf32>
    %swap3A_353 = arith.constant 4 : i32
    %swap3A_354 = arith.index_cast %swap3A_353 : i32 to index
    %swap3A_355 = arith.constant 0 : index
    %swap3A_356 = tpu.vector_load %arg5[%swap3A_354, %swap3A_355] {strides = array<i32>} : memref<8x16xf32, #tpu.memory_space<vmem>>, vector<1x16xf32>,
    %swap3A_357 = vector.shape_cast %swap3A_356 : vector<1x16xf32> to vector<16xf32>
    %swap3A_358 = vector.shape_cast %add3A_352 : vector<16xf32> to vector<1x16xf32>
    tpu.vector_store %arg5[%swap3A_354, %swap3A_355], %swap3A_358 {strides = array<i32>} : memref<8x16xf32, #tpu.memory_space<vmem>>, vector<1x16xf32>,
    %add3A_359 = arith.addf %scan3A_293#40, %scan3A_293#41 : vector<16xf32>
    %add3A_360 = arith.addf %add3A_359, %scan3A_293#42 : vector<16xf32>
    %add3A_361 = arith.addf %add3A_360, %scan3A_293#43 : vector<16xf32>
    %add3A_362 = arith.addf %add3A_361, %scan3A_293#44 : vector<16xf32>
    %add3A_363 = arith.addf %add3A_362, %scan3A_293#45 : vector<16xf32>
    %add3A_364 = arith.addf %add3A_363, %scan3A_293#46 : vector<16xf32>
    %add3A_365 = arith.addf %add3A_364, %scan3A_293#47 : vector<16xf32>
    %swap3A_366 = arith.constant 5 : i32
    %swap3A_367 = arith.index_cast %swap3A_366 : i32 to index
    %swap3A_368 = arith.constant 0 : index
    %swap3A_369 = tpu.vector_load %arg5[%swap3A_367, %swap3A_368] {strides = array<i32>} : memref<8x16xf32, #tpu.memory_space<vmem>>, vector<1x16xf32>,
    %swap3A_370 = vector.shape_cast %swap3A_369 : vector<1x16xf32> to vector<16xf32>
    %swap3A_371 = vector.shape_cast %add3A_365 : vector<16xf32> to vector<1x16xf32>
    tpu.vector_store %arg5[%swap3A_367, %swap3A_368], %swap3A_371 {strides = array<i32>} : memref<8x16xf32, #tpu.memory_space<vmem>>, vector<1x16xf32>,
    %add3A_372 = arith.addf %scan3A_293#48, %scan3A_293#49 : vector<16xf32>
    %add3A_373 = arith.addf %add3A_372, %scan3A_293#50 : vector<16xf32>
    %add3A_374 = arith.addf %add3A_373, %scan3A_293#51 : vector<16xf32>
    %add3A_375 = arith.addf %add3A_374, %scan3A_293#52 : vector<16xf32>
    %add3A_376 = arith.addf %add3A_375, %scan3A_293#53 : vector<16xf32>
    %add3A_377 = arith.addf %add3A_376, %scan3A_293#54 : vector<16xf32>
    %add3A_378 = arith.addf %add3A_377, %scan3A_293#55 : vector<16xf32>
    %swap3A_379 = arith.constant 6 : i32
    %swap3A_380 = arith.index_cast %swap3A_379 : i32 to index
    %swap3A_381 = arith.constant 0 : index
    %swap3A_382 = tpu.vector_load %arg5[%swap3A_380, %swap3A_381] {strides = array<i32>} : memref<8x16xf32, #tpu.memory_space<vmem>>, vector<1x16xf32>,
    %swap3A_383 = vector.shape_cast %swap3A_382 : vector<1x16xf32> to vector<16xf32>
    %swap3A_384 = vector.shape_cast %add3A_378 : vector<16xf32> to vector<1x16xf32>
    tpu.vector_store %arg5[%swap3A_380, %swap3A_381], %swap3A_384 {strides = array<i32>} : memref<8x16xf32, #tpu.memory_space<vmem>>, vector<1x16xf32>,
    %add3A_385 = arith.addf %scan3A_293#56, %scan3A_293#57 : vector<16xf32>
    %add3A_386 = arith.addf %add3A_385, %scan3A_293#58 : vector<16xf32>
    %add3A_387 = arith.addf %add3A_386, %scan3A_293#59 : vector<16xf32>
    %add3A_388 = arith.addf %add3A_387, %scan3A_293#60 : vector<16xf32>
    %add3A_389 = arith.addf %add3A_388, %scan3A_293#61 : vector<16xf32>
    %add3A_390 = arith.addf %add3A_389, %scan3A_293#62 : vector<16xf32>
    %add3A_391 = arith.addf %add3A_390, %scan3A_293#63 : vector<16xf32>
    %swap3A_392 = arith.constant 7 : i32
    %swap3A_393 = arith.index_cast %swap3A_392 : i32 to index
    %swap3A_394 = arith.constant 0 : index
    %swap3A_395 = tpu.vector_load %arg5[%swap3A_393, %swap3A_394] {strides = array<i32>} : memref<8x16xf32, #tpu.memory_space<vmem>>, vector<1x16xf32>,
    %swap3A_396 = vector.shape_cast %swap3A_395 : vector<1x16xf32> to vector<16xf32>
    %swap3A_397 = vector.shape_cast %add3A_391 : vector<16xf32> to vector<1x16xf32>
    tpu.vector_store %arg5[%swap3A_393, %swap3A_394], %swap3A_397 {strides = array<i32>} : memref<8x16xf32, #tpu.memory_space<vmem>>, vector<1x16xf32>,
    "tpu.region"() ({
      %run_scoped3A = tpu.sem_alloc : memref<!tpu.dma_semaphore, #tpu.memory_space<semaphore_mem>>
      %dma_start3A_398 = arith.constant 0 : i32
      %dma_start3A_399 = arith.constant 0 : i32
      %dma_start3A_400 = tpu.memref_slice %arg3[%select_n3A, %select_n3A_54, %select_n3A_70, %dma_start3A_398, %dma_start3A_399] : memref<4x2x4x8x16xf32, #tpu.memory_space<hbm>> -> memref<1x1x1x8x16xf32, #tpu.memory_space<hbm>>
      %dma_start3A_401 = tpu.memref_squeeze %dma_start3A_400 : memref<1x1x1x8x16xf32, #tpu.memory_space<hbm>> -> memref<8x16xf32, #tpu.memory_space<hbm>>
      %dma_start3A_402 = arith.constant 0 : i32
      %dma_start3A_403 = arith.constant 0 : i32
      %dma_start3A_404 = tpu.memref_slice %arg3[%select_n3A, %select_n3A_54, %select_n3A_70, %dma_start3A_402, %dma_start3A_403] : memref<4x2x4x8x16xf32, #tpu.memory_space<hbm>> -> memref<1x1x1x8x16xf32, #tpu.memory_space<hbm>>
      %dma_start3A_405 = tpu.memref_squeeze %dma_start3A_404 : memref<1x1x1x8x16xf32, #tpu.memory_space<hbm>> -> memref<8x16xf32, #tpu.memory_space<hbm>>
      tpu.enqueue_dma source(%arg5 : memref<8x16xf32, #tpu.memory_space<vmem>>) target(%dma_start3A_405 : memref<8x16xf32, #tpu.memory_space<hbm>>) target_semaphore(%run_scoped3A : memref<!tpu.dma_semaphore, #tpu.memory_space<semaphore_mem>>)
      %dma_wait3A_406 = arith.constant 0 : i32
      %dma_wait3A_407 = arith.constant 0 : i32
      %dma_wait3A_408 = tpu.memref_slice %arg3[%select_n3A, %select_n3A_54, %select_n3A_70, %dma_wait3A_406, %dma_wait3A_407] : memref<4x2x4x8x16xf32, #tpu.memory_space<hbm>> -> memref<1x1x1x8x16xf32, #tpu.memory_space<hbm>>
      %dma_wait3A_409 = tpu.memref_squeeze %dma_wait3A_408 : memref<1x1x1x8x16xf32, #tpu.memory_space<hbm>> -> memref<8x16xf32, #tpu.memory_space<hbm>>
      %dma_wait3A_410 = arith.constant 0 : i32
      %dma_wait3A_411 = arith.constant 0 : i32
      %dma_wait3A_412 = tpu.memref_slice %arg3[%select_n3A, %select_n3A_54, %select_n3A_70, %dma_wait3A_410, %dma_wait3A_411] : memref<4x2x4x8x16xf32, #tpu.memory_space<hbm>> -> memref<1x1x1x8x16xf32, #tpu.memory_space<hbm>>
      %dma_wait3A_413 = tpu.memref_squeeze %dma_wait3A_412 : memref<1x1x1x8x16xf32, #tpu.memory_space<hbm>> -> memref<8x16xf32, #tpu.memory_space<hbm>>
      tpu.wait_dma2 semaphore(%run_scoped3A : memref<!tpu.dma_semaphore, #tpu.memory_space<semaphore_mem>>) src(%arg5 : memref<8x16xf32, #tpu.memory_space<vmem>>) dst(%dma_wait3A_413 : memref<8x16xf32, #tpu.memory_space<hbm>>)
      tpu.yield
    }) : () -> ()
    return
  }
}

module attributes {stable_mosaic.version = 14 : i64} {
  func.func @_tc_reduce(%arg0: i32, %arg1: memref<1x10000x128xf32, #tpu.memory_space<vmem>>, %arg2: memref<1x2x2300x8x128xf32, #tpu.memory_space<vmem>>, %arg3: memref<4x8x128xf32, #tpu.memory_space<vmem>>, %arg4: memref<4x2x8x128xf32, #tpu.memory_space<vmem>>, %arg5: memref<4x8x128xf32, #tpu.memory_space<vmem>>, %arg6: memref<4x2x8x128xf32, #tpu.memory_space<vmem>>) attributes {dimension_semantics = [#tpu.dimension_semantics<arbitrary>], iteration_bounds = array<i64: 8>, scalar_prefetch = 0 : i64, scratch_operands = 2 : i64, tpu.core_type = #tpu.core_type<tc>, window_params = [{transform_indices = @transform_0, window_bounds = array<i64: 1, 10000, 128>}, {transform_indices = @transform_1, window_bounds = array<i64: 1, 2, 2300, 8, 128>}, {pipeline_mode = #tpu.pipeline_mode<synchronous>, transform_indices = @transform_2, window_bounds = array<i64: 4, 8, 128>}, {pipeline_mode = #tpu.pipeline_mode<synchronous>, transform_indices = @transform_3, window_bounds = array<i64: 4, 2, 8, 128>}]} {
    %eq3A = arith.constant 0 : i32
    %eq3A_0 = arith.cmpi eq, %arg0, %eq3A : i32
    %convert_element_type3A = arith.extui %eq3A_0 : i1 to i32
    %cond3A = arith.constant 0 : i32
    %cond3A_1 = arith.cmpi ne, %convert_element_type3A, %cond3A : i32
    scf.if %cond3A_1 {
      %broadcast_in_dim3A = arith.constant 0.000000e+00 : f32
      %broadcast_in_dim3A_15 = vector.broadcast %broadcast_in_dim3A : f32 to vector<4x8x128xf32>
      %swap3A = arith.constant 0 : index
      %swap3A_16 = arith.constant 0 : index
      %swap3A_17 = arith.constant 0 : index
      %swap3A_18 = vector.load %arg5[%swap3A, %swap3A_16, %swap3A_17] : memref<4x8x128xf32, #tpu.memory_space<vmem>>, vector<4x8x128xf32>
      tpu.vector_store %arg5[%swap3A, %swap3A_16, %swap3A_17], %broadcast_in_dim3A_15 {strides = array<i32>} : memref<4x8x128xf32, #tpu.memory_space<vmem>>, vector<4x8x128xf32>,
      %broadcast_in_dim3A_19 = arith.constant 0.000000e+00 : f32
      %broadcast_in_dim3A_20 = vector.broadcast %broadcast_in_dim3A_19 : f32 to vector<4x2x8x128xf32>
      %swap3A_21 = arith.constant 0 : index
      %swap3A_22 = arith.constant 0 : index
      %swap3A_23 = arith.constant 0 : index
      %swap3A_24 = arith.constant 0 : index
      %swap3A_25 = vector.load %arg6[%swap3A_21, %swap3A_22, %swap3A_23, %swap3A_24] : memref<4x2x8x128xf32, #tpu.memory_space<vmem>>, vector<4x2x8x128xf32>
      tpu.vector_store %arg6[%swap3A_21, %swap3A_22, %swap3A_23, %swap3A_24], %broadcast_in_dim3A_20 {strides = array<i32>} : memref<4x2x8x128xf32, #tpu.memory_space<vmem>>, vector<4x2x8x128xf32>,
    } else {
    }
    %lt3A = arith.constant 4 : i32
    %lt3A_2 = arith.cmpi slt, %arg0, %lt3A : i32
    %convert_element_type3A_3 = arith.extui %lt3A_2 : i1 to i32
    %cond3A_4 = arith.constant 0 : i32
    %cond3A_5 = arith.cmpi ne, %convert_element_type3A_3, %cond3A_4 : i32
    scf.if %cond3A_5 {
      %get3A = arith.index_cast %arg0 : i32 to index
      %get3A_15 = arith.constant 0 : index
      %get3A_16 = arith.constant 0 : index
      %get3A_17 = vector.load %arg5[%get3A, %get3A_15, %get3A_16] : memref<4x8x128xf32, #tpu.memory_space<vmem>>, vector<1x8x128xf32>
      %get3A_18 = vector.shape_cast %get3A_17 : vector<1x8x128xf32> to vector<8x128xf32>
      %get3A_19 = arith.constant 0 : index
      %get3A_20 = arith.constant 0 : index
      %get3A_21 = arith.constant 0 : index
      %get3A_22 = vector.load %arg1[%get3A_19, %get3A_20, %get3A_21] : memref<1x10000x128xf32, #tpu.memory_space<vmem>>, vector<1x10000x128xf32>
      %get3A_23 = vector.shape_cast %get3A_22 : vector<1x10000x128xf32> to vector<10000x128xf32>
      %reshape3A = vector.shape_cast %get3A_23 : vector<10000x128xf32> to vector<1250x8x128xf32>
      %reduce_sum3A = arith.constant dense<0.000000e+00> : vector<8x128xf32>
      %reduce_sum3A_24 = vector.multi_reduction <add>, %reshape3A, %reduce_sum3A [0] : vector<1250x8x128xf32> to vector<8x128xf32>
      %add3A = arith.addf %get3A_18, %reduce_sum3A_24 : vector<8x128xf32>
      %swap3A = arith.index_cast %arg0 : i32 to index
      %swap3A_25 = arith.constant 0 : index
      %swap3A_26 = arith.constant 0 : index
      %swap3A_27 = vector.load %arg5[%swap3A, %swap3A_25, %swap3A_26] : memref<4x8x128xf32, #tpu.memory_space<vmem>>, vector<1x8x128xf32>
      %swap3A_28 = vector.shape_cast %swap3A_27 : vector<1x8x128xf32> to vector<8x128xf32>
      %swap3A_29 = vector.shape_cast %add3A : vector<8x128xf32> to vector<1x8x128xf32>
      tpu.vector_store %arg5[%swap3A, %swap3A_25, %swap3A_26], %swap3A_29 {strides = array<i32>} : memref<4x8x128xf32, #tpu.memory_space<vmem>>, vector<1x8x128xf32>,
    } else {
    }
    %ge3A = arith.constant 4 : i32
    %ge3A_6 = arith.cmpi sge, %arg0, %ge3A : i32
    %convert_element_type3A_7 = arith.extui %ge3A_6 : i1 to i32
    %cond3A_8 = arith.constant 0 : i32
    %cond3A_9 = arith.cmpi ne, %convert_element_type3A_7, %cond3A_8 : i32
    scf.if %cond3A_9 {
      %sub3A = arith.constant 4 : i32
      %sub3A_15 = arith.subi %arg0, %sub3A : i32
      %get3A = arith.index_cast %sub3A_15 : i32 to index
      %get3A_16 = arith.constant 0 : index
      %get3A_17 = arith.constant 0 : index
      %get3A_18 = arith.constant 0 : index
      %get3A_19 = vector.load %arg6[%get3A, %get3A_16, %get3A_17, %get3A_18] : memref<4x2x8x128xf32, #tpu.memory_space<vmem>>, vector<1x2x8x128xf32>
      %get3A_20 = vector.shape_cast %get3A_19 : vector<1x2x8x128xf32> to vector<2x8x128xf32>
      %get3A_21 = arith.constant 0 : index
      %get3A_22 = arith.constant 0 : index
      %get3A_23 = arith.constant 0 : index
      %get3A_24 = arith.constant 0 : index
      %get3A_25 = arith.constant 0 : index
      %get3A_26 = vector.load %arg2[%get3A_21, %get3A_22, %get3A_23, %get3A_24, %get3A_25] : memref<1x2x2300x8x128xf32, #tpu.memory_space<vmem>>, vector<1x2x2300x8x128xf32>
      %get3A_27 = vector.shape_cast %get3A_26 : vector<1x2x2300x8x128xf32> to vector<2x2300x8x128xf32>
      %reduce_sum3A = arith.constant dense<0.000000e+00> : vector<2x8x128xf32>
      %reduce_sum3A_28 = vector.multi_reduction <add>, %get3A_27, %reduce_sum3A [1] : vector<2x2300x8x128xf32> to vector<2x8x128xf32>
      %add3A = arith.addf %get3A_20, %reduce_sum3A_28 : vector<2x8x128xf32>
      %swap3A = arith.index_cast %sub3A_15 : i32 to index
      %swap3A_29 = arith.constant 0 : index
      %swap3A_30 = arith.constant 0 : index
      %swap3A_31 = arith.constant 0 : index
      %swap3A_32 = vector.load %arg6[%swap3A, %swap3A_29, %swap3A_30, %swap3A_31] : memref<4x2x8x128xf32, #tpu.memory_space<vmem>>, vector<1x2x8x128xf32>
      %swap3A_33 = vector.shape_cast %swap3A_32 : vector<1x2x8x128xf32> to vector<2x8x128xf32>
      %swap3A_34 = vector.shape_cast %add3A : vector<2x8x128xf32> to vector<1x2x8x128xf32>
      tpu.vector_store %arg6[%swap3A, %swap3A_29, %swap3A_30, %swap3A_31], %swap3A_34 {strides = array<i32>} : memref<4x2x8x128xf32, #tpu.memory_space<vmem>>, vector<1x2x8x128xf32>,
    } else {
    }
    %eq3A_10 = arith.constant 7 : i32
    %eq3A_11 = arith.cmpi eq, %arg0, %eq3A_10 : i32
    %convert_element_type3A_12 = arith.extui %eq3A_11 : i1 to i32
    %cond3A_13 = arith.constant 0 : i32
    %cond3A_14 = arith.cmpi ne, %convert_element_type3A_12, %cond3A_13 : i32
    scf.if %cond3A_14 {
      %get3A = arith.constant 0 : index
      %get3A_15 = arith.constant 0 : index
      %get3A_16 = arith.constant 0 : index
      %get3A_17 = vector.load %arg5[%get3A, %get3A_15, %get3A_16] : memref<4x8x128xf32, #tpu.memory_space<vmem>>, vector<4x8x128xf32>
      %swap3A = arith.constant 0 : index
      %swap3A_18 = arith.constant 0 : index
      %swap3A_19 = arith.constant 0 : index
      %swap3A_20 = vector.load %arg3[%swap3A, %swap3A_18, %swap3A_19] : memref<4x8x128xf32, #tpu.memory_space<vmem>>, vector<4x8x128xf32>
      tpu.vector_store %arg3[%swap3A, %swap3A_18, %swap3A_19], %get3A_17 {strides = array<i32>} : memref<4x8x128xf32, #tpu.memory_space<vmem>>, vector<4x8x128xf32>,
      %get3A_21 = arith.constant 0 : index
      %get3A_22 = arith.constant 0 : index
      %get3A_23 = arith.constant 0 : index
      %get3A_24 = arith.constant 0 : index
      %get3A_25 = vector.load %arg6[%get3A_21, %get3A_22, %get3A_23, %get3A_24] : memref<4x2x8x128xf32, #tpu.memory_space<vmem>>, vector<4x2x8x128xf32>
      %swap3A_26 = arith.constant 0 : index
      %swap3A_27 = arith.constant 0 : index
      %swap3A_28 = arith.constant 0 : index
      %swap3A_29 = arith.constant 0 : index
      %swap3A_30 = vector.load %arg4[%swap3A_26, %swap3A_27, %swap3A_28, %swap3A_29] : memref<4x2x8x128xf32, #tpu.memory_space<vmem>>, vector<4x2x8x128xf32>
      tpu.vector_store %arg4[%swap3A_26, %swap3A_27, %swap3A_28, %swap3A_29], %get3A_25 {strides = array<i32>} : memref<4x2x8x128xf32, #tpu.memory_space<vmem>>, vector<4x2x8x128xf32>,
    } else {
    }
    return
  }
  func.func @transform_0(%arg0: i32) -> (i32, i32, i32) {
    %min3A = arith.constant 3 : i32
    %min3A_0 = arith.minsi %arg0, %min3A : i32
    %c0_i32 = arith.constant 0 : i32
    %c0_i32_1 = arith.constant 0 : i32
    %c0_i32_2 = arith.constant 0 : i32
    return %min3A_0, %c0_i32, %c0_i32_1 : i32, i32, i32
  }
  func.func @transform_1(%arg0: i32) -> (i32, i32, i32, i32, i32) {
    %sub3A = arith.constant 4 : i32
    %sub3A_0 = arith.subi %arg0, %sub3A : i32
    %max3A = arith.constant 0 : i32
    %max3A_1 = arith.maxsi %sub3A_0, %max3A : i32
    %c0_i32 = arith.constant 0 : i32
    %c0_i32_2 = arith.constant 0 : i32
    %c0_i32_3 = arith.constant 0 : i32
    %c0_i32_4 = arith.constant 0 : i32
    %c0_i32_5 = arith.constant 0 : i32
    return %max3A_1, %c0_i32, %c0_i32_2, %c0_i32_3, %c0_i32_4 : i32, i32, i32, i32, i32
  }
  func.func @transform_2(%arg0: i32) -> (i32, i32, i32) {
    %c0_i32 = arith.constant 0 : i32
    %c0_i32_0 = arith.constant 0 : i32
    %c0_i32_1 = arith.constant 0 : i32
    %c0_i32_2 = arith.constant 0 : i32
    return %c0_i32, %c0_i32_0, %c0_i32_1 : i32, i32, i32
  }
  func.func @transform_3(%arg0: i32) -> (i32, i32, i32, i32) {
    %c0_i32 = arith.constant 0 : i32
    %c0_i32_0 = arith.constant 0 : i32
    %c0_i32_1 = arith.constant 0 : i32
    %c0_i32_2 = arith.constant 0 : i32
    %c0_i32_3 = arith.constant 0 : i32
    return %c0_i32, %c0_i32_0, %c0_i32_1, %c0_i32_2 : i32, i32, i32, i32
  }
}

module attributes {stable_mosaic.version = 14 : i64} {
  func.func @_tc_finish(%arg0: memref<4x1x32xf32, #tpu.memory_space<vmem>>, %arg1: memref<4x8x128xf32, #tpu.memory_space<vmem>>, %arg2: memref<4x2x8x128xf32, #tpu.memory_space<vmem>>, %arg3: memref<4x2x4x8x16xf32, #tpu.memory_space<vmem>>, %arg4: memref<176x32xf32, #tpu.memory_space<vmem>>, %arg5: memref<32xf32, #tpu.memory_space<vmem>>, %arg6: memref<4x1x32xf32, #tpu.memory_space<vmem>>) attributes {dimension_semantics = [], scalar_prefetch = 0 : i64, scratch_operands = 0 : i64, tpu.core_type = #tpu.core_type<tc>} {
    %get3A = arith.constant 0 : index
    %get3A_0 = arith.constant 0 : index
    %get3A_1 = arith.constant 0 : index
    %get3A_2 = vector.load %arg1[%get3A, %get3A_0, %get3A_1] : memref<4x8x128xf32, #tpu.memory_space<vmem>>, vector<4x8x128xf32>
    %reduce_sum3A = arith.constant dense<0.000000e+00> : vector<4x128xf32>
    %reduce_sum3A_3 = vector.multi_reduction <add>, %get3A_2, %reduce_sum3A [1] : vector<4x8x128xf32> to vector<4x128xf32>
    %mul3A = arith.constant 9.99999974E-5 : f32
    %mul3A_4 = vector.broadcast %mul3A : f32 to vector<4x128xf32>
    %mul3A_5 = arith.mulf %reduce_sum3A_3, %mul3A_4 : vector<4x128xf32>
    %get3A_6 = arith.constant 0 : index
    %get3A_7 = arith.constant 0 : index
    %get3A_8 = arith.constant 0 : index
    %get3A_9 = arith.constant 0 : index
    %get3A_10 = vector.load %arg2[%get3A_6, %get3A_7, %get3A_8, %get3A_9] : memref<4x2x8x128xf32, #tpu.memory_space<vmem>>, vector<4x2x8x128xf32>
    %reduce_sum3A_11 = arith.constant dense<0.000000e+00> : vector<4x2x8xf32>
    %reduce_sum3A_12 = vector.multi_reduction <add>, %get3A_10, %reduce_sum3A_11 [3] : vector<4x2x8x128xf32> to vector<4x2x8xf32>
    %get3A_13 = arith.constant 0 : index
    %get3A_14 = arith.constant 0 : index
    %get3A_15 = arith.constant 0 : index
    %get3A_16 = arith.constant 0 : index
    %get3A_17 = arith.constant 0 : index
    %get3A_18 = vector.load %arg3[%get3A_13, %get3A_14, %get3A_15, %get3A_16, %get3A_17] : memref<4x2x4x8x16xf32, #tpu.memory_space<vmem>>, vector<4x2x4x8x16xf32>
    %reduce_sum3A_19 = arith.constant dense<0.000000e+00> : vector<4x2x8xf32>
    %reduce_sum3A_20 = vector.multi_reduction <add>, %get3A_18, %reduce_sum3A_19 [2, 4] : vector<4x2x4x8x16xf32> to vector<4x2x8xf32>
    %add3A = arith.addf %reduce_sum3A_12, %reduce_sum3A_20 : vector<4x2x8xf32>
    %reshape3A = vector.shape_cast %add3A : vector<4x2x8xf32> to vector<4x16xf32>
    %mul3A_21 = arith.constant 3.125000e-06 : f32
    %mul3A_22 = vector.broadcast %mul3A_21 : f32 to vector<4x16xf32>
    %mul3A_23 = arith.mulf %reshape3A, %mul3A_22 : vector<4x16xf32>
    %get3A_24 = arith.constant 0 : index
    %get3A_25 = arith.constant 0 : index
    %get3A_26 = arith.constant 0 : index
    %get3A_27 = vector.load %arg0[%get3A_24, %get3A_25, %get3A_26] : memref<4x1x32xf32, #tpu.memory_space<vmem>>, vector<4x1x32xf32>
    %squeeze3A = vector.shape_cast %get3A_27 : vector<4x1x32xf32> to vector<4x32xf32>
    %get3A_28 = arith.constant 0 : index
    %get3A_29 = arith.constant 0 : index
    %get3A_30 = vector.load %arg4[%get3A_28, %get3A_29] : memref<176x32xf32, #tpu.memory_space<vmem>>, vector<176x32xf32>
    %slice3A = vector.extract_strided_slice %get3A_30 {offsets = [0, 0], sizes = [32, 32], strides = [1, 1]} : vector<176x32xf32> to vector<32x32xf32>
    %dot_general3A = arith.constant dense<0.000000e+00> : vector<4x32xf32>
    %dot_general3A_31 = tpu.matmul %squeeze3A, %slice3A, %dot_general3A {dimension_numbers = #tpu.dot_dimension_numbers<[1], [0], [0], [1], [0, 0, 1, 1], [], []>, transpose_lhs_hint = false} : vector<4x32xf32>, vector<32x32xf32>, vector<4x32xf32> -> vector<4x32xf32>
    %slice3A_32 = vector.extract_strided_slice %get3A_30 {offsets = [32, 0], sizes = [128, 32], strides = [1, 1]} : vector<176x32xf32> to vector<128x32xf32>
    %dot_general3A_33 = arith.constant dense<0.000000e+00> : vector<4x32xf32>
    %dot_general3A_34 = tpu.matmul %mul3A_5, %slice3A_32, %dot_general3A_33 {dimension_numbers = #tpu.dot_dimension_numbers<[1], [0], [0], [1], [0, 0, 1, 1], [], []>, transpose_lhs_hint = false} : vector<4x128xf32>, vector<128x32xf32>, vector<4x32xf32> -> vector<4x32xf32>
    %add3A_35 = arith.addf %dot_general3A_31, %dot_general3A_34 : vector<4x32xf32>
    %slice3A_36 = vector.extract_strided_slice %get3A_30 {offsets = [160, 0], sizes = [16, 32], strides = [1, 1]} : vector<176x32xf32> to vector<16x32xf32>
    %dot_general3A_37 = arith.constant dense<0.000000e+00> : vector<4x32xf32>
    %dot_general3A_38 = tpu.matmul %mul3A_23, %slice3A_36, %dot_general3A_37 {dimension_numbers = #tpu.dot_dimension_numbers<[1], [0], [0], [1], [0, 0, 1, 1], [], []>, transpose_lhs_hint = false} : vector<4x16xf32>, vector<16x32xf32>, vector<4x32xf32> -> vector<4x32xf32>
    %add3A_39 = arith.addf %add3A_35, %dot_general3A_38 : vector<4x32xf32>
    %get3A_40 = arith.constant 0 : index
    %get3A_41 = vector.load %arg5[%get3A_40] : memref<32xf32, #tpu.memory_space<vmem>>, vector<32xf32>
    %broadcast_in_dim3A = vector.shape_cast %get3A_41 : vector<32xf32> to vector<1x32xf32>
    %add3A_42 = vector.broadcast %broadcast_in_dim3A : vector<1x32xf32> to vector<4x32xf32>
    %add3A_43 = arith.addf %add3A_39, %add3A_42 : vector<4x32xf32>
    %broadcast_in_dim3A_44 = vector.shape_cast %add3A_43 : vector<4x32xf32> to vector<4x1x32xf32>
    %swap3A = arith.constant 0 : index
    %swap3A_45 = arith.constant 0 : index
    %swap3A_46 = arith.constant 0 : index
    %swap3A_47 = vector.load %arg6[%swap3A, %swap3A_45, %swap3A_46] : memref<4x1x32xf32, #tpu.memory_space<vmem>>, vector<4x1x32xf32>
    tpu.vector_store %arg6[%swap3A, %swap3A_45, %swap3A_46], %broadcast_in_dim3A_44 {strides = array<i32>} : memref<4x1x32xf32, #tpu.memory_space<vmem>>, vector<4x1x32xf32>,
    return
  }
}

</mosaic_0001>

<sc_bundles>
// kernel: kernel.5.cloned.1.call-start
scs
__scs_entry_jumppad:
0x0: {  	(pc) =	sbr.rel $0x88, $3  }
0x1: {  	(tag) =	ssettag $0x0;
	lr =	simm.s32 $0x1  }
0x2: {  	[smem:$0x3F9C] =	sst lr;
	_ =	strace $0xD0000000  }
0x3: {  	_ = 	snop  }
0x4: {  	_ = 	snop  }
0x5: {  	_ = 	snop  }
0x6: {  	_ = 	snop  }
0x7: {  	_ = 	snop  }
__scs_overlays_trampoline_lowered:
0x8: {  	[smem:$0x3FAB] =	sst s0  }
0x9: {  	[smem:$0x3FAC] =	sst s1  }
0xa: {  	[smem:$0x3FAD] =	sst s2  }
0xb: {  	[smem:$0x3FAE] =	sst s3  }
0xc: {  	[smem:$0x3FAF] =	sst s4  }
0xd: {  	[smem:$0x3FB0] =	sst s5  }
0xe: {  	[smem:$0x3FB1] =	sst s6  }
0xf: {  	[smem:$0x3FB2] =	sst s7  }
0x10: {  	[smem:$0x3FB3] =	sst s8  }
0x11: {  	[smem:$0x3FB4] =	sst s9;
	s0 =	simm.s32 @!p0 $0x0  }
0x12: {  	s1 =	sld [smem:$0x3F9A];
	s0 =	simm.s32 @p0 $0x1  }
0x13: {  	[smem:$0x3FB5] =	sst s0;
	s0 =	simm.s32 @!p1 $0x0  }
0x14: {  	s2 =	sld [smem:$0x3F99];
	s0 =	simm.s32 @p1 $0x1  }
0x15: {  	[smem:$0x3FB6] =	sst s0;
	s0 =	simm.s32 @!p2 $0x0  }
0x16: {  	s3 =	sld [smem:$0x3FDB];
	s0 =	simm.s32 @p2 $0x1  }
0x17: {  	s4 =	simm.s32 $0x1BF5;
	[smem:$0x3FB8] =	sst s0  }
0x18: {  	s0 =	sld [smem:$0x3F9B];
	_ =	swait.ge [sflag:s4], $0x0  }
0x19: {  	s7 =	sld [smem:$0x3F9C]  }
0x1a: {  	s8 =	sadd.s32 $0xFFFFE003, lr  }
0x1b: {  	s9 =	sadd.s32 $0xFFFFFEF7, lr;
	s5 =	simm.s32 $0xFFFFFFFF;
	p2 =	slt.u32 s8, $0xFFFFF086  }
0x1c: {  	p1 =	slt.u32 s9, $0xF7A;
	s5 =	simm.s32 @!p2 $0x0  }
0x1d: {  	s5 =	simm.s32 @p1 $0x1;
	p0 =	seq.s32 s7, s2  }
0x1e: {  	s7 =	smul.u32 @!p0 $0xF7A, s2;
	p2 =	seq.s32 @!p0 s5, $0x0  }
0x1f: {  	s9 =	smul.u32 $0xF7A, s1;
	s8 =	simm.s32 @!p0 $0x1BF5;
	p2 =	por !p2, p0  }
0x20: {  	[sflag:s8] =	ssyncset.s32 @!p0 $0xFFFFF086;
	s6 =	sadd.s32 @!p0 s3, s7;
	s7 =	simm.s32 @!p0 $0x108  }
0x21: {  	s3 =	sadd.s32 s3, s9;
	s6 =	sadd.s32 @!p0 $0x88, s6;
	s7 =	simm.s32 @p2 $0x1082  }
0x22: {  	[simem:s7], [sflag:s8] =	dma.local @!p0 [hbm:s6], $0xF7A  }
0x23: {  	s9 =	sor.u32 $0xD0000000, s2;
	s6 =	simm.s32 $0x108;
	_ =	swait.ge @!p0 [sflag:s8], $0x0  }
0x24: {  	s3 =	sadd.s32 $0x88, s3;
	s6 =	simm.s32 @!p1 $0x1082;
	[sflag:s4] =	ssyncset.s32 $0xFFFFF086  }
0x25: {  	[simem:s6], [sflag:s4] =	dma.local [hbm:s3], $0xF7A  }
0x26: {  	[smem:$0x3F9C] =	sst s1;
	(tag) =	ssettag s2;
	_ =	strace s9  }
0x27: {  	s1 =	sld [smem:$0x3FAC]  }
0x28: {  	s2 =	sld [smem:$0x3FAD]  }
0x29: {  	s4 =	sld [smem:$0x3FAF]  }
0x2a: {  	p0 =	seq.s32 s5, $0x0;
	s5 =	sld [smem:$0x3FB0]  }
0x2b: {  	s6 =	sld [smem:$0x3FB1]  }
0x2c: {  	s7 =	sld [smem:$0x3FB2]  }
0x2d: {  	s3 =	simm.s32 $0x108;
	s8 =	sld [smem:$0x3FB3]  }
0x2e: {  	s3 =	simm.s32 @!p0 $0x1082;
	s9 =	sld [smem:$0x3FB4]  }
0x2f: {  	lr =	sadd.s32 s0, s3;
	s0 =	sld [smem:$0x3FAB]  }
0x30: {  	s3 =	sld [smem:$0x3FAE]  }
0x31: {  	[smem:$0x3FB7] =	sst s10  }
0x32: {  	s10 =	sld [smem:$0x3FB5];
	_ =	sdelay $0x3  }
0x33: {  	p0 =	seq.s32 s10, $0x1;
	s10 =	sld [smem:$0x3FB7];
	_ =	sdelay $0x3  }
0x34: {  	[smem:$0x3FB7] =	sst s10  }
0x35: {  	s10 =	sld [smem:$0x3FB6];
	_ =	sdelay $0x3  }
0x36: {  	p1 =	seq.s32 s10, $0x1;
	s10 =	sld [smem:$0x3FB7];
	_ =	sdelay $0x3  }
0x37: {  	[smem:$0x3FB7] =	sst s10  }
0x38: {  	s10 =	sld [smem:$0x3FB8]  }
0x39: {  	_ = 	snop;
	(pc) =	sbr.ind lr, $3  }
0x3a: {  	_ = 	snop  }
0x3b: {  	_ = 	snop  }
0x3c: {  	p2 =	seq.s32 s10, $0x1;
	s10 =	sld [smem:$0x3FB7]  }
0x3d: {  	_ =	shalt  }
0x3e: {  	_ =	shalt  }
0x3f: {  	_ =	shalt  }
0x40: {  	_ =	shalt  }
0x41: {  	_ =	shalt  }
0x42: {  	_ =	shalt  }
0x43: {  	_ =	shalt  }
0x44: {  	_ =	shalt  }
0x45: {  	_ =	shalt  }
0x46: {  	_ =	shalt  }
0x47: {  	_ =	shalt  }
0x48: {  	_ =	shalt  }
0x49: {  	_ =	shalt  }
0x4a: {  	_ =	shalt  }
0x4b: {  	_ =	shalt  }
0x4c: {  	_ =	shalt  }
0x4d: {  	_ =	shalt  }
0x4e: {  	_ =	shalt  }
0x4f: {  	_ =	shalt  }
0x50: {  	_ =	shalt  }
0x51: {  	_ =	shalt  }
0x52: {  	_ =	shalt  }
0x53: {  	_ =	shalt  }
0x54: {  	_ =	shalt  }
0x55: {  	_ =	shalt  }
0x56: {  	_ =	shalt  }
0x57: {  	_ =	shalt  }
0x58: {  	_ =	shalt  }
0x59: {  	_ =	shalt  }
0x5a: {  	_ =	shalt  }
0x5b: {  	_ =	shalt  }
0x5c: {  	_ =	shalt  }
0x5d: {  	_ =	shalt  }
0x5e: {  	_ =	shalt  }
0x5f: {  	_ =	shalt  }
0x60: {  	_ =	shalt  }
0x61: {  	_ =	shalt  }
0x62: {  	_ =	shalt  }
0x63: {  	_ =	shalt  }
0x64: {  	_ =	shalt  }
0x65: {  	_ =	shalt  }
0x66: {  	_ =	shalt  }
0x67: {  	_ =	shalt  }
0x68: {  	_ =	shalt  }
0x69: {  	_ =	shalt  }
0x6a: {  	_ =	shalt  }
0x6b: {  	_ =	shalt  }
0x6c: {  	_ =	shalt  }
0x6d: {  	_ =	shalt  }
0x6e: {  	_ =	shalt  }
0x6f: {  	_ =	shalt  }
0x70: {  	_ =	shalt  }
0x71: {  	_ =	shalt  }
0x72: {  	_ =	shalt  }
0x73: {  	_ =	shalt  }
0x74: {  	_ =	shalt  }
0x75: {  	_ =	shalt  }
0x76: {  	_ =	shalt  }
0x77: {  	_ =	shalt  }
0x78: {  	_ =	shalt  }
0x79: {  	_ =	shalt  }
0x7a: {  	_ =	shalt  }
0x7b: {  	_ =	shalt  }
0x7c: {  	_ =	shalt  }
0x7d: {  	_ =	shalt  }
0x7e: {  	_ =	shalt  }
0x7f: {  	_ =	shalt  }
0x80: {  	_ =	shalt  }
0x81: {  	_ =	shalt  }
0x82: {  	_ =	shalt  }
0x83: {  	_ =	shalt  }
0x84: {  	_ =	shalt  }
0x85: {  	_ =	shalt  }
0x86: {  	_ =	shalt  }
0x87: {  	_ =	shalt  }
.Lfunc_end0:
.L_simem_size_0:
called_computation_lowered:
.L_overlay_start_0:
0x88: {  	s2 =	sld [smem:$0x3FD9]  }
0x89: {  	s3 =	sld [smem:$0x3FFE];
	_ =	sdelay $0x1  }
0x8a: {  	s1 =	srdreg.scid  }
0x8b: {  	s0 =	sand.u32 $0x1, s1  }
0x8c: {  	s17 =	sshll.u32 s0, $0xA;
	s2 =	sadd.s32 s3, s2  }
0x8d: {  	s2 =	sadd.s32 s2, s17  }
0x8e: {  	[smem:$0x3FC3] =	sst s2  }
0x8f: {  	_ = 	snop  }
0x90: {  	s2 =	sld [smem:$0x3FC7];
	(tm) =	ssettm $0x1  }
0x91: {  	s18 =	sld [smem:$0x3FFB];
	_ =	sdelay $0x3  }
0x92: {  	_ =	strace s18  }
0x93: {  	s3 =	sld [smem:$0x3FFC];
	_ =	sdelay $0x3  }
0x94: {  	_ =	strace s3  }
0x95: {  	s3 =	sld [smem:$0x3FFD];
	_ =	sdelay $0x3  }
0x96: {  	_ =	strace s3  }
0x97: {  	_ =	strace $0x8FFFFFFF  }
0x98: {  	s19 =	sld [smem:$0x3FDB];
	_ =	sdelay $0x1  }
0x99: {  	s4 =	simm.s32 $_scs_section_size  }
0x9a: {  	s5 =	simm.s32 $_size__tile_overlayer_lowered;
	s6 =	simm.s32 $_tile_overlayer_lowered  }
0x9b: {  	s22 =	simm.s32 $0x1BFF;
	s21 =	sshll.u32 s6, $0x1;
	s3 =	sadd.s32 s4, s19  }
0x9c: {  	s7 =	simm.s32 $0x0;
	s20 =	sshll.u32 s5, $0x1;
	s5 =	sadd.s32 s21, s3  }
0x9d: {  	[timem:s7], [sflag:s22] =	dma.local [hbm:s5], s20  }
0x9e: {  	_ =	swait.ge [sflag:s22], s20  }
0x9f: {  	s4 =	ssub.s32 $0x0, s20;
	[sflag:s22] =	ssyncset.done $0x0  }
0xa0: {  	[sflag:s22] =	ssyncadd.s32 s4;
	_ =	sdelay $0x1  }
0xa1: {  	s23 =	simm.s32 $0x1B8B  }
0xa2: {  	_ =	swait.ge [sflag:s23], $0x1  }
0xa3: {  	[sflag:s23] =	ssyncset.done $0x0  }
0xa4: {  	s25 =	simm.s32 $0x1B8E;
	s24 =	sld [smem:$0x3FFE];
	[sflag:s23] =	ssyncadd.s32 $0xFFFFFFFF  }
0xa5: {  	s26 =	simm.s32 $execute0_lowered;
	[smem:$0x3FD2] =	sst s25  }
0xa6: {  	s5 =	sshll.u32 s26, $0x1;
	_ =	strace $0x80000046;
	[dreg:$0x1] =	wrdreg $0xFFFFFFFF  }
0xa7: {  	s28 =	simm.s32 $_size_execute0_lowered;
	s3 =	sadd.s32 s3, s5;
	[dreg:$0x0] =	wrdreg $0x0  }
0xa8: {  	s5 =	sshll.u32 s28, $0x1;
	[dreg:$0x2] =	wrdreg s3  }
0xa9: {  	[dreg:$0x3] =	wrdreg s5  }
0xaa: {  	[dreg:$0x4] =	wrdreg $0xC0  }
0xab: {  	_ =	task [dreg:s7], $0x5FFFF  }
0xac: {  	[dreg:$0x1] =	wrdreg $0xFFFFFFFF  }
0xad: {  	[dreg:$0x0] =	wrdreg $0x60  }
0xae: {  	[dreg:$0x2] =	wrdreg s2  }
0xaf: {  	[dreg:$0x3] =	wrdreg s24  }
0xb0: {  	[dreg:$0x4] =	wrdreg $0x9  }
0xb1: {  	_ =	task.clear_ibuf [dreg:s7], $0x5FFFF;
	_ =	strace $0x90000046  }
0xb2: {  	s29 =	simm.s32 $0x9;
	_ =	strace $0x80000048  }
0xb3: {  	_ =	swait.ge [sflag:s29], $0x1  }
0xb4: {  	[sflag:s29] =	ssyncadd.s32 $0xFFFFFFFF  }
0xb5: {  	_ =	strace $0x90000048  }
0xb6: {  	_ =	sfence  }
0xb7: {  	s30 =	sld [smem:$0x0];
	_ =	sdelay $0x2  }
0xb8: {  	s31 =	sshll.u32 s1, $0xD;
	s1 =	sshrl.u32 s1, $0x2  }
0xb9: {  	s3 =	sand.u32 $0x4000, s31;
	s1 =	sadd.s32 s1, s30  }
0xba: {  	s0 =	sor.u32 s3, s0;
	s1 =	sshll.u32 s1, $0x11  }
0xbb: {  	s0 =	sor.u32 s1, s0  }
0xbc: {  	s0 =	sadd.s32 $0x8F2B, s0  }
0xbd: {  	[sflag:s0] =	ssyncadd.remote.s32 $0x1  }
0xbe: {  	_ =	sfence.sel $0xFFFF  }
0xbf: {  	[dreg:$0x0] =	wrdreg $0xFFFFFFFF;
	(pc) =	sbr.abs _section_cstart, $3  }
0xc0: {  	[dreg:$0x1] =	wrdreg $0xFFFFFFFF  }
0xc1: {  	_ =	task.clear_ibuf [dreg:s7], $0x2FFFF;
	_ =	strace $0x9FFFFFFF  }
0xc2: {  	(tm) =	ssettm $0x7FFFFFFF  }
0xc3: {  	_ =	shalt  }
tec
execute0_lowered:
.L_overlay_start_1:
0x0: {  	(tag) =	ssettag $0x1  }
0x1: {  	s3 =	rddreg [dreg:$0x0]  }
0x2: {  	s4 =	rddreg [dreg:$0x1]  }
0x3: {  	s0 =	rddreg [dreg:$0x2]  }
0x4: {  	s2 =	simm.s32 $0x0;
	s1 =	stileid.u32;
	s5 =	srdreg.scid  }
0x5: {  	s12 =	simm.s32 $0x0;
	[smem:$0x7FF] =	sst s2;
	s5 =	sand.u32 $0x1, s5  }
0x6: {  	s6 =	sshll.u32 s1, $0x1;
	s7 =	sshrl.u32 s1, $0x2;
	s8 =	sshll.u32 s1, $0x1E  }
0x7: {  	s10 =	sand.u32 $0x2, s1;
	s6 =	sand.u32 $0x2, s6;
	s8 =	sshra.s32 s8, $0x1F  }
0x8: {  	s9 =	smul.u32 $0x4E2000, s7;
	_ =	strace $0x80000047;
	s10 =	sshll.u32 s10, $0x5  }
0x9: {  	s7 =	sshll.u32 s7, $0x7;
	s6 =	sor.u32 s5, s6;
	s8 =	sand.u32 $0x271000, s8  }
0xa: {  	s4 =	sadd.s32 s10, s4;
	s5 =	ssub.s32 $0x2, s5;
	s10 =	simm.s32 $0xC800  }
0xb: {  	s11 =	smul.u32 $0xC800, s6;
	s8 =	sadd.s32 s9, s8;
	s29 =	sshrl.u32 s5, $0x1  }
0xc: {  	s6 =	sshll.u32 s6, $0x4;
	s4 =	sadd.s32 s7, s4;
	s7 =	simm.s32 $0x6400  }
0xd: {  	s9 =	simm.s32 $0x2;
	s31 =	sadd.s32 s6, s4;
	s8 =	sadd.s32 s11, s8  }
0xe: {  	s30 =	ssub.s32 s5, s29;
	s5 =	sadd.s32 $0x1000, s31;
	s8 =	sshrl.u32 s8, $0x3  }
0xf: {  	s6 =	smax.u32 s30, $0x1;
	s11 =	simm.s32 $0x3;
	s8 =	sadd.s32 s3, s8  }
0x10: {  	s3 =	sadd.s32 $0x47E00, s8;
	s4 =	sadd.s32 $0x48A80, s8;
	s8 =	simm.s32 $0x1  }
.LBB2_1:
0x11: {  	[tilespmem:s2], [sflag:$0x1] =	stream.linear.gather [hbm4b:s3+s2], $0x6400, $0x38;
	[tilespmem:$0xC880] =	vst v63  }
0x12: {  	_ = 	snop  }
0x13: {  	[tilespmem:s7], [sflag:$0x2] =	stream.linear.gather [hbm4b:s4+s2], $0x6400, $0x38;
	[tilespmem:$0xC880] =	vst v63  }
0x14: {  	_ =	swait.ge [sflag:s8], $0x6400  }
0x15: {  	[sflag:s8] =	ssyncset.done $0x0  }
0x16: {  	s15 =	simm.s32 $0x0;
	[sflag:s8] =	ssyncadd.s32 $0xFFFF9C00  }
0x17: {  	v0 =	vld [tilespmem:s15+$0x3F0]  }
0x18: {  	v1 =	vld [tilespmem:s15+$0x0]  }
0x19: {  	v2 =	vld [tilespmem:s15+$0x10]  }
0x1a: {  	v3 =	vld [tilespmem:s15+$0x20]  }
0x1b: {  	v4 =	vld [tilespmem:s15+$0x30]  }
0x1c: {  	v5 =	vld [tilespmem:s15+$0x40]  }
0x1d: {  	v6 =	vld [tilespmem:s15+$0x50]  }
0x1e: {  	v14 =	vld [tilespmem:s15+$0x60]  }
0x1f: {  	v15 =	vld [tilespmem:s15+$0x70]  }
0x20: {  	v16 =	vld [tilespmem:s15+$0x80]  }
0x21: {  	v17 =	vld [tilespmem:s15+$0x90]  }
0x22: {  	v18 =	vld [tilespmem:s15+$0xA0]  }
0x23: {  	v19 =	vld [tilespmem:s15+$0xB0]  }
0x24: {  	v20 =	vld [tilespmem:s15+$0xC0]  }
0x25: {  	v21 =	vld [tilespmem:s15+$0xD0]  }
0x26: {  	v22 =	vld [tilespmem:s15+$0xE0]  }
0x27: {  	v23 =	vld [tilespmem:s15+$0xF0]  }
0x28: {  	v24 =	vld [tilespmem:s15+$0x100]  }
0x29: {  	v25 =	vld [tilespmem:s15+$0x110]  }
0x2a: {  	v26 =	vld [tilespmem:s15+$0x120]  }
0x2b: {  	v27 =	vld [tilespmem:s15+$0x130]  }
0x2c: {  	v28 =	vld [tilespmem:s15+$0x140]  }
0x2d: {  	v29 =	vld [tilespmem:s15+$0x150]  }
0x2e: {  	v30 =	vld [tilespmem:s15+$0x160]  }
0x2f: {  	v31 =	vld [tilespmem:s15+$0x170]  }
0x30: {  	v32 =	vld [tilespmem:s15+$0x180]  }
0x31: {  	v33 =	vld [tilespmem:s15+$0x190]  }
0x32: {  	v34 =	vld [tilespmem:s15+$0x1A0]  }
0x33: {  	v35 =	vld [tilespmem:s15+$0x1B0]  }
0x34: {  	v36 =	vld [tilespmem:s15+$0x1C0]  }
0x35: {  	v37 =	vld [tilespmem:s15+$0x1D0]  }
0x36: {  	v38 =	vld [tilespmem:s15+$0x1E0]  }
0x37: {  	v39 =	vld [tilespmem:s15+$0x1F0]  }
0x38: {  	v59 =	vimm.f32 $0.0e+00;
	v40 =	vld [tilespmem:s15+$0x200]  }
0x39: {  	v48 =	vld [tilespmem:s15+$0x280];
	v0 =	vadd.f32 v0, v59  }
0x3a: {  	v49 =	vld [tilespmem:s15+$0x290];
	v8 =	vadd.f32 v1, v59;
	v9 =	vadd.f32 v2, v59  }
0x3b: {  	v50 =	vld [tilespmem:s15+$0x2A0];
	v10 =	vadd.f32 v3, v59;
	v11 =	vadd.f32 v4, v59  }
0x3c: {  	v51 =	vld [tilespmem:s15+$0x2B0];
	v12 =	vadd.f32 v5, v59;
	v13 =	vadd.f32 v6, v59  }
0x3d: {  	v52 =	vld [tilespmem:s15+$0x2C0];
	v14 =	vadd.f32 v14, v59;
	v15 =	vadd.f32 v15, v59  }
0x3e: {  	v53 =	vld [tilespmem:s15+$0x2D0];
	v16 =	vadd.f32 v16, v59;
	v17 =	vadd.f32 v17, v59  }
0x3f: {  	v54 =	vld [tilespmem:s15+$0x2E0];
	v18 =	vadd.f32 v18, v59;
	v19 =	vadd.f32 v19, v59  }
0x40: {  	v55 =	vld [tilespmem:s15+$0x2F0];
	v20 =	vadd.f32 v20, v59;
	v21 =	vadd.f32 v21, v59  }
0x41: {  	v56 =	vld [tilespmem:s15+$0x300];
	v22 =	vadd.f32 v22, v59;
	v23 =	vadd.f32 v23, v59  }
0x42: {  	v1 =	vld [tilespmem:s15+$0x220];
	v24 =	vadd.f32 v24, v59;
	v25 =	vadd.f32 v25, v59  }
0x43: {  	v26 =	vadd.f32 v26, v59;
	v27 =	vadd.f32 v27, v59;
	[tilespmem:$0x1FF80] =	vst v0;
	v0 =	vld [tilespmem:s15+$0x210]  }
0x44: {  	v2 =	vld [tilespmem:s15+$0x230];
	v28 =	vadd.f32 v28, v59;
	v29 =	vadd.f32 v29, v59  }
0x45: {  	v3 =	vld [tilespmem:s15+$0x240];
	v30 =	vadd.f32 v30, v59;
	v31 =	vadd.f32 v31, v59  }
0x46: {  	v4 =	vld [tilespmem:s15+$0x250];
	v32 =	vadd.f32 v32, v59;
	v33 =	vadd.f32 v33, v59  }
0x47: {  	v5 =	vld [tilespmem:s15+$0x260];
	v34 =	vadd.f32 v34, v59;
	v35 =	vadd.f32 v35, v59  }
0x48: {  	v36 =	vadd.f32 v36, v59;
	v41 =	vadd.f32 v0, v59;
	v0 =	vld [tilespmem:s15+$0x320]  }
0x49: {  	v6 =	vld [tilespmem:s15+$0x270];
	v37 =	vadd.f32 v37, v59;
	v38 =	vadd.f32 v38, v59  }
0x4a: {  	v39 =	vadd.f32 v39, v59;
	v42 =	vadd.f32 v1, v59;
	v1 =	vld [tilespmem:s15+$0x330]  }
0x4b: {  	v40 =	vadd.f32 v40, v59;
	v43 =	vadd.f32 v2, v59;
	v2 =	vld [tilespmem:s15+$0x340]  }
0x4c: {  	v48 =	vadd.f32 v48, v59;
	v45 =	vadd.f32 v4, v59;
	v4 =	vld [tilespmem:s15+$0x360]  }
0x4d: {  	v44 =	vadd.f32 v3, v59;
	v3 =	vld [tilespmem:s15+$0x350];
	v0 =	vadd.f32 v0, v59  }
0x4e: {  	v49 =	vadd.f32 v49, v59;
	v46 =	vadd.f32 v5, v59;
	v5 =	vld [tilespmem:s15+$0x370]  }
0x4f: {  	v47 =	vadd.f32 v6, v59;
	v6 =	vld [tilespmem:s15+$0x380];
	[tilespmem:$0x1FF90] =	vst v0;
	v0 =	vadd.f32 v1, v59  }
0x50: {  	v57 =	vld [tilespmem:s15+$0x310];
	v50 =	vadd.f32 v50, v59;
	v1 =	vadd.f32 v2, v59  }
0x51: {  	v58 =	vld [tilespmem:s15+$0x390];
	v51 =	vadd.f32 v51, v59;
	v2 =	vadd.f32 v4, v59;
	[tilespmem:$0x1FFA0] =	vst v0  }
0x52: {  	v52 =	vadd.f32 v52, v59;
	v4 =	vld [tilespmem:s15+$0x3E0];
	[tilespmem:$0x1FFB0] =	vst v1;
	v1 =	vadd.f32 v3, v59  }
0x53: {  	v60 =	vimm.f32 $0.0e+00;
	v53 =	vadd.f32 v53, v59;
	v0 =	vld [tilespmem:s15+$0x3A0];
	[tilespmem:$0x1FFD0] =	vst v2;
	v2 =	vadd.f32 v5, v59  }
0x54: {  	v62 =	vimm.f32 $0.0e+00;
	v54 =	vadd.f32 v54, v59;
	v3 =	vadd.f32 v6, v59;
	[tilespmem:$0x1FFC0] =	vst v1;
	v1 =	vld [tilespmem:s15+$0x3B0]  }
0x55: {  	v63 =	vimm.f32 $0.0e+00;
	v55 =	vadd.f32 v55, v59;
	v56 =	vadd.f32 v56, v59;
	[tilespmem:$0x1FFE0] =	vst v2;
	v2 =	vld [tilespmem:s15+$0x3C0]  }
0x56: {  	s13 =	simm.s32 $0x400;
	s14 =	simm.s32 $0x2000;
	v61 =	vimm.f32 $0.0e+00;
	v57 =	vadd.f32 v57, v59;
	v58 =	vadd.f32 v58, v59;
	[tilespmem:$0x1FFF0] =	vst v3;
	v3 =	vld [tilespmem:s15+$0x3D0]  }
.LBB2_2:
0x57: {  	_ =	sdelay $0x2  }
0x58: {  	v59 =	vadd.f32 v0, v59;
	v0 =	vld [tilespmem:s13+$0x0];
	_ =	sdelay $0x3  }
0x59: {  	v60 =	vadd.f32 v1, v60;
	v1 =	vld [tilespmem:s13+$0x10]  }
0x5a: {  	v8 =	vadd.f32 v0, v8;
	v0 =	vld [tilespmem:s13+$0x50];
	_ =	sdelay $0x1  }
0x5b: {  	v5 =	vld [tilespmem:s13+$0x3F0]  }
0x5c: {  	v6 =	vld [tilespmem:$0x1FF80]  }
0x5d: {  	v9 =	vadd.f32 v1, v9;
	v1 =	vld [tilespmem:s13+$0x60]  }
0x5e: {  	v13 =	vadd.f32 v0, v13;
	v0 =	vld [tilespmem:s13+$0xA0]  }
0x5f: {  	v62 =	vadd.f32 v2, v62;
	v2 =	vld [tilespmem:s13+$0x20]  }
0x60: {  	v63 =	vadd.f32 v3, v63;
	v3 =	vld [tilespmem:s13+$0x30]  }
0x61: {  	v61 =	vadd.f32 v4, v61;
	v4 =	vld [tilespmem:s13+$0x40]  }
0x62: {  	v14 =	vadd.f32 v1, v14;
	v1 =	vld [tilespmem:s13+$0xB0]  }
0x63: {  	v18 =	vadd.f32 v0, v18;
	v0 =	vld [tilespmem:s13+$0xF0]  }
0x64: {  	v10 =	vadd.f32 v2, v10;
	v2 =	vld [tilespmem:s13+$0x70]  }
0x65: {  	v6 =	vadd.f32 v5, v6;
	v5 =	vld [tilespmem:$0x1FF90]  }
0x66: {  	v11 =	vadd.f32 v3, v11;
	v3 =	vld [tilespmem:s13+$0x80]  }
0x67: {  	v19 =	vadd.f32 v1, v19;
	v1 =	vld [tilespmem:s13+$0x100]  }
0x68: {  	v23 =	vadd.f32 v0, v23;
	v0 =	vld [tilespmem:s13+$0x140]  }
0x69: {  	v15 =	vadd.f32 v2, v15;
	v2 =	vld [tilespmem:s13+$0xC0]  }
0x6a: {  	v12 =	vadd.f32 v4, v12;
	v4 =	vld [tilespmem:s13+$0x90]  }
0x6b: {  	v16 =	vadd.f32 v3, v16;
	v3 =	vld [tilespmem:s13+$0xD0]  }
0x6c: {  	v24 =	vadd.f32 v1, v24;
	v1 =	vld [tilespmem:s13+$0x150]  }
0x6d: {  	v28 =	vadd.f32 v0, v28;
	v0 =	vld [tilespmem:s13+$0x190]  }
0x6e: {  	v20 =	vadd.f32 v2, v20;
	v2 =	vld [tilespmem:s13+$0x110]  }
0x6f: {  	v17 =	vadd.f32 v4, v17;
	v4 =	vld [tilespmem:s13+$0xE0]  }
0x70: {  	v21 =	vadd.f32 v3, v21;
	v3 =	vld [tilespmem:s13+$0x120]  }
0x71: {  	v29 =	vadd.f32 v1, v29;
	v1 =	vld [tilespmem:s13+$0x1A0]  }
0x72: {  	v33 =	vadd.f32 v0, v33;
	v0 =	vld [tilespmem:s13+$0x1E0]  }
0x73: {  	v25 =	vadd.f32 v2, v25;
	v2 =	vld [tilespmem:s13+$0x160]  }
0x74: {  	v22 =	vadd.f32 v4, v22;
	v4 =	vld [tilespmem:s13+$0x130]  }
0x75: {  	v26 =	vadd.f32 v3, v26;
	v3 =	vld [tilespmem:s13+$0x170]  }
0x76: {  	v34 =	vadd.f32 v1, v34;
	v1 =	vld [tilespmem:s13+$0x1F0]  }
0x77: {  	v38 =	vadd.f32 v0, v38;
	v0 =	vld [tilespmem:s13+$0x230]  }
0x78: {  	v30 =	vadd.f32 v2, v30;
	v2 =	vld [tilespmem:s13+$0x1B0]  }
0x79: {  	v27 =	vadd.f32 v4, v27;
	v4 =	vld [tilespmem:s13+$0x180]  }
0x7a: {  	v31 =	vadd.f32 v3, v31;
	v3 =	vld [tilespmem:s13+$0x1C0]  }
0x7b: {  	v39 =	vadd.f32 v1, v39;
	v1 =	vld [tilespmem:s13+$0x240]  }
0x7c: {  	v43 =	vadd.f32 v0, v43;
	v0 =	vld [tilespmem:s13+$0x280]  }
0x7d: {  	v35 =	vadd.f32 v2, v35;
	v2 =	vld [tilespmem:s13+$0x200]  }
0x7e: {  	v32 =	vadd.f32 v4, v32;
	v4 =	vld [tilespmem:s13+$0x1D0]  }
0x7f: {  	v36 =	vadd.f32 v3, v36;
	v3 =	vld [tilespmem:s13+$0x210]  }
0x80: {  	v44 =	vadd.f32 v1, v44;
	v1 =	vld [tilespmem:s13+$0x290]  }
0x81: {  	v48 =	vadd.f32 v0, v48;
	v0 =	vld [tilespmem:s13+$0x2D0]  }
0x82: {  	v40 =	vadd.f32 v2, v40;
	v2 =	vld [tilespmem:s13+$0x250]  }
0x83: {  	v37 =	vadd.f32 v4, v37;
	v4 =	vld [tilespmem:s13+$0x220]  }
0x84: {  	v41 =	vadd.f32 v3, v41;
	v3 =	vld [tilespmem:s13+$0x260]  }
0x85: {  	v49 =	vadd.f32 v1, v49;
	v1 =	vld [tilespmem:s13+$0x2E0]  }
0x86: {  	v53 =	vadd.f32 v0, v53;
	v0 =	vld [tilespmem:s13+$0x320]  }
0x87: {  	v45 =	vadd.f32 v2, v45;
	v2 =	vld [tilespmem:s13+$0x2A0]  }
0x88: {  	v42 =	vadd.f32 v4, v42;
	v4 =	vld [tilespmem:s13+$0x270]  }
0x89: {  	v46 =	vadd.f32 v3, v46;
	v3 =	vld [tilespmem:s13+$0x2B0]  }
0x8a: {  	v54 =	vadd.f32 v1, v54;
	v1 =	vld [tilespmem:s13+$0x330]  }
0x8b: {  	v5 =	vadd.f32 v0, v5;
	v0 =	vld [tilespmem:$0x1FFA0]  }
0x8c: {  	v50 =	vadd.f32 v2, v50;
	v2 =	vld [tilespmem:s13+$0x2F0];
	_ =	sdelay $0x1  }
0x8d: {  	v47 =	vadd.f32 v4, v47;
	v4 =	vld [tilespmem:s13+$0x2C0];
	_ =	sdelay $0x1  }
0x8e: {  	v51 =	vadd.f32 v3, v51;
	v3 =	vld [tilespmem:s13+$0x300];
	v0 =	vadd.f32 v1, v0  }
0x8f: {  	v55 =	vadd.f32 v2, v55;
	v2 =	vld [tilespmem:s13+$0x340]  }
0x90: {  	[tilespmem:$0x1FFA0] =	vst v0;
	v0 =	vld [tilespmem:$0x1FFB0]  }
0x91: {  	v52 =	vadd.f32 v4, v52;
	v4 =	vld [tilespmem:s13+$0x310];
	_ =	sdelay $0x3  }
0x92: {  	v56 =	vadd.f32 v3, v56;
	v3 =	vld [tilespmem:s13+$0x350];
	v0 =	vadd.f32 v2, v0  }
0x93: {  	v57 =	vadd.f32 v4, v57;
	v4 =	vld [tilespmem:s13+$0x360]  }
0x94: {  	[tilespmem:$0x1FFB0] =	vst v0;
	v0 =	vld [tilespmem:$0x1FFC0]  }
0x95: {  	[tilespmem:$0x1FF90] =	vst v5;
	v5 =	vld [tilespmem:s13+$0x370]  }
0x96: {  	v1 =	vld [tilespmem:$0x1FFD0]  }
0x97: {  	v2 =	vld [tilespmem:$0x1FFE0]  }
0x98: {  	[tilespmem:$0x1FF80] =	vst v6;
	v6 =	vld [tilespmem:s13+$0x380]  }
0x99: {  	v0 =	vadd.f32 v3, v0;
	v3 =	vld [tilespmem:$0x1FFF0];
	_ =	sdelay $0x1  }
0x9a: {  	p0 =	sne.s32 s14, $0x18000;
	v7 =	vld [tilespmem:s13+$0x390];
	v1 =	vadd.f32 v4, v1  }
.Ltmp0:
0x9b: {  	v4 =	vld [tilespmem:s13+$0x3E0];
	v2 =	vadd.f32 v5, v2;
	(pc) =	sbr.rel @p0 .LBB2_2-.Ltmp0, $4  }
0x9c: {  	[tilespmem:$0x1FFD0] =	vst v1;
	v1 =	vld [tilespmem:s13+$0x3B0]  }
0x9d: {  	[tilespmem:$0x1FFE0] =	vst v2;
	v2 =	vld [tilespmem:s13+$0x3C0];
	v3 =	vadd.f32 v6, v3  }
0x9e: {  	[tilespmem:$0x1FFC0] =	vst v0;
	v0 =	vld [tilespmem:s13+$0x3A0]  }
0x9f: {  	v58 =	vadd.f32 v7, v58;
	[tilespmem:$0x1FFF0] =	vst v3;
	v3 =	vld [tilespmem:s13+$0x3D0];
	s13 =	sshra.s32 s14, $0x2;
	s14 =	sadd.s32 $0x1000, s14  }
0xa0: {  	v6 =	vld [tilespmem:s13+$0x0];
	_ =	sdelay $0x4  }
0xa1: {  	[tilespmem:$0x1F810] =	vst v6;
	v6 =	vld [tilespmem:s13+$0x20];
	_ =	sdelay $0x4  }
0xa2: {  	[tilespmem:$0x1F820] =	vst v6;
	v6 =	vld [tilespmem:s13+$0x30];
	_ =	sdelay $0x4  }
0xa3: {  	[tilespmem:$0x1F830] =	vst v6;
	v6 =	vld [tilespmem:s13+$0x40];
	_ =	sdelay $0x4  }
0xa4: {  	[tilespmem:$0x1F840] =	vst v6;
	v6 =	vld [tilespmem:s13+$0x50];
	_ =	sdelay $0x4  }
0xa5: {  	[tilespmem:$0x1F850] =	vst v6;
	v6 =	vld [tilespmem:s13+$0x60];
	_ =	sdelay $0x4  }
0xa6: {  	[tilespmem:$0x1F860] =	vst v6;
	v6 =	vld [tilespmem:s13+$0x70];
	_ =	sdelay $0x4  }
0xa7: {  	[tilespmem:$0x1F870] =	vst v6;
	v6 =	vld [tilespmem:s13+$0x80];
	_ =	sdelay $0x4  }
0xa8: {  	[tilespmem:$0x1F880] =	vst v6;
	v6 =	vld [tilespmem:s13+$0x90];
	_ =	sdelay $0x4  }
0xa9: {  	[tilespmem:$0x1F890] =	vst v6;
	v6 =	vld [tilespmem:s13+$0xA0];
	_ =	sdelay $0x4  }
0xaa: {  	[tilespmem:$0x1F8A0] =	vst v6;
	v6 =	vld [tilespmem:s13+$0xB0];
	_ =	sdelay $0x4  }
0xab: {  	[tilespmem:$0x1F8B0] =	vst v6;
	v6 =	vld [tilespmem:s13+$0xC0];
	_ =	sdelay $0x4  }
0xac: {  	[tilespmem:$0x1F8C0] =	vst v6;
	v6 =	vld [tilespmem:s13+$0xD0];
	_ =	sdelay $0x4  }
0xad: {  	[tilespmem:$0x1F8D0] =	vst v6;
	v6 =	vld [tilespmem:s13+$0xE0];
	_ =	sdelay $0x4  }
0xae: {  	[tilespmem:$0x1F8E0] =	vst v6;
	v6 =	vld [tilespmem:s13+$0xF0];
	_ =	sdelay $0x4  }
0xaf: {  	[tilespmem:$0x1F8F0] =	vst v6;
	v6 =	vld [tilespmem:s13+$0x100];
	_ =	sdelay $0x4  }
0xb0: {  	[tilespmem:$0x1F900] =	vst v6;
	v6 =	vld [tilespmem:s13+$0x110];
	_ =	sdelay $0x4  }
0xb1: {  	[tilespmem:$0x1F910] =	vst v6;
	v6 =	vld [tilespmem:s13+$0x120];
	_ =	sdelay $0x4  }
0xb2: {  	[tilespmem:$0x1F920] =	vst v6;
	v6 =	vld [tilespmem:s13+$0x130];
	_ =	sdelay $0x4  }
0xb3: {  	[tilespmem:$0x1F930] =	vst v6;
	v6 =	vld [tilespmem:s13+$0x140];
	_ =	sdelay $0x4  }
0xb4: {  	[tilespmem:$0x1F940] =	vst v6;
	v6 =	vld [tilespmem:s13+$0x150];
	_ =	sdelay $0x4  }
0xb5: {  	[tilespmem:$0x1F950] =	vst v6;
	v6 =	vld [tilespmem:s13+$0x160];
	_ =	sdelay $0x4  }
0xb6: {  	[tilespmem:$0x1F960] =	vst v6;
	v6 =	vld [tilespmem:s13+$0x170];
	_ =	sdelay $0x4  }
0xb7: {  	[tilespmem:$0x1F970] =	vst v6;
	v6 =	vld [tilespmem:s13+$0x180];
	_ =	sdelay $0x4  }
0xb8: {  	[tilespmem:$0x1F980] =	vst v6;
	v6 =	vld [tilespmem:s13+$0x190];
	_ =	sdelay $0x4  }
0xb9: {  	[tilespmem:$0x1F990] =	vst v6;
	v6 =	vld [tilespmem:s13+$0x1A0];
	_ =	sdelay $0x4  }
0xba: {  	[tilespmem:$0x1F9A0] =	vst v6;
	v6 =	vld [tilespmem:s13+$0x1B0];
	_ =	sdelay $0x4  }
0xbb: {  	[tilespmem:$0x1F9B0] =	vst v6;
	v6 =	vld [tilespmem:s13+$0x1C0];
	_ =	sdelay $0x4  }
0xbc: {  	[tilespmem:$0x1F9C0] =	vst v6;
	v6 =	vld [tilespmem:s13+$0x1D0];
	_ =	sdelay $0x4  }
0xbd: {  	[tilespmem:$0x1F9D0] =	vst v6;
	v6 =	vld [tilespmem:s13+$0x1E0];
	_ =	sdelay $0x4  }
0xbe: {  	[tilespmem:$0x1F9E0] =	vst v6;
	v6 =	vld [tilespmem:s13+$0x1F0];
	_ =	sdelay $0x4  }
0xbf: {  	[tilespmem:$0x1F9F0] =	vst v6;
	v6 =	vld [tilespmem:s13+$0x200];
	_ =	sdelay $0x4  }
0xc0: {  	[tilespmem:$0x1FA00] =	vst v6;
	v6 =	vld [tilespmem:s13+$0x210];
	_ =	sdelay $0x4  }
0xc1: {  	[tilespmem:$0x1FA10] =	vst v6;
	v6 =	vld [tilespmem:s13+$0x220];
	_ =	sdelay $0x4  }
0xc2: {  	[tilespmem:$0x1FA20] =	vst v6;
	v6 =	vld [tilespmem:s13+$0x230];
	_ =	sdelay $0x4  }
0xc3: {  	[tilespmem:$0x1FA30] =	vst v6;
	v6 =	vld [tilespmem:s13+$0x240];
	_ =	sdelay $0x4  }
0xc4: {  	[tilespmem:$0x1FA40] =	vst v6;
	v6 =	vld [tilespmem:s13+$0x250];
	_ =	sdelay $0x4  }
0xc5: {  	[tilespmem:$0x1FA50] =	vst v6;
	v6 =	vld [tilespmem:s13+$0x260];
	_ =	sdelay $0x4  }
0xc6: {  	[tilespmem:$0x1FA60] =	vst v6;
	v6 =	vld [tilespmem:s13+$0x270];
	_ =	sdelay $0x4  }
0xc7: {  	[tilespmem:$0x1FA70] =	vst v6;
	v6 =	vld [tilespmem:s13+$0x280];
	_ =	sdelay $0x4  }
0xc8: {  	[tilespmem:$0x1FA80] =	vst v6;
	v6 =	vld [tilespmem:s13+$0x290];
	_ =	sdelay $0x4  }
0xc9: {  	[tilespmem:$0x1FA90] =	vst v6;
	v6 =	vld [tilespmem:s13+$0x2A0];
	_ =	sdelay $0x4  }
0xca: {  	[tilespmem:$0x1FAA0] =	vst v6;
	v6 =	vld [tilespmem:s13+$0x2B0];
	_ =	sdelay $0x4  }
0xcb: {  	[tilespmem:$0x1FAB0] =	vst v6;
	v6 =	vld [tilespmem:s13+$0x2C0];
	_ =	sdelay $0x4  }
0xcc: {  	[tilespmem:$0x1FAC0] =	vst v6;
	v6 =	vld [tilespmem:s13+$0x2D0];
	_ =	sdelay $0x4  }
0xcd: {  	[tilespmem:$0x1FAD0] =	vst v6;
	v6 =	vld [tilespmem:s13+$0x2E0];
	_ =	sdelay $0x4  }
0xce: {  	[tilespmem:$0x1FAE0] =	vst v6;
	v6 =	vld [tilespmem:s13+$0x2F0];
	_ =	sdelay $0x4  }
0xcf: {  	[tilespmem:$0x1FAF0] =	vst v6;
	v6 =	vld [tilespmem:s13+$0x300];
	_ =	sdelay $0x4  }
0xd0: {  	[tilespmem:$0x1FB00] =	vst v6;
	v6 =	vld [tilespmem:s13+$0x310];
	_ =	sdelay $0x4  }
0xd1: {  	[tilespmem:$0x1FB10] =	vst v6;
	v6 =	vld [tilespmem:s13+$0x320];
	_ =	sdelay $0x4  }
0xd2: {  	[tilespmem:$0x1FB20] =	vst v6;
	v6 =	vld [tilespmem:s13+$0x330];
	_ =	sdelay $0x4  }
0xd3: {  	[tilespmem:$0x1FB30] =	vst v6;
	v6 =	vld [tilespmem:s13+$0x340];
	_ =	sdelay $0x4  }
0xd4: {  	[tilespmem:$0x1FB40] =	vst v6;
	v6 =	vld [tilespmem:s13+$0x350];
	_ =	sdelay $0x4  }
0xd5: {  	[tilespmem:$0x1FB50] =	vst v6;
	v6 =	vld [tilespmem:s13+$0x360];
	_ =	sdelay $0x4  }
0xd6: {  	[tilespmem:$0x1FB60] =	vst v6;
	v6 =	vld [tilespmem:s13+$0x370];
	_ =	sdelay $0x4  }
0xd7: {  	[tilespmem:$0x1FB70] =	vst v6;
	v6 =	vld [tilespmem:s13+$0x380];
	_ =	sdelay $0x4  }
0xd8: {  	[tilespmem:$0x1FB80] =	vst v6;
	v6 =	vld [tilespmem:s13+$0x390];
	_ =	sdelay $0x4  }
0xd9: {  	[tilespmem:$0x1FB90] =	vst v6;
	v6 =	vld [tilespmem:s13+$0x3A0];
	_ =	sdelay $0x4  }
0xda: {  	[tilespmem:$0x1FBA0] =	vst v6;
	v6 =	vld [tilespmem:s13+$0x3B0];
	_ =	sdelay $0x4  }
0xdb: {  	[tilespmem:$0x1FBB0] =	vst v6;
	v6 =	vld [tilespmem:s13+$0x3C0];
	_ =	sdelay $0x4  }
0xdc: {  	[tilespmem:$0x1FBD0] =	vst v6;
	v6 =	vld [tilespmem:s13+$0x3D0];
	_ =	sdelay $0x4  }
0xdd: {  	[tilespmem:$0x1FBF0] =	vst v6;
	v6 =	vld [tilespmem:s13+$0x3E0];
	_ =	sdelay $0x4  }
0xde: {  	v5 =	vld [tilespmem:s13+$0x3F0];
	[tilespmem:$0x1FC20] =	vst v6  }
0xdf: {  	v7 =	vld [tilespmem:s13+$0x10];
	_ =	swait.ge [sflag:s9], $0x6400  }
0xe0: {  	[sflag:s9] =	ssyncset.done $0x0  }
0xe1: {  	s15 =	simm.s32 $0x0;
	[sflag:s9] =	ssyncadd.s32 $0xFFFF9C00  }
0xe2: {  	v59 =	vadd.f32 v0, v59;
	v0 =	vld [tilespmem:s15+$0x67F0];
	_ =	sdelay $0x4  }
0xe3: {  	[tilespmem:$0x1FC30] =	vst v0;
	v0 =	vadd.f32 v2, v62;
	_ =	sdelay $0x1  }
0xe4: {  	[tilespmem:$0x1FBE0] =	vst v0;
	v0 =	vadd.f32 v3, v63;
	_ =	sdelay $0x1  }
0xe5: {  	[tilespmem:$0x1FC00] =	vst v0;
	v0 =	vld [tilespmem:s15+$0x6400];
	_ =	sdelay $0x4  }
0xe6: {  	[tilespmem:$0x1FC60] =	vst v0;
	v0 =	vld [tilespmem:$0x1FF80];
	_ =	sdelay $0x4  }
0xe7: {  	v0 =	vadd.f32 v5, v0;
	_ =	sdelay $0x1  }
0xe8: {  	[tilespmem:$0x1FC40] =	vst v0;
	v0 =	vld [tilespmem:s15+$0x6410];
	_ =	sdelay $0x4  }
0xe9: {  	[tilespmem:$0x1FC80] =	vst v0;
	v0 =	vld [tilespmem:$0x1F810];
	_ =	sdelay $0x4  }
0xea: {  	v0 =	vadd.f32 v0, v8;
	_ =	sdelay $0x1  }
0xeb: {  	[tilespmem:$0x1FC70] =	vst v0;
	v0 =	vadd.f32 v7, v9;
	_ =	sdelay $0x1  }
0xec: {  	[tilespmem:$0x1FC90] =	vst v0;
	v0 =	vld [tilespmem:s15+$0x6420];
	_ =	sdelay $0x4  }
0xed: {  	[tilespmem:$0x1FCB0] =	vst v0;
	v0 =	vld [tilespmem:$0x1F820];
	_ =	sdelay $0x4  }
0xee: {  	v0 =	vadd.f32 v0, v10;
	_ =	sdelay $0x1  }
0xef: {  	[tilespmem:$0x1FCC0] =	vst v0;
	v0 =	vld [tilespmem:$0x1F830];
	_ =	sdelay $0x4  }
0xf0: {  	v0 =	vadd.f32 v0, v11;
	_ =	sdelay $0x1  }
0xf1: {  	[tilespmem:$0x1FCD0] =	vst v0;
	v0 =	vld [tilespmem:$0x1F840];
	_ =	sdelay $0x4  }
0xf2: {  	v0 =	vadd.f32 v0, v12;
	_ =	sdelay $0x1  }
0xf3: {  	[tilespmem:$0x1FCF0] =	vst v0;
	v0 =	vld [tilespmem:$0x1F850];
	_ =	sdelay $0x4  }
0xf4: {  	v0 =	vadd.f32 v0, v13;
	_ =	sdelay $0x1  }
0xf5: {  	[tilespmem:$0x1FD00] =	vst v0;
	v0 =	vld [tilespmem:$0x1F860];
	_ =	sdelay $0x4  }
0xf6: {  	v0 =	vadd.f32 v0, v14;
	_ =	sdelay $0x1  }
0xf7: {  	[tilespmem:$0x1FD20] =	vst v0;
	v0 =	vld [tilespmem:$0x1F870];
	_ =	sdelay $0x4  }
0xf8: {  	v3 =	vadd.f32 v0, v15;
	v0 =	vld [tilespmem:$0x1F880];
	_ =	sdelay $0x4  }
0xf9: {  	v16 =	vadd.f32 v0, v16;
	v0 =	vld [tilespmem:$0x1F890];
	_ =	sdelay $0x4  }
0xfa: {  	v17 =	vadd.f32 v0, v17;
	v0 =	vld [tilespmem:$0x1F8A0];
	_ =	sdelay $0x4  }
0xfb: {  	v18 =	vadd.f32 v0, v18;
	v0 =	vld [tilespmem:$0x1F8B0];
	_ =	sdelay $0x4  }
0xfc: {  	v19 =	vadd.f32 v0, v19;
	v0 =	vld [tilespmem:$0x1F8C0];
	_ =	sdelay $0x4  }
0xfd: {  	v20 =	vadd.f32 v0, v20;
	v0 =	vld [tilespmem:$0x1F8D0];
	_ =	sdelay $0x4  }
0xfe: {  	v21 =	vadd.f32 v0, v21;
	v0 =	vld [tilespmem:$0x1F8E0];
	_ =	sdelay $0x4  }
0xff: {  	v22 =	vadd.f32 v0, v22;
	v0 =	vld [tilespmem:$0x1F8F0];
	_ =	sdelay $0x4  }
0x100: {  	v23 =	vadd.f32 v0, v23;
	v0 =	vld [tilespmem:$0x1F900];
	_ =	sdelay $0x4  }
0x101: {  	v24 =	vadd.f32 v0, v24;
	v0 =	vld [tilespmem:$0x1F910];
	_ =	sdelay $0x4  }
0x102: {  	v25 =	vadd.f32 v0, v25;
	v0 =	vld [tilespmem:$0x1F920];
	_ =	sdelay $0x4  }
0x103: {  	v26 =	vadd.f32 v0, v26;
	v0 =	vld [tilespmem:$0x1F930];
	_ =	sdelay $0x4  }
0x104: {  	v27 =	vadd.f32 v0, v27;
	v0 =	vld [tilespmem:$0x1F940];
	_ =	sdelay $0x4  }
0x105: {  	v28 =	vadd.f32 v0, v28;
	v0 =	vld [tilespmem:$0x1F950];
	_ =	sdelay $0x4  }
0x106: {  	v29 =	vadd.f32 v0, v29;
	v0 =	vld [tilespmem:$0x1F960];
	_ =	sdelay $0x4  }
0x107: {  	v30 =	vadd.f32 v0, v30;
	v0 =	vld [tilespmem:$0x1F970];
	_ =	sdelay $0x4  }
0x108: {  	v0 =	vadd.f32 v0, v31;
	v31 =	vld [tilespmem:$0x1FA40];
	_ =	sdelay $0x4  }
0x109: {  	v31 =	vadd.f32 v31, v44;
	_ =	sdelay $0x1  }
0x10a: {  	[tilespmem:$0x1FE20] =	vst v31;
	v31 =	vld [tilespmem:$0x1FA50];
	_ =	sdelay $0x4  }
0x10b: {  	v31 =	vadd.f32 v31, v45;
	_ =	sdelay $0x1  }
0x10c: {  	[tilespmem:$0x1FE30] =	vst v31;
	v31 =	vld [tilespmem:$0x1FA60];
	_ =	sdelay $0x4  }
0x10d: {  	v31 =	vadd.f32 v31, v46;
	_ =	sdelay $0x1  }
0x10e: {  	[tilespmem:$0x1FE40] =	vst v31;
	v31 =	vld [tilespmem:$0x1FA70];
	_ =	sdelay $0x4  }
0x10f: {  	v31 =	vadd.f32 v31, v47;
	_ =	sdelay $0x1  }
0x110: {  	[tilespmem:$0x1FE50] =	vst v31;
	v31 =	vld [tilespmem:$0x1FA80];
	_ =	sdelay $0x4  }
0x111: {  	v31 =	vadd.f32 v31, v48;
	_ =	sdelay $0x1  }
0x112: {  	[tilespmem:$0x1FE60] =	vst v31;
	v31 =	vld [tilespmem:$0x1FA90];
	_ =	sdelay $0x4  }
0x113: {  	v31 =	vadd.f32 v31, v49;
	_ =	sdelay $0x1  }
0x114: {  	[tilespmem:$0x1FE70] =	vst v31;
	v31 =	vld [tilespmem:$0x1FAA0];
	_ =	sdelay $0x4  }
0x115: {  	v31 =	vadd.f32 v31, v50;
	_ =	sdelay $0x1  }
0x116: {  	[tilespmem:$0x1FE80] =	vst v31;
	v31 =	vld [tilespmem:$0x1FAB0];
	_ =	sdelay $0x4  }
0x117: {  	v31 =	vadd.f32 v31, v51;
	_ =	sdelay $0x1  }
0x118: {  	[tilespmem:$0x1FE90] =	vst v31;
	v31 =	vld [tilespmem:$0x1FAC0];
	_ =	sdelay $0x4  }
0x119: {  	v31 =	vadd.f32 v31, v52;
	_ =	sdelay $0x1  }
0x11a: {  	[tilespmem:$0x1FEA0] =	vst v31;
	v31 =	vld [tilespmem:$0x1FAD0];
	_ =	sdelay $0x4  }
0x11b: {  	v31 =	vadd.f32 v31, v53;
	_ =	sdelay $0x1  }
0x11c: {  	[tilespmem:$0x1FEB0] =	vst v31;
	v31 =	vld [tilespmem:$0x1FAE0];
	_ =	sdelay $0x4  }
0x11d: {  	[tilespmem:$0x1FD50] =	vst v0;
	v0 =	vld [tilespmem:$0x1F980];
	v31 =	vadd.f32 v31, v54;
	_ =	sdelay $0x1  }
0x11e: {  	[tilespmem:$0x1FEC0] =	vst v31;
	v31 =	vld [tilespmem:$0x1FAF0];
	_ =	sdelay $0x2  }
0x11f: {  	v0 =	vadd.f32 v0, v32;
	_ =	sdelay $0x1  }
0x120: {  	[tilespmem:$0x1FD60] =	vst v0;
	v0 =	vld [tilespmem:$0x1F990];
	v31 =	vadd.f32 v31, v55;
	_ =	sdelay $0x1  }
0x121: {  	[tilespmem:$0x1FED0] =	vst v31;
	v31 =	vld [tilespmem:$0x1FB00];
	_ =	sdelay $0x2  }
0x122: {  	v0 =	vadd.f32 v0, v33;
	_ =	sdelay $0x1  }
0x123: {  	[tilespmem:$0x1FD70] =	vst v0;
	v0 =	vld [tilespmem:$0x1F9A0];
	v31 =	vadd.f32 v31, v56;
	_ =	sdelay $0x1  }
0x124: {  	[tilespmem:$0x1FEE0] =	vst v31;
	v31 =	vld [tilespmem:$0x1FB10];
	_ =	sdelay $0x2  }
0x125: {  	v0 =	vadd.f32 v0, v34;
	_ =	sdelay $0x1  }
0x126: {  	[tilespmem:$0x1FD80] =	vst v0;
	v0 =	vld [tilespmem:$0x1F9B0];
	v31 =	vadd.f32 v31, v57  }
0x127: {  	v51 =	vld [tilespmem:$0x1FB20]  }
0x128: {  	[tilespmem:$0x1FEF0] =	vst v31;
	v31 =	vld [tilespmem:$0x1FF90];
	_ =	sdelay $0x2  }
0x129: {  	v0 =	vadd.f32 v0, v35;
	_ =	sdelay $0x1  }
0x12a: {  	[tilespmem:$0x1FD90] =	vst v0;
	v0 =	vld [tilespmem:$0x1F9C0];
	v31 =	vadd.f32 v51, v31  }
0x12b: {  	v52 =	vld [tilespmem:$0x1FB30]  }
0x12c: {  	[tilespmem:$0x1FF00] =	vst v31;
	v31 =	vld [tilespmem:$0x1FFA0];
	_ =	sdelay $0x2  }
0x12d: {  	v60 =	vadd.f32 v1, v60;
	v1 =	vld [tilespmem:$0x1F9E0];
	v0 =	vadd.f32 v0, v36;
	_ =	sdelay $0x1  }
0x12e: {  	[tilespmem:$0x1FDA0] =	vst v0;
	v0 =	vld [tilespmem:$0x1F9D0];
	v31 =	vadd.f32 v52, v31  }
0x12f: {  	v53 =	vld [tilespmem:$0x1FB40]  }
0x130: {  	[tilespmem:$0x1FF10] =	vst v31;
	v31 =	vld [tilespmem:$0x1FFB0]  }
0x131: {  	v1 =	vadd.f32 v1, v38;
	v38 =	vld [tilespmem:$0x1FC20]  }
0x132: {  	v36 =	vld [tilespmem:$0x1FBF0]  }
0x133: {  	v0 =	vadd.f32 v0, v37;
	v37 =	vld [tilespmem:$0x1FC00]  }
0x134: {  	[tilespmem:$0x1FDC0] =	vst v1;
	v1 =	vld [tilespmem:$0x1F9F0]  }
0x135: {  	v62 =	vld [tilespmem:s15+$0x6440];
	v31 =	vadd.f32 v53, v31  }
0x136: {  	v54 =	vld [tilespmem:$0x1FB50]  }
0x137: {  	[tilespmem:$0x1FF20] =	vst v31;
	v31 =	vld [tilespmem:$0x1FFC0]  }
0x138: {  	v61 =	vadd.f32 v4, v61;
	v2 =	vld [tilespmem:s15+$0x6510];
	v33 =	vadd.f32 v36, v37  }
0x139: {  	v1 =	vadd.f32 v1, v39;
	v5 =	vld [tilespmem:s15+$0x6430]  }
0x13a: {  	[tilespmem:$0x1FC10] =	vst v33;
	v33 =	vadd.f32 v38, v61;
	v61 =	vld [tilespmem:$0x1FCD0]  }
0x13b: {  	[tilespmem:$0x1FDD0] =	vst v1;
	v1 =	vld [tilespmem:$0x1FA00]  }
0x13c: {  	v63 =	vld [tilespmem:s15+$0x6450];
	v31 =	vadd.f32 v54, v31  }
0x13d: {  	v55 =	vld [tilespmem:$0x1FB60]  }
0x13e: {  	[tilespmem:$0x1FF30] =	vst v31;
	v31 =	vld [tilespmem:$0x1FFD0]  }
0x13f: {  	v39 =	vld [tilespmem:$0x1FC30];
	v5 =	vadd.f32 v5, v61  }
0x140: {  	v1 =	vadd.f32 v1, v40;
	v40 =	vld [tilespmem:$0x1FC40]  }
0x141: {  	[tilespmem:$0x1FCE0] =	vst v5;
	v5 =	vld [tilespmem:$0x1FCF0]  }
0x142: {  	v11 =	vld [tilespmem:s15+$0x64C0]  }
0x143: {  	v13 =	vld [tilespmem:s15+$0x6480];
	v31 =	vadd.f32 v55, v31  }
0x144: {  	v56 =	vld [tilespmem:$0x1FB70]  }
0x145: {  	[tilespmem:$0x1FF40] =	vst v31;
	v31 =	vld [tilespmem:$0x1FFE0]  }
0x146: {  	v36 =	vadd.f32 v62, v5;
	v5 =	vld [tilespmem:$0x1FD00]  }
0x147: {  	v15 =	vld [tilespmem:$0x1FA20]  }
0x148: {  	v14 =	vld [tilespmem:s15+$0x6460];
	v34 =	vadd.f32 v39, v40  }
0x149: {  	v40 =	vadd.f32 v11, v20;
	v11 =	vadd.f32 v2, v25;
	v2 =	vld [tilespmem:$0x1FD50]  }
0x14a: {  	v47 =	vld [tilespmem:s15+$0x6570];
	v31 =	vadd.f32 v56, v31  }
0x14b: {  	v5 =	vadd.f32 v63, v5;
	v57 =	vld [tilespmem:$0x1FB80]  }
0x14c: {  	v15 =	vadd.f32 v15, v42;
	[tilespmem:$0x1FF50] =	vst v31;
	v31 =	vld [tilespmem:$0x1FFF0]  }
0x14d: {  	[tilespmem:$0x1FD10] =	vst v5;
	v5 =	vld [tilespmem:$0x1FD20]  }
0x14e: {  	[tilespmem:$0x1FE00] =	vst v15;
	v15 =	vld [tilespmem:$0x1FA30]  }
0x14f: {  	v45 =	vld [tilespmem:s15+$0x6550]  }
0x150: {  	v46 =	vld [tilespmem:s15+$0x6560]  }
0x151: {  	v48 =	vld [tilespmem:s15+$0x6580];
	v31 =	vadd.f32 v57, v31  }
0x152: {  	v37 =	vadd.f32 v14, v5;
	v14 =	vadd.f32 v47, v2;
	v2 =	vld [tilespmem:$0x1FD60]  }
0x153: {  	v15 =	vadd.f32 v15, v43;
	[tilespmem:$0x1FF60] =	vst v31;
	v31 =	vld [tilespmem:$0x1FB90]  }
0x154: {  	v12 =	vld [tilespmem:s15+$0x64A0]  }
0x155: {  	[tilespmem:$0x1FE10] =	vst v15;
	v15 =	vld [tilespmem:s15+$0x6530]  }
0x156: {  	v49 =	vld [tilespmem:s15+$0x6590];
	v38 =	vadd.f32 v13, v16;
	v13 =	vadd.f32 v45, v29  }
0x157: {  	v45 =	vadd.f32 v46, v30;
	v46 =	vadd.f32 v48, v2;
	v2 =	vld [tilespmem:$0x1FD70]  }
0x158: {  	v31 =	vadd.f32 v31, v58  }
0x159: {  	v58 =	vld [tilespmem:$0x1FBB0]  }
0x15a: {  	[tilespmem:$0x1FF70] =	vst v31;
	v31 =	vld [tilespmem:$0x1FBA0]  }
0x15b: {  	v39 =	vadd.f32 v12, v18;
	v50 =	vld [tilespmem:s15+$0x65A0]  }
0x15c: {  	v12 =	vadd.f32 v15, v27;
	v15 =	vadd.f32 v49, v2;
	v2 =	vld [tilespmem:$0x1FD80];
	_ =	sdelay $0x1  }
0x15d: {  	v32 =	vadd.f32 v58, v60;
	v60 =	vld [tilespmem:$0x1FBE0]  }
0x15e: {  	v31 =	vadd.f32 v31, v59;
	v59 =	vld [tilespmem:$0x1FBD0]  }
0x15f: {  	v43 =	vld [tilespmem:$0x1FC80]  }
0x160: {  	v47 =	vadd.f32 v50, v2;
	v2 =	vld [tilespmem:$0x1FD90]  }
0x161: {  	v51 =	vld [tilespmem:s15+$0x65B0]  }
0x162: {  	v58 =	vld [tilespmem:$0x1FC90]  }
0x163: {  	[tilespmem:$0x1FBC0] =	vst v32;
	v32 =	vadd.f32 v59, v60;
	v59 =	vld [tilespmem:$0x1FCB0]  }
0x164: {  	v60 =	vld [tilespmem:$0x1FCC0]  }
0x165: {  	[tilespmem:$0x1FDE0] =	vst v1;
	v1 =	vld [tilespmem:$0x1FA10]  }
0x166: {  	v5 =	vld [tilespmem:$0x1FE20]  }
0x167: {  	v16 =	vadd.f32 v51, v2;
	v2 =	vld [tilespmem:$0x1FDA0];
	v35 =	vadd.f32 v43, v58  }
0x168: {  	v52 =	vld [tilespmem:s15+$0x65C0]  }
0x169: {  	[tilespmem:$0x1FCA0] =	vst v35;
	v35 =	vadd.f32 v59, v60;
	v60 =	vld [tilespmem:s15+$0x6640]  }
0x16a: {  	v6 =	vld [tilespmem:s15+$0x6470]  }
0x16b: {  	v1 =	vadd.f32 v1, v41;
	v41 =	vld [tilespmem:$0x1FC60]  }
0x16c: {  	v9 =	vld [tilespmem:s15+$0x64D0]  }
0x16d: {  	v61 =	vld [tilespmem:s15+$0x6650]  }
0x16e: {  	v48 =	vadd.f32 v52, v2;
	v52 =	vadd.f32 v60, v5;
	v5 =	vld [tilespmem:$0x1FE30]  }
0x16f: {  	v7 =	vld [tilespmem:s15+$0x6490]  }
0x170: {  	[tilespmem:$0x1FDB0] =	vst v0;
	v62 =	vld [tilespmem:s15+$0x6660]  }
0x171: {  	v2 =	vld [tilespmem:$0x1FDB0]  }
0x172: {  	v53 =	vld [tilespmem:s15+$0x65D0]  }
0x173: {  	v9 =	vadd.f32 v9, v21;
	v21 =	vadd.f32 v61, v5;
	v5 =	vld [tilespmem:$0x1FE40]  }
0x174: {  	v10 =	vld [tilespmem:s15+$0x64E0]  }
0x175: {  	v3 =	vadd.f32 v6, v3;
	v42 =	vld [tilespmem:$0x1FC70]  }
0x176: {  	v63 =	vld [tilespmem:s15+$0x6670]  }
0x177: {  	[tilespmem:$0x1FD30] =	vst v3;
	v3 =	vadd.f32 v7, v17;
	v17 =	vadd.f32 v53, v2;
	v2 =	vld [tilespmem:$0x1FDC0]  }
0x178: {  	v53 =	vadd.f32 v62, v5;
	v5 =	vld [tilespmem:$0x1FE50]  }
0x179: {  	v54 =	vld [tilespmem:s15+$0x65E0];
	_ =	sdelay $0x1  }
0x17a: {  	v4 =	vld [tilespmem:s15+$0x64F0];
	[tilespmem:$0x1FD40] =	vst v3  }
0x17b: {  	v3 =	vld [tilespmem:s15+$0x6680];
	[tilespmem:$0x1FC50] =	vst v34;
	v34 =	vadd.f32 v41, v42  }
0x17c: {  	v41 =	vadd.f32 v10, v22;
	v22 =	vadd.f32 v63, v5;
	v5 =	vld [tilespmem:$0x1FE60]  }
0x17d: {  	v49 =	vadd.f32 v54, v2;
	v2 =	vld [tilespmem:$0x1FDD0]  }
0x17e: {  	v55 =	vld [tilespmem:s15+$0x65F0]  }
0x17f: {  	[tilespmem:$0x1FDF0] =	vst v1;
	v1 =	vld [tilespmem:s15+$0x6520]  }
0x180: {  	v10 =	vadd.f32 v4, v23;
	v4 =	vld [tilespmem:s15+$0x66A0]  }
0x181: {  	v54 =	vadd.f32 v3, v5;
	v5 =	vld [tilespmem:$0x1FE80]  }
0x182: {  	v0 =	vld [tilespmem:s15+$0x6500]  }
0x183: {  	v18 =	vadd.f32 v55, v2;
	v2 =	vld [tilespmem:$0x1FDE0]  }
0x184: {  	v56 =	vld [tilespmem:s15+$0x6600]  }
0x185: {  	v43 =	vadd.f32 v1, v26;
	v1 =	vld [tilespmem:s15+$0x66B0]  }
0x186: {  	v55 =	vadd.f32 v4, v5;
	v4 =	vld [tilespmem:$0x1FE90];
	_ =	sdelay $0x1  }
0x187: {  	v8 =	vld [tilespmem:s15+$0x64B0]  }
0x188: {  	v42 =	vadd.f32 v0, v24;
	v0 =	vld [tilespmem:s15+$0x66C0]  }
0x189: {  	v50 =	vadd.f32 v56, v2;
	v2 =	vld [tilespmem:$0x1FDF0]  }
0x18a: {  	v24 =	vadd.f32 v1, v4;
	v1 =	vld [tilespmem:$0x1FEA0]  }
0x18b: {  	v57 =	vld [tilespmem:s15+$0x6610];
	_ =	sdelay $0x1  }
0x18c: {  	v44 =	vld [tilespmem:s15+$0x6540]  }
0x18d: {  	v25 =	vld [tilespmem:s15+$0x66D0]  }
0x18e: {  	v56 =	vadd.f32 v0, v1;
	v0 =	vld [tilespmem:$0x1FEB0]  }
0x18f: {  	v8 =	vadd.f32 v8, v19;
	v19 =	vadd.f32 v57, v2;
	v2 =	vld [tilespmem:$0x1FE00]  }
0x190: {  	v58 =	vld [tilespmem:s15+$0x6620]  }
0x191: {  	v27 =	vld [tilespmem:s15+$0x66F0]  }
0x192: {  	v26 =	vld [tilespmem:s15+$0x66E0]  }
0x193: {  	v25 =	vadd.f32 v25, v0;
	v0 =	vld [tilespmem:$0x1FEC0]  }
0x194: {  	v30 =	vld [tilespmem:s15+$0x6720]  }
0x195: {  	v51 =	vadd.f32 v58, v2;
	v2 =	vld [tilespmem:$0x1FE10]  }
0x196: {  	v59 =	vld [tilespmem:s15+$0x6630]  }
0x197: {  	v1 =	vld [tilespmem:$0x1FF00]  }
0x198: {  	v57 =	vadd.f32 v26, v0;
	v0 =	vld [tilespmem:$0x1FED0];
	_ =	sdelay $0x1  }
0x199: {  	v44 =	vadd.f32 v44, v28;
	v28 =	vld [tilespmem:s15+$0x6700]  }
0x19a: {  	v20 =	vadd.f32 v59, v2;
	v2 =	vld [tilespmem:s15+$0x6730]  }
0x19b: {  	v59 =	vadd.f32 v30, v1;
	v1 =	vld [tilespmem:$0x1FF10]  }
0x19c: {  	v26 =	vadd.f32 v27, v0;
	v0 =	vld [tilespmem:$0x1FEE0]  }
0x19d: {  	v23 =	vld [tilespmem:s15+$0x6690]  }
0x19e: {  	v3 =	vld [tilespmem:$0x1FE70]  }
0x19f: {  	v29 =	vld [tilespmem:s15+$0x6710]  }
0x1a0: {  	v60 =	vld [tilespmem:s15+$0x6740]  }
0x1a1: {  	v58 =	vadd.f32 v28, v0;
	v28 =	vadd.f32 v2, v1;
	v2 =	vld [tilespmem:$0x1FF20]  }
0x1a2: {  	v61 =	vld [tilespmem:s15+$0x6750]  }
0x1a3: {  	v23 =	vadd.f32 v23, v3;
	v3 =	vld [tilespmem:s15+$0x6760]  }
0x1a4: {  	v5 =	vld [tilespmem:$0x1FF40]  }
0x1a5: {  	v0 =	vld [tilespmem:$0x1FEF0]  }
0x1a6: {  	v60 =	vadd.f32 v60, v2;
	v2 =	vld [tilespmem:$0x1FF30];
	_ =	sdelay $0x3  }
0x1a7: {  	v62 =	vld [tilespmem:s15+$0x6780];
	v27 =	vadd.f32 v29, v0  }
0x1a8: {  	v29 =	vadd.f32 v61, v2;
	v61 =	vadd.f32 v3, v5;
	v5 =	vld [tilespmem:$0x1FF60];
	_ =	sdelay $0x1  }
0x1a9: {  	v63 =	vld [tilespmem:s15+$0x6770]  }
0x1aa: {  	v4 =	vld [tilespmem:s15+$0x6790]  }
0x1ab: {  	v3 =	vld [tilespmem:$0x1FF50]  }
0x1ac: {  	v62 =	vadd.f32 v62, v5;
	v5 =	vld [tilespmem:$0x1FF70]  }
0x1ad: {  	v1 =	vld [tilespmem:s15+$0x67B0]  }
0x1ae: {  	v0 =	vld [tilespmem:s15+$0x67A0]  }
0x1af: {  	v2 =	vld [tilespmem:s15+$0x67C0]  }
0x1b0: {  	v30 =	vadd.f32 v63, v3;
	v3 =	vld [tilespmem:s15+$0x67D0]  }
0x1b1: {  	s14 =	simm.s32 $0x2000;
	s13 =	simm.s32 $0x400;
	v63 =	vadd.f32 v4, v5;
	v4 =	vld [tilespmem:s15+$0x67E0]  }
.LBB2_4:
0x1b2: {  	v6 =	vld [tilespmem:$0x1FBC0];
	_ =	sdelay $0x4  }
0x1b3: {  	v6 =	vadd.f32 v1, v6;
	_ =	sdelay $0x1  }
0x1b4: {  	[tilespmem:$0x1FBC0] =	vst v6;
	v6 =	vld [tilespmem:$0x1FC10];
	_ =	sdelay $0x4  }
0x1b5: {  	v6 =	vadd.f32 v3, v6  }
0x1b6: {  	v5 =	vld [tilespmem:s13+$0x67F0]  }
0x1b7: {  	[tilespmem:$0x1FC10] =	vst v6;
	v6 =	vld [tilespmem:$0x1FC50];
	_ =	sdelay $0x3  }
0x1b8: {  	v1 =	vld [tilespmem:s13+$0x6410]  }
0x1b9: {  	v6 =	vadd.f32 v5, v6;
	v5 =	vld [tilespmem:$0x1FCA0];
	_ =	sdelay $0x4  }
0x1ba: {  	v5 =	vadd.f32 v1, v5  }
0x1bb: {  	v3 =	vld [tilespmem:s13+$0x6430]  }
0x1bc: {  	[tilespmem:$0x1FCA0] =	vst v5;
	v5 =	vld [tilespmem:$0x1FCE0]  }
0x1bd: {  	v31 =	vadd.f32 v0, v31;
	v0 =	vld [tilespmem:s13+$0x6400];
	_ =	sdelay $0x3  }
0x1be: {  	v5 =	vadd.f32 v3, v5  }
0x1bf: {  	v34 =	vadd.f32 v0, v34;
	v0 =	vld [tilespmem:s13+$0x6450]  }
0x1c0: {  	[tilespmem:$0x1FCE0] =	vst v5;
	v5 =	vld [tilespmem:$0x1FD10]  }
0x1c1: {  	v32 =	vadd.f32 v2, v32;
	v2 =	vld [tilespmem:s13+$0x6420];
	_ =	sdelay $0x2  }
0x1c2: {  	v33 =	vadd.f32 v4, v33;
	v4 =	vld [tilespmem:s13+$0x6440]  }
0x1c3: {  	v1 =	vld [tilespmem:s13+$0x6460];
	v5 =	vadd.f32 v0, v5  }
0x1c4: {  	v35 =	vadd.f32 v2, v35;
	v2 =	vld [tilespmem:s13+$0x6470]  }
0x1c5: {  	[tilespmem:$0x1FD10] =	vst v5;
	v5 =	vld [tilespmem:$0x1FD30];
	_ =	sdelay $0x1  }
0x1c6: {  	v7 =	vld [tilespmem:s13+$0x6790]  }
0x1c7: {  	v37 =	vadd.f32 v1, v37;
	v1 =	vld [tilespmem:s13+$0x64B0]  }
0x1c8: {  	v3 =	vld [tilespmem:s13+$0x6480]  }
0x1c9: {  	v36 =	vadd.f32 v4, v36;
	v4 =	vld [tilespmem:s13+$0x6490];
	v5 =	vadd.f32 v2, v5  }
0x1ca: {  	[tilespmem:$0x1FC50] =	vst v6;
	v6 =	vld [tilespmem:s13+$0x6780]  }
0x1cb: {  	[tilespmem:$0x1FD30] =	vst v5;
	v5 =	vld [tilespmem:$0x1FD40]  }
0x1cc: {  	v8 =	vadd.f32 v1, v8;
	v1 =	vld [tilespmem:s13+$0x6500]  }
0x1cd: {  	v38 =	vadd.f32 v3, v38;
	v3 =	vld [tilespmem:s13+$0x64D0]  }
0x1ce: {  	v0 =	vld [tilespmem:s13+$0x64A0]  }
0x1cf: {  	v2 =	vld [tilespmem:s13+$0x64C0]  }
0x1d0: {  	v5 =	vadd.f32 v4, v5;
	v4 =	vld [tilespmem:s13+$0x64E0]  }
0x1d1: {  	v42 =	vadd.f32 v1, v42;
	v1 =	vld [tilespmem:s13+$0x6550]  }
0x1d2: {  	v9 =	vadd.f32 v3, v9;
	v3 =	vld [tilespmem:s13+$0x6520]  }
0x1d3: {  	v39 =	vadd.f32 v0, v39;
	v0 =	vld [tilespmem:s13+$0x64F0]  }
0x1d4: {  	v40 =	vadd.f32 v2, v40;
	v2 =	vld [tilespmem:s13+$0x6510]  }
0x1d5: {  	v41 =	vadd.f32 v4, v41;
	v4 =	vld [tilespmem:s13+$0x6530]  }
0x1d6: {  	v13 =	vadd.f32 v1, v13;
	v1 =	vld [tilespmem:s13+$0x65A0]  }
0x1d7: {  	v43 =	vadd.f32 v3, v43;
	v3 =	vld [tilespmem:s13+$0x6570]  }
0x1d8: {  	v10 =	vadd.f32 v0, v10;
	v0 =	vld [tilespmem:s13+$0x6540]  }
0x1d9: {  	v11 =	vadd.f32 v2, v11;
	v2 =	vld [tilespmem:s13+$0x6560]  }
0x1da: {  	v12 =	vadd.f32 v4, v12;
	v4 =	vld [tilespmem:s13+$0x6580]  }
0x1db: {  	v47 =	vadd.f32 v1, v47;
	v1 =	vld [tilespmem:s13+$0x65F0]  }
0x1dc: {  	v14 =	vadd.f32 v3, v14;
	v3 =	vld [tilespmem:s13+$0x65C0]  }
0x1dd: {  	v44 =	vadd.f32 v0, v44;
	v0 =	vld [tilespmem:s13+$0x6590]  }
0x1de: {  	v45 =	vadd.f32 v2, v45;
	v2 =	vld [tilespmem:s13+$0x65B0]  }
0x1df: {  	v46 =	vadd.f32 v4, v46;
	v4 =	vld [tilespmem:s13+$0x65D0]  }
0x1e0: {  	v18 =	vadd.f32 v1, v18;
	v1 =	vld [tilespmem:s13+$0x6640]  }
0x1e1: {  	v48 =	vadd.f32 v3, v48;
	v3 =	vld [tilespmem:s13+$0x6610]  }
0x1e2: {  	v15 =	vadd.f32 v0, v15;
	v0 =	vld [tilespmem:s13+$0x65E0]  }
0x1e3: {  	v16 =	vadd.f32 v2, v16;
	v2 =	vld [tilespmem:s13+$0x6600]  }
0x1e4: {  	v17 =	vadd.f32 v4, v17;
	v4 =	vld [tilespmem:s13+$0x6620]  }
0x1e5: {  	[tilespmem:$0x1FD40] =	vst v5;
	v5 =	vld [tilespmem:s13+$0x6770]  }
0x1e6: {  	v19 =	vadd.f32 v3, v19;
	v3 =	vld [tilespmem:s13+$0x6660]  }
0x1e7: {  	v49 =	vadd.f32 v0, v49;
	v0 =	vld [tilespmem:s13+$0x6630]  }
0x1e8: {  	v50 =	vadd.f32 v2, v50;
	v2 =	vld [tilespmem:s13+$0x6650]  }
0x1e9: {  	v51 =	vadd.f32 v4, v51;
	v4 =	vld [tilespmem:s13+$0x6670]  }
0x1ea: {  	v52 =	vadd.f32 v1, v52;
	v1 =	vld [tilespmem:s13+$0x6690]  }
0x1eb: {  	v53 =	vadd.f32 v3, v53;
	v3 =	vld [tilespmem:s13+$0x66B0]  }
0x1ec: {  	v20 =	vadd.f32 v0, v20;
	v0 =	vld [tilespmem:s13+$0x6680]  }
0x1ed: {  	v21 =	vadd.f32 v2, v21;
	v2 =	vld [tilespmem:s13+$0x66A0]  }
0x1ee: {  	v22 =	vadd.f32 v4, v22;
	v4 =	vld [tilespmem:s13+$0x66C0]  }
0x1ef: {  	v23 =	vadd.f32 v1, v23;
	v1 =	vld [tilespmem:s13+$0x66E0]  }
0x1f0: {  	v24 =	vadd.f32 v3, v24;
	v3 =	vld [tilespmem:s13+$0x6700]  }
0x1f1: {  	v54 =	vadd.f32 v0, v54;
	v0 =	vld [tilespmem:s13+$0x66D0]  }
0x1f2: {  	v55 =	vadd.f32 v2, v55;
	v2 =	vld [tilespmem:s13+$0x66F0]  }
0x1f3: {  	v56 =	vadd.f32 v4, v56;
	v4 =	vld [tilespmem:s13+$0x6710]  }
0x1f4: {  	v57 =	vadd.f32 v1, v57;
	v1 =	vld [tilespmem:s13+$0x6730]  }
0x1f5: {  	v58 =	vadd.f32 v3, v58;
	v3 =	vld [tilespmem:s13+$0x6750]  }
0x1f6: {  	v25 =	vadd.f32 v0, v25;
	v0 =	vld [tilespmem:s13+$0x6720]  }
0x1f7: {  	v26 =	vadd.f32 v2, v26;
	v2 =	vld [tilespmem:s13+$0x6740]  }
0x1f8: {  	p0 =	sne.s32 s14, $0x18000;
	v27 =	vadd.f32 v4, v27;
	v4 =	vld [tilespmem:s13+$0x6760]  }
.Ltmp1:
0x1f9: {  	v28 =	vadd.f32 v1, v28;
	v1 =	vld [tilespmem:s13+$0x67B0];
	(pc) =	sbr.rel @p0 .LBB2_4-.Ltmp1, $4  }
0x1fa: {  	v29 =	vadd.f32 v3, v29;
	v3 =	vld [tilespmem:s13+$0x67D0]  }
0x1fb: {  	v63 =	vadd.f32 v7, v63;
	v59 =	vadd.f32 v0, v59;
	v0 =	vld [tilespmem:s13+$0x67A0]  }
0x1fc: {  	v62 =	vadd.f32 v6, v62;
	v60 =	vadd.f32 v2, v60;
	v2 =	vld [tilespmem:s13+$0x67C0]  }
0x1fd: {  	v30 =	vadd.f32 v5, v30;
	v61 =	vadd.f32 v4, v61;
	v4 =	vld [tilespmem:s13+$0x67E0];
	s13 =	sshra.s32 s14, $0x2;
	s14 =	sadd.s32 $0x1000, s14  }
0x1fe: {  	v7 =	vld [tilespmem:s13+$0x6410];
	_ =	sdelay $0x4  }
0x1ff: {  	[tilespmem:$0x1F4D0] =	vst v7;
	v7 =	vld [tilespmem:s13+$0x6420];
	_ =	sdelay $0x4  }
0x200: {  	[tilespmem:$0x1F4E0] =	vst v7;
	v7 =	vld [tilespmem:s13+$0x6430];
	_ =	sdelay $0x4  }
0x201: {  	[tilespmem:$0x1F4F0] =	vst v7;
	v7 =	vld [tilespmem:s13+$0x6440];
	_ =	sdelay $0x4  }
0x202: {  	[tilespmem:$0x1F500] =	vst v7;
	v7 =	vld [tilespmem:s13+$0x6450];
	_ =	sdelay $0x4  }
0x203: {  	[tilespmem:$0x1F510] =	vst v7;
	v7 =	vld [tilespmem:s13+$0x6460];
	_ =	sdelay $0x4  }
0x204: {  	[tilespmem:$0x1F520] =	vst v7;
	v7 =	vld [tilespmem:s13+$0x6470];
	_ =	sdelay $0x4  }
0x205: {  	[tilespmem:$0x1F530] =	vst v7;
	v7 =	vld [tilespmem:s13+$0x6480];
	_ =	sdelay $0x4  }
0x206: {  	[tilespmem:$0x1F540] =	vst v7;
	v7 =	vld [tilespmem:s13+$0x6490];
	_ =	sdelay $0x4  }
0x207: {  	[tilespmem:$0x1F550] =	vst v7;
	v7 =	vld [tilespmem:s13+$0x64A0];
	_ =	sdelay $0x4  }
0x208: {  	[tilespmem:$0x1F560] =	vst v7;
	v7 =	vld [tilespmem:s13+$0x64B0];
	_ =	sdelay $0x4  }
0x209: {  	[tilespmem:$0x1F570] =	vst v7;
	v7 =	vld [tilespmem:s13+$0x64C0];
	_ =	sdelay $0x4  }
0x20a: {  	[tilespmem:$0x1F580] =	vst v7;
	v7 =	vld [tilespmem:s13+$0x64D0];
	_ =	sdelay $0x4  }
0x20b: {  	[tilespmem:$0x1F590] =	vst v7;
	v7 =	vld [tilespmem:s13+$0x64E0];
	_ =	sdelay $0x4  }
0x20c: {  	[tilespmem:$0x1F5A0] =	vst v7;
	v7 =	vld [tilespmem:s13+$0x64F0];
	_ =	sdelay $0x4  }
0x20d: {  	[tilespmem:$0x1F5B0] =	vst v7;
	v7 =	vld [tilespmem:s13+$0x6500];
	_ =	sdelay $0x4  }
0x20e: {  	[tilespmem:$0x1F5C0] =	vst v7;
	v7 =	vld [tilespmem:s13+$0x6510];
	_ =	sdelay $0x4  }
0x20f: {  	[tilespmem:$0x1F5D0] =	vst v7;
	v7 =	vld [tilespmem:s13+$0x6520];
	_ =	sdelay $0x4  }
0x210: {  	[tilespmem:$0x1F5E0] =	vst v7;
	v7 =	vld [tilespmem:s13+$0x6530];
	_ =	sdelay $0x4  }
0x211: {  	[tilespmem:$0x1F5F0] =	vst v7;
	v7 =	vld [tilespmem:s13+$0x6540];
	_ =	sdelay $0x4  }
0x212: {  	[tilespmem:$0x1F600] =	vst v7;
	v7 =	vld [tilespmem:s13+$0x6550];
	_ =	sdelay $0x4  }
0x213: {  	[tilespmem:$0x1F610] =	vst v7;
	v7 =	vld [tilespmem:s13+$0x6560];
	_ =	sdelay $0x4  }
0x214: {  	[tilespmem:$0x1F620] =	vst v7;
	v7 =	vld [tilespmem:s13+$0x6570];
	_ =	sdelay $0x4  }
0x215: {  	[tilespmem:$0x1F630] =	vst v7;
	v7 =	vld [tilespmem:s13+$0x6580];
	_ =	sdelay $0x4  }
0x216: {  	[tilespmem:$0x1F640] =	vst v7;
	v7 =	vld [tilespmem:s13+$0x6590];
	_ =	sdelay $0x4  }
0x217: {  	[tilespmem:$0x1F650] =	vst v7;
	v7 =	vld [tilespmem:s13+$0x65A0];
	_ =	sdelay $0x4  }
0x218: {  	[tilespmem:$0x1F660] =	vst v7;
	v7 =	vld [tilespmem:s13+$0x65B0];
	_ =	sdelay $0x4  }
0x219: {  	[tilespmem:$0x1F670] =	vst v7;
	v7 =	vld [tilespmem:s13+$0x65C0];
	_ =	sdelay $0x4  }
0x21a: {  	[tilespmem:$0x1F680] =	vst v7;
	v7 =	vld [tilespmem:s13+$0x65D0];
	_ =	sdelay $0x4  }
0x21b: {  	[tilespmem:$0x1F690] =	vst v7;
	v7 =	vld [tilespmem:s13+$0x65E0];
	_ =	sdelay $0x3  }
0x21c: {  	v5 =	vld [tilespmem:s13+$0x67F0]  }
0x21d: {  	[tilespmem:$0x1F6A0] =	vst v7;
	v7 =	vld [tilespmem:s13+$0x65F0]  }
0x21e: {  	v0 =	vadd.f32 v0, v31;
	v31 =	vld [tilespmem:s13+$0x6600]  }
0x21f: {  	v6 =	vld [tilespmem:s13+$0x6400];
	v4 =	vadd.f32 v4, v33  }
0x220: {  	v33 =	vld [tilespmem:s13+$0x6630]  }
0x221: {  	[tilespmem:$0x1F760] =	vst v4;
	v4 =	vld [tilespmem:$0x1F4D0]  }
0x222: {  	[tilespmem:$0x1F6B0] =	vst v7;
	v7 =	vld [tilespmem:$0x1FBC0]  }
0x223: {  	[tilespmem:$0x1F6C0] =	vst v31;
	v31 =	vadd.f32 v2, v32;
	v32 =	vld [tilespmem:$0x1FC10]  }
0x224: {  	v2 =	vld [tilespmem:s13+$0x6730]  }
0x225: {  	[tilespmem:$0x1F720] =	vst v31;
	v31 =	vld [tilespmem:$0x1FC50]  }
0x226: {  	[tilespmem:$0x1F6E0] =	vst v33;
	v33 =	vld [tilespmem:$0x1FD10]  }
0x227: {  	[tilespmem:$0x1F700] =	vst v0;
	v0 =	vadd.f32 v1, v7;
	v1 =	vld [tilespmem:s13+$0x6610]  }
0x228: {  	v7 =	vld [tilespmem:s13+$0x6620]  }
0x229: {  	[tilespmem:$0x1F710] =	vst v0;
	v0 =	vadd.f32 v3, v32;
	v32 =	vadd.f32 v6, v34;
	v34 =	vld [tilespmem:$0x1FCA0]  }
0x22a: {  	v6 =	vld [tilespmem:s13+$0x6640]  }
0x22b: {  	v3 =	vld [tilespmem:s13+$0x6720]  }
0x22c: {  	[tilespmem:$0x1F730] =	vst v0;
	v0 =	vadd.f32 v5, v31;
	v5 =	vld [tilespmem:$0x1F4E0]  }
0x22d: {  	[tilespmem:$0x1F740] =	vst v32;
	v31 =	vld [tilespmem:$0x1F4F0]  }
0x22e: {  	[tilespmem:$0x1F6D0] =	vst v7;
	v7 =	vld [tilespmem:$0x1FCE0]  }
0x22f: {  	v32 =	vld [tilespmem:$0x1F500];
	[tilespmem:$0x1F800] =	vst v0;
	v0 =	vadd.f32 v4, v34  }
0x230: {  	v19 =	vadd.f32 v1, v19;
	v1 =	vld [tilespmem:s13+$0x6740]  }
0x231: {  	v34 =	vld [tilespmem:$0x1F510];
	[tilespmem:$0x1F750] =	vst v0;
	v0 =	vadd.f32 v5, v35  }
0x232: {  	[tilespmem:$0x1F6F0] =	vst v6;
	v4 =	vld [tilespmem:$0x1F530]  }
0x233: {  	v6 =	vld [tilespmem:$0x1FD40];
	[tilespmem:$0x1F770] =	vst v0;
	v0 =	vadd.f32 v31, v7  }
0x234: {  	v35 =	vld [tilespmem:$0x1F520]  }
0x235: {  	v5 =	vld [tilespmem:$0x1F540];
	[tilespmem:$0x1F780] =	vst v0;
	v0 =	vadd.f32 v32, v36  }
0x236: {  	v1 =	vadd.f32 v1, v60;
	v60 =	vld [tilespmem:s13+$0x67D0]  }
0x237: {  	v7 =	vld [tilespmem:$0x1F550];
	[tilespmem:$0x1F7A0] =	vst v0;
	v0 =	vadd.f32 v34, v33  }
0x238: {  	v31 =	vld [tilespmem:$0x1F560]  }
0x239: {  	[tilespmem:$0x1F7B0] =	vst v0;
	v0 =	vadd.f32 v35, v37;
	v37 =	vld [tilespmem:$0x1FD30]  }
0x23a: {  	v36 =	vld [tilespmem:s13+$0x6650]  }
0x23b: {  	v32 =	vld [tilespmem:$0x1F570]  }
0x23c: {  	v38 =	vadd.f32 v5, v38;
	v5 =	vld [tilespmem:$0x1F590]  }
0x23d: {  	v33 =	vld [tilespmem:s13+$0x6680]  }
0x23e: {  	v39 =	vadd.f32 v31, v39;
	v31 =	vld [tilespmem:s13+$0x66A0];
	[tilespmem:$0x1F7D0] =	vst v0;
	v0 =	vadd.f32 v4, v37  }
0x23f: {  	v37 =	vadd.f32 v7, v6;
	v7 =	vld [tilespmem:$0x1F5B0]  }
0x240: {  	v34 =	vld [tilespmem:s13+$0x6670];
	[tilespmem:$0x1F7E0] =	vst v0;
	v0 =	vadd.f32 v32, v8  }
0x241: {  	v35 =	vld [tilespmem:s13+$0x6660]  }
0x242: {  	v33 =	vadd.f32 v33, v54;
	v54 =	vld [tilespmem:s13+$0x6770];
	[tilespmem:$0x1F790] =	vst v0;
	v0 =	vadd.f32 v5, v9  }
0x243: {  	v31 =	vadd.f32 v31, v55;
	v55 =	vld [tilespmem:s13+$0x6780]  }
0x244: {  	v4 =	vld [tilespmem:$0x1F580];
	[tilespmem:$0x1F7C0] =	vst v0;
	v0 =	vadd.f32 v7, v10  }
0x245: {  	v6 =	vld [tilespmem:$0x1F5A0]  }
0x246: {  	[tilespmem:$0x1F7F0] =	vst v0;
	v0 =	vld [tilespmem:$0x1F690]  }
0x247: {  	v35 =	vadd.f32 v35, v53;
	v53 =	vld [tilespmem:s13+$0x6760]  }
0x248: {  	v32 =	vld [tilespmem:s13+$0x6690]  }
0x249: {  	v8 =	vld [tilespmem:$0x1F5C0]  }
0x24a: {  	v30 =	vadd.f32 v54, v30;
	v54 =	vld [tilespmem:$0x1F710]  }
0x24b: {  	v17 =	vadd.f32 v0, v17;
	v0 =	vld [tilespmem:$0x1F6A0]  }
0x24c: {  	v9 =	vld [tilespmem:$0x1F5D0]  }
0x24d: {  	v5 =	vld [tilespmem:$0x1F5F0]  }
0x24e: {  	v40 =	vadd.f32 v4, v40;
	v4 =	vld [tilespmem:$0x1F5E0]  }
0x24f: {  	v41 =	vadd.f32 v6, v41;
	v6 =	vld [tilespmem:$0x1F600]  }
0x250: {  	v49 =	vadd.f32 v0, v49;
	v0 =	vld [tilespmem:$0x1F6B0]  }
0x251: {  	v10 =	vld [tilespmem:s13+$0x66B0]  }
0x252: {  	v7 =	vld [tilespmem:$0x1F610]  }
0x253: {  	v42 =	vadd.f32 v8, v42;
	v8 =	vld [tilespmem:s13+$0x66D0]  }
0x254: {  	v43 =	vadd.f32 v4, v43;
	v4 =	vld [tilespmem:$0x1F620]  }
0x255: {  	v18 =	vadd.f32 v0, v18;
	v0 =	vld [tilespmem:$0x1F6C0]  }
0x256: {  	v23 =	vadd.f32 v32, v23;
	v32 =	vadd.f32 v55, v62;
	v62 =	vld [tilespmem:$0x1F790]  }
0x257: {  	v2 =	vadd.f32 v2, v28;
	v11 =	vadd.f32 v9, v11;
	v9 =	vld [tilespmem:s13+$0x66C0]  }
0x258: {  	v3 =	vadd.f32 v3, v59;
	v12 =	vadd.f32 v5, v12;
	v5 =	vld [tilespmem:$0x1F630]  }
0x259: {  	v21 =	vadd.f32 v36, v21;
	v45 =	vadd.f32 v4, v45;
	v4 =	vld [tilespmem:$0x1F650]  }
0x25a: {  	v37 =	vadd.f32 v37, v38;
	v50 =	vadd.f32 v0, v50;
	v0 =	vld [tilespmem:$0x1F6D0]  }
0x25b: {  	v22 =	vadd.f32 v34, v22;
	v44 =	vadd.f32 v6, v44;
	v6 =	vld [tilespmem:$0x1F640]  }
0x25c: {  	v37 =	vadd.f32 v39, v37;
	v13 =	vadd.f32 v7, v13;
	v7 =	vld [tilespmem:s13+$0x66E0]  }
0x25d: {  	v11 =	vadd.f32 v11, v42;
	v14 =	vadd.f32 v5, v14;
	v5 =	vld [tilespmem:$0x1F660]  }
0x25e: {  	v37 =	vadd.f32 v62, v37;
	v15 =	vadd.f32 v4, v15;
	v4 =	vld [tilespmem:$0x1F670]  }
0x25f: {  	v11 =	vadd.f32 v43, v11;
	v51 =	vadd.f32 v0, v51;
	v0 =	vld [tilespmem:$0x1F6E0]  }
0x260: {  	v10 =	vadd.f32 v10, v24;
	v9 =	vadd.f32 v9, v56;
	v56 =	vld [tilespmem:s13+$0x6790]  }
0x261: {  	v38 =	vadd.f32 v40, v37;
	v40 =	vld [tilespmem:$0x1F7C0];
	v11 =	vadd.f32 v12, v11  }
0x262: {  	v8 =	vadd.f32 v8, v25;
	v46 =	vadd.f32 v6, v46;
	v6 =	vld [tilespmem:s13+$0x66F0]  }
0x263: {  	v11 =	vadd.f32 v44, v11;
	v16 =	vadd.f32 v4, v16;
	v4 =	vld [tilespmem:$0x1F680]  }
0x264: {  	v7 =	vadd.f32 v7, v57;
	v20 =	vadd.f32 v0, v20;
	v0 =	vld [tilespmem:$0x1F6F0]  }
0x265: {  	v47 =	vadd.f32 v5, v47;
	v5 =	vld [tilespmem:s13+$0x6700];
	v11 =	vadd.f32 v13, v11  }
0x266: {  	v24 =	vadd.f32 v56, v63;
	v56 =	vld [tilespmem:$0x1F730];
	v12 =	vadd.f32 v40, v38  }
0x267: {  	v6 =	vadd.f32 v6, v26;
	v11 =	vadd.f32 v45, v11;
	v45 =	vld [tilespmem:$0x1F7F0]  }
0x268: {  	v12 =	vadd.f32 v41, v12;
	v48 =	vadd.f32 v4, v48;
	v4 =	vld [tilespmem:s13+$0x6710]  }
0x269: {  	v15 =	vadd.f32 v15, v46;
	v52 =	vadd.f32 v0, v52;
	v0 =	vld [tilespmem:s13+$0x6750]  }
0x26a: {  	v11 =	vadd.f32 v14, v11;
	v5 =	vadd.f32 v5, v58;
	v58 =	vld [tilespmem:s13+$0x67B0]  }
0x26b: {  	v59 =	vld [tilespmem:s13+$0x67C0];
	v28 =	vadd.f32 v60, v56;
	v15 =	vadd.f32 v47, v15  }
0x26c: {  	v55 =	vld [tilespmem:$0x1F720];
	v47 =	vadd.f32 v23, v33;
	v12 =	vadd.f32 v45, v12  }
0x26d: {  	v57 =	vld [tilespmem:s13+$0x67A0];
	v15 =	vadd.f32 v16, v15;
	v4 =	vadd.f32 v4, v27  }
0x26e: {  	v0 =	vadd.f32 v0, v29;
	v29 =	vadd.f32 v53, v61;
	v53 =	vld [tilespmem:$0x1F700]  }
0x26f: {  	v26 =	vadd.f32 v58, v54;
	v46 =	vadd.f32 v19, v50  }
0x270: {  	v58 =	vld [tilespmem:$0x1F750];
	v15 =	vadd.f32 v48, v15;
	v4 =	vadd.f32 v4, v5  }
0x271: {  	v48 =	vadd.f32 v31, v47;
	v27 =	vadd.f32 v59, v55;
	v59 =	vld [tilespmem:$0x1F760]  }
0x272: {  	v43 =	vadd.f32 v17, v15;
	v3 =	vadd.f32 v3, v4;
	v61 =	vld [tilespmem:s13+$0x67E0]  }
0x273: {  	v50 =	vadd.f32 v10, v48;
	v25 =	vadd.f32 v57, v53;
	v57 =	vld [tilespmem:$0x1F740]  }
0x274: {  	v14 =	vadd.f32 v51, v46;
	v2 =	vadd.f32 v2, v3  }
0x275: {  	v60 =	vld [tilespmem:$0x1F770];
	v13 =	vadd.f32 v49, v43;
	v49 =	vadd.f32 v24, v32  }
0x276: {  	v54 =	vadd.f32 v9, v50;
	v1 =	vadd.f32 v1, v2  }
0x277: {  	v13 =	vadd.f32 v18, v13;
	v36 =	vadd.f32 v61, v59;
	v61 =	vld [tilespmem:$0x1F780]  }
0x278: {  	v0 =	vadd.f32 v0, v1;
	v34 =	vadd.f32 v58, v57  }
0x279: {  	v63 =	vld [tilespmem:$0x1F7A0];
	v14 =	vadd.f32 v20, v14;
	v51 =	vadd.f32 v25, v49  }
0x27a: {  	v0 =	vadd.f32 v29, v0;
	v34 =	vadd.f32 v60, v34  }
0x27b: {  	v39 =	vld [tilespmem:$0x1F7B0];
	v53 =	vadd.f32 v52, v14;
	v55 =	vadd.f32 v26, v51  }
0x27c: {  	v0 =	vadd.f32 v30, v0;
	v34 =	vadd.f32 v61, v34  }
0x27d: {  	v42 =	vld [tilespmem:$0x1F7D0];
	v57 =	vadd.f32 v8, v54;
	v58 =	vadd.f32 v27, v55  }
0x27e: {  	v56 =	vadd.f32 v21, v53;
	v34 =	vadd.f32 v63, v34;
	v63 =	vld [tilespmem:$0x1F800]  }
0x27f: {  	v44 =	vld [tilespmem:$0x1F7E0];
	[tilespmem:$0xC810] =	vst v12;
	v60 =	vadd.f32 v7, v57;
	v61 =	vadd.f32 v28, v58  }
0x280: {  	[tilespmem:$0xC820] =	vst v11;
	v59 =	vadd.f32 v35, v56;
	v16 =	vadd.f32 v39, v34  }
0x281: {  	[tilespmem:$0xC830] =	vst v13;
	v1 =	vadd.f32 v6, v60;
	v2 =	vadd.f32 v36, v61  }
0x282: {  	[tilespmem:$0xC860] =	vst v0;
	v62 =	vadd.f32 v22, v59;
	v16 =	vadd.f32 v42, v16  }
0x283: {  	[tilespmem:$0xC850] =	vst v1;
	v1 =	vadd.f32 v63, v2  }
0x284: {  	s12 =	sadd.s32 $0x1, s12;
	[tilespmem:$0xC840] =	vst v62;
	v15 =	vadd.f32 v44, v16  }
0x285: {  	p0 =	sne.s32 s12, s6;
	[tilespmem:$0xC870] =	vst v1  }
.Ltmp2:
0x286: {  	[tilespmem:$0xC800] =	vst v15;
	(pc) =	sbr.rel @p0 .LBB2_1-.Ltmp2, $4  }
0x287: {  	[hbm4b:s5+s2] =	stream.linear.scatter [tilespmem:s10], [sflag:$0x3], $0x80, $0x38;
	[tilespmem:$0xC880] =	vst v63  }
0x288: {  	_ =	swait.ge [sflag:s11], $0x80  }
0x289: {  	[sflag:s11] =	ssyncset.done $0x0  }
0x28a: {  	[sflag:s11] =	ssyncadd.s32 $0xFFFFFF80  }
0x28b: {  	_ =	sfence.sel $0x180000  }
0x28c: {  	[bflag:$0x0] =	sbarrier.arrive $0xFFFF  }
0x28d: {  	p0 =	sne.s32 s1, $0x0;
	_ =	strace $0x90000047  }
0x28e: {  	s0 =	sadd.s32 @!p0 $0x100000, s0;
	[bflag:$0x2] =	sbarrier.arrive $0xFFFF  }
0x28f: {  	[sflag:s0] =	ssyncadd.tile.s32 @!p0 $0x1;
	_ =	shalt  }
.Lfunc_end2:
_tile_overlayer_lowered:
.L_overlay_start_2:
0x290: {  	(tag) =	ssettag $0x2  }
0x291: {  	s0 =	rddreg [dreg:$0x0];
	s2 =	stileid.u32  }
0x292: {  	s1 =	rddreg [dreg:$0x1];
	p0 =	sne.s32 s2, $0x0  }
0x293: {  	s3 =	rddreg [dreg:$0x2];
	[bflag:$0x3] =	sbarrier.arrive $0xFFFF;
	s2 =	simm.s32 @!p0 $0x1C03  }
0x294: {  	[timem:s3], [sflag:s2] =	dma.local @!p0 [hbm:s0], s1  }
0x295: {  	s0 =	simm.s32 @!p0 $0x3  }
0x296: {  	_ =	swait.ge @!p0 [sflag:s0], s1  }
0x297: {  	s1 =	ssub.s32 @!p0 $0x0, s1;
	[sflag:s0] =	ssyncset.done @!p0 $0x0  }
0x298: {  	[sflag:s0] =	ssyncadd.s32 @!p0 s1  }
0x299: {  	[bflag:$0x3] =	sbarrier.arrive $0xFFFF  }
0x29a: {  	_ =	shalt  }

</sc_bundles>
